<compile_context>
chip_gen: v7x
topology: tpu7x:2x2x1
jax: 0.10.2.dev20260603
libtpu: 0.0.44.dev20260713+nightly
codegen_flags: <defaults>
</compile_context>

<pallas_src>
import functools

import jax
import jax.numpy as jnp
from jax import lax
from jax.experimental import pallas as pl
from jax.experimental.pallas import tpu as pltpu
from jax.experimental.pallas import tpu_sc as plsc

N = 10000
E = 320000
F = 128
H = 16
CLS = 41

NC = 2
NS = 16
NW = NC * NS
EPW = E // NW
N_ACC = 10112
PER_SUB = N_ACC // NS
SINK = N

PK = 8
PR = N_ACC // PK
PRN = N // PK

_mesh = plsc.VectorSubcoreMesh(core_axis_name="c", subcore_axis_name="s")


def _make_sc_agg(with_deg, C):
    CPW = -(-EPW // C)
    TAIL = EPW - (CPW - 1) * C
    out_types = [jax.ShapeDtypeStruct((NC * N_ACC, H), jnp.float32)]
    scratch = [
        pltpu.VMEM((C,), jnp.int32),
        pltpu.VMEM((C,), jnp.int32),
        pltpu.VMEM((C,), jnp.int32),
        pltpu.VMEM((C,), jnp.int32),
        pltpu.VMEM((C, H), jnp.float32),
        pltpu.VMEM((C, H), jnp.float32),
        pltpu.VMEM((PER_SUB, H), jnp.float32),
        pltpu.VMEM_SHARED((N_ACC, H), jnp.float32),
        pltpu.VMEM_SHARED((N_ACC, H), jnp.float32),
        pltpu.SemaphoreType.DMA,
        pltpu.SemaphoreType.DMA,
    ]
    if with_deg:
        out_types.append(jax.ShapeDtypeStruct((NC * N_ACC, H), jnp.float32))
        scratch += [
            pltpu.VMEM((C, H), jnp.float32),
            pltpu.VMEM_SHARED((N_ACC, H), jnp.float32),
            pltpu.SemaphoreType.DMA,
        ]

    def body(*refs):
        if with_deg:
            (tab, ei, out_agg, out_deg,
             srcb0, srcb1, dstb0, dstb1, rows0, rows1, zb, stab, acc,
             sem0, sem1, onesb, dacc, dsem) = refs
        else:
            (tab, ei, out_agg,
             srcb0, srcb1, dstb0, dstb1, rows0, rows1, zb, stab, acc,
             sem0, sem1) = refs
        srcb = [srcb0, srcb1]
        dstb = [dstb0, dstb1]
        rows = [rows0, rows1]
        sem = [sem0, sem1]
        cid = lax.axis_index("c")
        sid = lax.axis_index("s")
        wid = sid * NC + cid
        sub_rows = pl.ds(sid * PER_SUB, PER_SUB)

        pltpu.sync_copy(tab.at[sub_rows], stab.at[sub_rows])

        def zfill(i, _):
            zb[i, :] = jnp.zeros((H,), jnp.float32)
            return 0
        lax.fori_loop(0, PER_SUB, zfill, 0)
        pltpu.sync_copy(zb, acc.at[sub_rows])
        if with_deg:
            pltpu.sync_copy(zb, dacc.at[sub_rows])

            def ofill(i, _):
                onesb[i, :] = jnp.ones((H,), jnp.float32)
                return 0
            lax.fori_loop(0, C, ofill, 0)
        plsc.subcore_barrier()

        def load_idx(k):
            b = k % 2
            e0 = wid * EPW + k * C
            if k < CPW - 1:
                pltpu.sync_copy(ei.at[0, pl.ds(e0, C)], srcb[b])
                g = pltpu.async_copy(stab.at[srcb[b]], rows[b], sem[b])
                pltpu.sync_copy(ei.at[1, pl.ds(e0, C)], dstb[b])
            else:
                pltpu.sync_copy(ei.at[0, pl.ds(e0, TAIL)],
                                srcb[b].at[pl.ds(0, TAIL)])
                for t in range((C - TAIL) // 16):
                    srcb[b][pl.ds(TAIL + t * 16, 16)] = jnp.zeros(
                        (16,), jnp.int32)
                g = pltpu.async_copy(stab.at[srcb[b]], rows[b], sem[b])
                pltpu.sync_copy(ei.at[1, pl.ds(e0, TAIL)],
                                dstb[b].at[pl.ds(0, TAIL)])
                for t in range((C - TAIL) // 16):
                    dstb[b][pl.ds(TAIL + t * 16, 16)] = jnp.full(
                        (16,), SINK, jnp.int32)
            return g

        gat = load_idx(0)
        dscat = None
        for k in range(CPW):
            b = k % 2
            if dscat is not None:
                dscat.wait()
                dscat = None
            nxt = load_idx(k + 1) if k + 1 < CPW else None
            gat.wait()
            if with_deg:
                dscat = pltpu.async_copy(onesb, dacc.at[dstb[b]], dsem,
                                         add=True)
            pltpu.sync_copy(rows[b], acc.at[dstb[b]], add=True)
            gat = nxt
        if dscat is not None:
            dscat.wait()

        plsc.subcore_barrier()
        off = cid * N_ACC + sid * PER_SUB
        pltpu.sync_copy(acc.at[sub_rows], out_agg.at[pl.ds(off, PER_SUB)])
        if with_deg:
            pltpu.sync_copy(dacc.at[sub_rows],
                            out_deg.at[pl.ds(off, PER_SUB)])

    return pl.kernel(body, out_type=out_types, mesh=_mesh,
                     scratch_types=scratch,
                     compiler_params=pltpu.CompilerParams(
                         use_tc_tiling_on_sc=False))


_sc_agg_deg = _make_sc_agg(True, 1536)
_sc_agg = _make_sc_agg(False, 2048)


def _bdiag(w, blocks, rows, cols):
    t = jnp.tile(w, (blocks, blocks))
    r = lax.broadcasted_iota(jnp.int32, t.shape, 0)
    c = lax.broadcasted_iota(jnp.int32, t.shape, 1)
    return jnp.where((r // rows) == (c // cols), t, 0.0)


def _tc_mm1(xp, wn, ws):
    def body(x_ref, wn_ref, ws_ref, y_ref, s_ref):
        xb = x_ref[...]
        w8n = _bdiag(wn_ref[...], PK, F, H)
        w8s = _bdiag(ws_ref[...], PK, F, H)
        y_ref[...] = lax.dot(xb, w8n, preferred_element_type=jnp.float32)
        s_ref[...] = lax.dot(xb, w8s, preferred_element_type=jnp.float32)

    return pl.pallas_call(
        body,
        grid=(1,),
        in_specs=[
            pl.BlockSpec((PR, PK * F), lambda i: (0, 0)),
            pl.BlockSpec((F, H), lambda i: (0, 0)),
            pl.BlockSpec((F, H), lambda i: (0, 0)),
        ],
        out_specs=[
            pl.BlockSpec((PR, PK * H), lambda i: (0, 0)),
            pl.BlockSpec((PR, PK * H), lambda i: (0, 0)),
        ],
        out_shape=[jax.ShapeDtypeStruct((PR, PK * H), jnp.float32)] * 2,
    )(xp, wn, ws)


def _tc_layer1(s1p, aggp, degp, b1t):
    def body(s_ref, p0_ref, p1_ref, d0_ref, d1_ref, b_ref, h_ref, r_ref):
        r = 1.0 / jnp.maximum(d0_ref[...] + d1_ref[...], 1.0)
        h = s_ref[...] + (p0_ref[...] + p1_ref[...]) * r + b_ref[...]
        h_ref[...] = jnp.maximum(h, 0.0)
        r_ref[...] = r

    spec = pl.BlockSpec((PR, PK * H), lambda i: (0, 0))
    spec_hi = pl.BlockSpec((PR, PK * H), lambda i: (1, 0))
    return pl.pallas_call(
        body,
        grid=(1,),
        in_specs=[spec, spec, spec_hi, spec, spec_hi,
                  pl.BlockSpec((1, PK * H), lambda i: (0, 0))],
        out_specs=[spec, spec],
        out_shape=[jax.ShapeDtypeStruct((PR, PK * H), jnp.float32)] * 2,
    )(s1p, aggp, aggp, degp, degp, b1t)


def _tc_layer2(h1p, agg2p, rdp, ws2, wn2, b2t):
    def body(h_ref, q0_ref, q1_ref, r_ref, ws_ref, wn_ref, b_ref, o_ref):
        w8s = _bdiag(ws_ref[...], PK, H, CLS)
        w8n = _bdiag(wn_ref[...], PK, H, CLS)
        hn = (q0_ref[...] + q1_ref[...]) * r_ref[...]
        o = (lax.dot(h_ref[...], w8s, preferred_element_type=jnp.float32)
             + lax.dot(hn, w8n, preferred_element_type=jnp.float32)
             + b_ref[...])
        o_ref[...] = o[:PRN, :]

    spec = pl.BlockSpec((PR, PK * H), lambda i: (0, 0))
    spec_hi = pl.BlockSpec((PR, PK * H), lambda i: (1, 0))
    return pl.pallas_call(
        body,
        grid=(1,),
        in_specs=[spec, spec, spec_hi, spec,
                  pl.BlockSpec((H, CLS), lambda i: (0, 0)),
                  pl.BlockSpec((H, CLS), lambda i: (0, 0)),
                  pl.BlockSpec((1, PK * CLS), lambda i: (0, 0))],
        out_specs=pl.BlockSpec((PRN, PK * CLS), lambda i: (0, 0)),
        out_shape=jax.ShapeDtypeStruct((PRN, PK * CLS), jnp.float32),
    )(h1p, agg2p, agg2p, rdp, ws2, wn2, b2t)


def kernel(x, edge_index, W_self1, W_neigh1, b1, W_self2, W_neigh2, b2):
    xp = x.reshape(PRN, PK * F)
    y1p, s1p = _tc_mm1(xp, W_neigh1, W_self1)
    aggp, degp = _sc_agg_deg(y1p.reshape(N_ACC, H), edge_index)
    h1p, rdp = _tc_layer1(
        s1p, aggp.reshape(NC * PR, PK * H), degp.reshape(NC * PR, PK * H),
        jnp.tile(b1, PK).reshape(1, PK * H))
    (agg2p,) = _sc_agg(h1p.reshape(N_ACC, H), edge_index)
    outp = _tc_layer2(
        h1p, agg2p.reshape(NC * PR, PK * H), rdp,
        W_self2, W_neigh2, jnp.tile(b2, PK).reshape(1, PK * CLS))
    return outp.reshape(N, CLS)

# --- scband reference (transcript-rebuilt; emitter-appended) ---
"""Pipeline reference for scband-graph-sage-1872605741714 (READ-ONLY COPY).

The authoritative reference and input builder live on the scoring server;
editing this copy changes nothing except your own understanding.
"""

import jax, jax.numpy as jnp
import numpy as np

N_NODES = 10000
N_EDGES = 320000
IN_FEATS = 128
N_HIDDEN = 16
N_CLASSES = 41


def setup_inputs(seed: int = 0) -> dict:
    key = jax.random.key(seed)
    ks = jax.random.split(key, 8)
    x = jax.random.normal(ks[0], (N_NODES, IN_FEATS), dtype=jnp.float32)
    edge_index = jax.random.randint(ks[1], (2, N_EDGES), 0, N_NODES, dtype=jnp.int32)
    s1 = 1.0 / np.sqrt(IN_FEATS)
    s2 = 1.0 / np.sqrt(N_HIDDEN)
    W_self1 = jax.random.uniform(ks[2], (IN_FEATS, N_HIDDEN), dtype=jnp.float32, minval=-s1, maxval=s1)
    W_neigh1 = jax.random.uniform(ks[3], (IN_FEATS, N_HIDDEN), dtype=jnp.float32, minval=-s1, maxval=s1)
    b1 = jnp.zeros((N_HIDDEN,), dtype=jnp.float32)
    W_self2 = jax.random.uniform(ks[4], (N_HIDDEN, N_CLASSES), dtype=jnp.float32, minval=-s2, maxval=s2)
    W_neigh2 = jax.random.uniform(ks[5], (N_HIDDEN, N_CLASSES), dtype=jnp.float32, minval=-s2, maxval=s2)
    b2 = jnp.zeros((N_CLASSES,), dtype=jnp.float32)
    return {"x": x, "edge_index": edge_index, "W_self1": W_self1, "W_neigh1": W_neigh1,
            "b1": b1, "W_self2": W_self2, "W_neigh2": W_neigh2, "b2": b2}


def _sage_mean_layer(h, src, dst, W_self, W_neigh, b, n_nodes):
    # DGL SAGEConv aggregator_type='mean':
    #   rst = fc_self(h_dst) + fc_neigh(mean_{u in N(v)} h_src[u]) + bias
    msg = jnp.take(h, src, axis=0)                                   # gather [E, d]
    agg = jax.ops.segment_sum(msg, dst, num_segments=n_nodes)        # scatter-add [N, d]
    deg = jax.ops.segment_sum(jnp.ones((src.shape[0],), dtype=h.dtype), dst, num_segments=n_nodes)
    h_neigh = agg / jnp.maximum(deg, 1.0)[:, None]
    return h @ W_self + h_neigh @ W_neigh + b


def reference(x, edge_index, W_self1, W_neigh1, b1, W_self2, W_neigh2, b2):
    src = edge_index[0]
    dst = edge_index[1]
    n_nodes = x.shape[0]
    # layer 1 (in_feats -> n_hidden), activation=relu, dropout in eval mode = identity
    h = _sage_mean_layer(x, src, dst, W_self1, W_neigh1, b1, n_nodes)
    h = jax.nn.relu(h)
    # layer 2 (n_hidden -> n_classes), no activation on last layer
    h = _sage_mean_layer(h, src, dst, W_self2, W_neigh2, b2, n_nodes)
    return h

if __name__ == "__main__":
    import jax
    _d = setup_inputs()
    print(jax.jit(kernel)(*tuple(_d.values())))

</pallas_src>

<mosaic_0001>
#map = affine_map<(d0, d1) -> (0, 0)>
module attributes {stable_mosaic.version = 14 : i64} {
  func.func @body(%arg0: i32, %arg1: i32, %arg2: memref<10112x16xf32, #tpu.memory_space<hbm>>, %arg3: memref<2x320000xi32, #tpu.memory_space<hbm>>, %arg4: memref<20224x16xf32, #tpu.memory_space<hbm>>, %arg5: memref<2048xi32, #tpu.memory_space<vmem>>, %arg6: memref<2048xi32, #tpu.memory_space<vmem>>, %arg7: memref<2048xi32, #tpu.memory_space<vmem>>, %arg8: memref<2048xi32, #tpu.memory_space<vmem>>, %arg9: memref<2048x16xf32, #tpu.memory_space<vmem>>, %arg10: memref<2048x16xf32, #tpu.memory_space<vmem>>, %arg11: memref<632x16xf32, #tpu.memory_space<vmem>>, %arg12: memref<10112x16xf32, #tpu.memory_space<vmem_shared>>, %arg13: memref<10112x16xf32, #tpu.memory_space<vmem_shared>>, %arg14: memref<!tpu.dma_semaphore, #tpu.memory_space<semaphore_mem>>, %arg15: memref<!tpu.dma_semaphore, #tpu.memory_space<semaphore_mem>>) attributes {dimension_semantics = [#tpu.dimension_semantics<core_parallel>, #tpu.dimension_semantics<subcore_parallel>], iteration_bounds = array<i64: 2, 16>, scalar_prefetch = 0 : i64, scratch_operands = 11 : i64, tpu.core_type = #tpu.core_type<sc_vector_subcore>, window_params = [{transform_indices = #map}, {transform_indices = #map}, {transform_indices = #map}]} {
    %mul3A = arith.constant 2 : i32
    %mul3A_0 = arith.muli %arg1, %mul3A : i32
    %add3A = arith.addi %mul3A_0, %arg0 : i32
    %mul3A_1 = arith.constant 632 : i32
    %mul3A_2 = arith.muli %arg1, %mul3A_1 : i32
    "tpu.region"() ({
      %run_scoped3A_250 = tpu.sem_alloc : memref<!tpu.dma_semaphore, #tpu.memory_space<semaphore_mem>>
      %dma_start3A_251 = arith.constant 0 : i32
      %dma_start3A_252 = tpu.memref_slice %arg12[%mul3A_2, %dma_start3A_251] : memref<10112x16xf32, #tpu.memory_space<vmem_shared>> -> memref<632x16xf32, #tpu.memory_space<vmem_shared>>
      %dma_start3A_253 = arith.constant 0 : i32
      %dma_start3A_254 = tpu.memref_slice %arg2[%mul3A_2, %dma_start3A_253] : memref<10112x16xf32, #tpu.memory_space<hbm>> -> memref<632x16xf32, #tpu.memory_space<hbm>>
      tpu.enqueue_dma source(%dma_start3A_254 : memref<632x16xf32, #tpu.memory_space<hbm>>) target(%dma_start3A_252 : memref<632x16xf32, #tpu.memory_space<vmem_shared>>) target_semaphore(%run_scoped3A_250 : memref<!tpu.dma_semaphore, #tpu.memory_space<semaphore_mem>>)
      %dma_wait3A_255 = arith.constant 0 : i32
      %dma_wait3A_256 = tpu.memref_slice %arg12[%mul3A_2, %dma_wait3A_255] : memref<10112x16xf32, #tpu.memory_space<vmem_shared>> -> memref<632x16xf32, #tpu.memory_space<vmem_shared>>
      %dma_wait3A_257 = arith.constant 0 : i32
      %dma_wait3A_258 = tpu.memref_slice %arg2[%mul3A_2, %dma_wait3A_257] : memref<10112x16xf32, #tpu.memory_space<hbm>> -> memref<632x16xf32, #tpu.memory_space<hbm>>
      tpu.wait_dma2 semaphore(%run_scoped3A_250 : memref<!tpu.dma_semaphore, #tpu.memory_space<semaphore_mem>>) src(%dma_wait3A_258 : memref<632x16xf32, #tpu.memory_space<hbm>>) dst(%dma_wait3A_256 : memref<632x16xf32, #tpu.memory_space<vmem_shared>>)
      tpu.yield
    }) : () -> ()
    %scan3A = arith.constant 0 : i32
    %scan3A_3 = arith.constant 0 : i32
    %scan3A_4 = arith.constant 632 : i32
    %scan3A_5 = arith.addi %scan3A_3, %scan3A_4 : i32
    %scan3A_6 = arith.constant 1 : i32
    %scan3A_7 = scf.for %scan3A_250 = %scan3A_3 to %scan3A_5 step %scan3A_6 iter_args(%scan3A_251 = %scan3A) -> (i32)  : i32 {
      %broadcast_in_dim3A_252 = arith.constant 0.000000e+00 : f32
      %broadcast_in_dim3A_253 = vector.broadcast %broadcast_in_dim3A_252 : f32 to vector<16xf32>
      %swap3A_254 = arith.index_cast %scan3A_250 : i32 to index
      %swap3A_255 = arith.constant 0 : index
      %swap3A_256 = tpu.vector_load %arg11[%swap3A_254, %swap3A_255] {strides = array<i32>} : memref<632x16xf32, #tpu.memory_space<vmem>>, vector<1x16xf32>,
      %swap3A_257 = vector.shape_cast %swap3A_256 : vector<1x16xf32> to vector<16xf32>
      %swap3A_258 = vector.shape_cast %broadcast_in_dim3A_253 : vector<16xf32> to vector<1x16xf32>
      tpu.vector_store %arg11[%swap3A_254, %swap3A_255], %swap3A_258 {strides = array<i32>} : memref<632x16xf32, #tpu.memory_space<vmem>>, vector<1x16xf32>,
      %scan3A_259 = arith.constant 0 : i32
      scf.yield %scan3A_259 : i32
    }
    %scan3A_8 = arith.constant 632 : i32
    "tpu.region"() ({
      %run_scoped3A_250 = tpu.sem_alloc : memref<!tpu.dma_semaphore, #tpu.memory_space<semaphore_mem>>
      %dma_start3A_251 = arith.constant 0 : i32
      %dma_start3A_252 = tpu.memref_slice %arg13[%mul3A_2, %dma_start3A_251] : memref<10112x16xf32, #tpu.memory_space<vmem_shared>> -> memref<632x16xf32, #tpu.memory_space<vmem_shared>>
      %dma_start3A_253 = arith.constant 0 : i32
      %dma_start3A_254 = tpu.memref_slice %arg13[%mul3A_2, %dma_start3A_253] : memref<10112x16xf32, #tpu.memory_space<vmem_shared>> -> memref<632x16xf32, #tpu.memory_space<vmem_shared>>
      tpu.enqueue_dma source(%arg11 : memref<632x16xf32, #tpu.memory_space<vmem>>) target(%dma_start3A_254 : memref<632x16xf32, #tpu.memory_space<vmem_shared>>) target_semaphore(%run_scoped3A_250 : memref<!tpu.dma_semaphore, #tpu.memory_space<semaphore_mem>>)
      %dma_wait3A_255 = arith.constant 0 : i32
      %dma_wait3A_256 = tpu.memref_slice %arg13[%mul3A_2, %dma_wait3A_255] : memref<10112x16xf32, #tpu.memory_space<vmem_shared>> -> memref<632x16xf32, #tpu.memory_space<vmem_shared>>
      %dma_wait3A_257 = arith.constant 0 : i32
      %dma_wait3A_258 = tpu.memref_slice %arg13[%mul3A_2, %dma_wait3A_257] : memref<10112x16xf32, #tpu.memory_space<vmem_shared>> -> memref<632x16xf32, #tpu.memory_space<vmem_shared>>
      tpu.wait_dma2 semaphore(%run_scoped3A_250 : memref<!tpu.dma_semaphore, #tpu.memory_space<semaphore_mem>>) src(%arg11 : memref<632x16xf32, #tpu.memory_space<vmem>>) dst(%dma_wait3A_258 : memref<632x16xf32, #tpu.memory_space<vmem_shared>>)
      tpu.yield
    }) : () -> ()
    %barrier3A = arith.constant 0 : index
    tpu.barrier barrier_id(%barrier3A)
    %mul3A_9 = arith.constant 10000 : i32
    %mul3A_10 = arith.muli %add3A, %mul3A_9 : i32
    %add3A_11 = arith.constant 0 : i32
    %add3A_12 = arith.addi %mul3A_10, %add3A_11 : i32
    %run_scoped3A = arith.constant 0 : i32
    "tpu.region"() ({
      %run_scoped3A_250 = tpu.sem_alloc : memref<!tpu.dma_semaphore, #tpu.memory_space<semaphore_mem>>
      %dma_start3A_251 = tpu.memref_slice %arg3[%run_scoped3A, %add3A_12] : memref<2x320000xi32, #tpu.memory_space<hbm>> -> memref<1x2048xi32, #tpu.memory_space<hbm>>
      %dma_start3A_252 = tpu.memref_squeeze %dma_start3A_251 : memref<1x2048xi32, #tpu.memory_space<hbm>> -> memref<2048xi32, #tpu.memory_space<hbm>>
      %dma_start3A_253 = tpu.memref_slice %arg3[%run_scoped3A, %add3A_12] : memref<2x320000xi32, #tpu.memory_space<hbm>> -> memref<1x2048xi32, #tpu.memory_space<hbm>>
      %dma_start3A_254 = tpu.memref_squeeze %dma_start3A_253 : memref<1x2048xi32, #tpu.memory_space<hbm>> -> memref<2048xi32, #tpu.memory_space<hbm>>
      tpu.enqueue_dma source(%dma_start3A_254 : memref<2048xi32, #tpu.memory_space<hbm>>) target(%arg5 : memref<2048xi32, #tpu.memory_space<vmem>>) target_semaphore(%run_scoped3A_250 : memref<!tpu.dma_semaphore, #tpu.memory_space<semaphore_mem>>)
      %dma_wait3A_255 = tpu.memref_slice %arg3[%run_scoped3A, %add3A_12] : memref<2x320000xi32, #tpu.memory_space<hbm>> -> memref<1x2048xi32, #tpu.memory_space<hbm>>
      %dma_wait3A_256 = tpu.memref_squeeze %dma_wait3A_255 : memref<1x2048xi32, #tpu.memory_space<hbm>> -> memref<2048xi32, #tpu.memory_space<hbm>>
      %dma_wait3A_257 = tpu.memref_slice %arg3[%run_scoped3A, %add3A_12] : memref<2x320000xi32, #tpu.memory_space<hbm>> -> memref<1x2048xi32, #tpu.memory_space<hbm>>
      %dma_wait3A_258 = tpu.memref_squeeze %dma_wait3A_257 : memref<1x2048xi32, #tpu.memory_space<hbm>> -> memref<2048xi32, #tpu.memory_space<hbm>>
      tpu.wait_dma2 semaphore(%run_scoped3A_250 : memref<!tpu.dma_semaphore, #tpu.memory_space<semaphore_mem>>) src(%dma_wait3A_258 : memref<2048xi32, #tpu.memory_space<hbm>>) dst(%arg5 : memref<2048xi32, #tpu.memory_space<vmem>>)
      tpu.yield
    }) : () -> ()
    %dma_start3A = arith.constant 0 : i32
    %dma_start3A_13 = arith.constant 0 : i32
    %dma_start3A_14 = tpu.memref_slice %arg12[%dma_start3A, %dma_start3A_13] : memref<10112x16xf32, #tpu.memory_space<vmem_shared>> -> memref<10112x16xf32, #tpu.memory_space<vmem_shared>>
    tpu.enqueue_indirect_dma source(%dma_start3A_14 : memref<10112x16xf32, #tpu.memory_space<vmem_shared>>) target(%arg9 : memref<2048x16xf32, #tpu.memory_space<vmem>>) offsets(%arg5 : memref<2048xi32, #tpu.memory_space<vmem>>) semaphore(%arg14 : memref<!tpu.dma_semaphore, #tpu.memory_space<semaphore_mem>>)
    %run_scoped3A_15 = arith.constant 1 : i32
    "tpu.region"() ({
      %run_scoped3A_250 = tpu.sem_alloc : memref<!tpu.dma_semaphore, #tpu.memory_space<semaphore_mem>>
      %dma_start3A_251 = tpu.memref_slice %arg3[%run_scoped3A_15, %add3A_12] : memref<2x320000xi32, #tpu.memory_space<hbm>> -> memref<1x2048xi32, #tpu.memory_space<hbm>>
      %dma_start3A_252 = tpu.memref_squeeze %dma_start3A_251 : memref<1x2048xi32, #tpu.memory_space<hbm>> -> memref<2048xi32, #tpu.memory_space<hbm>>
      %dma_start3A_253 = tpu.memref_slice %arg3[%run_scoped3A_15, %add3A_12] : memref<2x320000xi32, #tpu.memory_space<hbm>> -> memref<1x2048xi32, #tpu.memory_space<hbm>>
      %dma_start3A_254 = tpu.memref_squeeze %dma_start3A_253 : memref<1x2048xi32, #tpu.memory_space<hbm>> -> memref<2048xi32, #tpu.memory_space<hbm>>
      tpu.enqueue_dma source(%dma_start3A_254 : memref<2048xi32, #tpu.memory_space<hbm>>) target(%arg7 : memref<2048xi32, #tpu.memory_space<vmem>>) target_semaphore(%run_scoped3A_250 : memref<!tpu.dma_semaphore, #tpu.memory_space<semaphore_mem>>)
      %dma_wait3A_255 = tpu.memref_slice %arg3[%run_scoped3A_15, %add3A_12] : memref<2x320000xi32, #tpu.memory_space<hbm>> -> memref<1x2048xi32, #tpu.memory_space<hbm>>
      %dma_wait3A_256 = tpu.memref_squeeze %dma_wait3A_255 : memref<1x2048xi32, #tpu.memory_space<hbm>> -> memref<2048xi32, #tpu.memory_space<hbm>>
      %dma_wait3A_257 = tpu.memref_slice %arg3[%run_scoped3A_15, %add3A_12] : memref<2x320000xi32, #tpu.memory_space<hbm>> -> memref<1x2048xi32, #tpu.memory_space<hbm>>
      %dma_wait3A_258 = tpu.memref_squeeze %dma_wait3A_257 : memref<1x2048xi32, #tpu.memory_space<hbm>> -> memref<2048xi32, #tpu.memory_space<hbm>>
      tpu.wait_dma2 semaphore(%run_scoped3A_250 : memref<!tpu.dma_semaphore, #tpu.memory_space<semaphore_mem>>) src(%dma_wait3A_258 : memref<2048xi32, #tpu.memory_space<hbm>>) dst(%arg7 : memref<2048xi32, #tpu.memory_space<vmem>>)
      tpu.yield
    }) : () -> ()
    %mul3A_16 = arith.constant 10000 : i32
    %mul3A_17 = arith.muli %add3A, %mul3A_16 : i32
    %add3A_18 = arith.constant 2048 : i32
    %add3A_19 = arith.addi %mul3A_17, %add3A_18 : i32
    %run_scoped3A_20 = arith.constant 0 : i32
    "tpu.region"() ({
      %run_scoped3A_250 = tpu.sem_alloc : memref<!tpu.dma_semaphore, #tpu.memory_space<semaphore_mem>>
      %dma_start3A_251 = tpu.memref_slice %arg3[%run_scoped3A_20, %add3A_19] : memref<2x320000xi32, #tpu.memory_space<hbm>> -> memref<1x2048xi32, #tpu.memory_space<hbm>>
      %dma_start3A_252 = tpu.memref_squeeze %dma_start3A_251 : memref<1x2048xi32, #tpu.memory_space<hbm>> -> memref<2048xi32, #tpu.memory_space<hbm>>
      %dma_start3A_253 = tpu.memref_slice %arg3[%run_scoped3A_20, %add3A_19] : memref<2x320000xi32, #tpu.memory_space<hbm>> -> memref<1x2048xi32, #tpu.memory_space<hbm>>
      %dma_start3A_254 = tpu.memref_squeeze %dma_start3A_253 : memref<1x2048xi32, #tpu.memory_space<hbm>> -> memref<2048xi32, #tpu.memory_space<hbm>>
      tpu.enqueue_dma source(%dma_start3A_254 : memref<2048xi32, #tpu.memory_space<hbm>>) target(%arg6 : memref<2048xi32, #tpu.memory_space<vmem>>) target_semaphore(%run_scoped3A_250 : memref<!tpu.dma_semaphore, #tpu.memory_space<semaphore_mem>>)
      %dma_wait3A_255 = tpu.memref_slice %arg3[%run_scoped3A_20, %add3A_19] : memref<2x320000xi32, #tpu.memory_space<hbm>> -> memref<1x2048xi32, #tpu.memory_space<hbm>>
      %dma_wait3A_256 = tpu.memref_squeeze %dma_wait3A_255 : memref<1x2048xi32, #tpu.memory_space<hbm>> -> memref<2048xi32, #tpu.memory_space<hbm>>
      %dma_wait3A_257 = tpu.memref_slice %arg3[%run_scoped3A_20, %add3A_19] : memref<2x320000xi32, #tpu.memory_space<hbm>> -> memref<1x2048xi32, #tpu.memory_space<hbm>>
      %dma_wait3A_258 = tpu.memref_squeeze %dma_wait3A_257 : memref<1x2048xi32, #tpu.memory_space<hbm>> -> memref<2048xi32, #tpu.memory_space<hbm>>
      tpu.wait_dma2 semaphore(%run_scoped3A_250 : memref<!tpu.dma_semaphore, #tpu.memory_space<semaphore_mem>>) src(%dma_wait3A_258 : memref<2048xi32, #tpu.memory_space<hbm>>) dst(%arg6 : memref<2048xi32, #tpu.memory_space<vmem>>)
      tpu.yield
    }) : () -> ()
    %dma_start3A_21 = arith.constant 0 : i32
    %dma_start3A_22 = arith.constant 0 : i32
    %dma_start3A_23 = tpu.memref_slice %arg12[%dma_start3A_21, %dma_start3A_22] : memref<10112x16xf32, #tpu.memory_space<vmem_shared>> -> memref<10112x16xf32, #tpu.memory_space<vmem_shared>>
    tpu.enqueue_indirect_dma source(%dma_start3A_23 : memref<10112x16xf32, #tpu.memory_space<vmem_shared>>) target(%arg10 : memref<2048x16xf32, #tpu.memory_space<vmem>>) offsets(%arg6 : memref<2048xi32, #tpu.memory_space<vmem>>) semaphore(%arg15 : memref<!tpu.dma_semaphore, #tpu.memory_space<semaphore_mem>>)
    %run_scoped3A_24 = arith.constant 1 : i32
    "tpu.region"() ({
      %run_scoped3A_250 = tpu.sem_alloc : memref<!tpu.dma_semaphore, #tpu.memory_space<semaphore_mem>>
      %dma_start3A_251 = tpu.memref_slice %arg3[%run_scoped3A_24, %add3A_19] : memref<2x320000xi32, #tpu.memory_space<hbm>> -> memref<1x2048xi32, #tpu.memory_space<hbm>>
      %dma_start3A_252 = tpu.memref_squeeze %dma_start3A_251 : memref<1x2048xi32, #tpu.memory_space<hbm>> -> memref<2048xi32, #tpu.memory_space<hbm>>
      %dma_start3A_253 = tpu.memref_slice %arg3[%run_scoped3A_24, %add3A_19] : memref<2x320000xi32, #tpu.memory_space<hbm>> -> memref<1x2048xi32, #tpu.memory_space<hbm>>
      %dma_start3A_254 = tpu.memref_squeeze %dma_start3A_253 : memref<1x2048xi32, #tpu.memory_space<hbm>> -> memref<2048xi32, #tpu.memory_space<hbm>>
      tpu.enqueue_dma source(%dma_start3A_254 : memref<2048xi32, #tpu.memory_space<hbm>>) target(%arg8 : memref<2048xi32, #tpu.memory_space<vmem>>) target_semaphore(%run_scoped3A_250 : memref<!tpu.dma_semaphore, #tpu.memory_space<semaphore_mem>>)
      %dma_wait3A_255 = tpu.memref_slice %arg3[%run_scoped3A_24, %add3A_19] : memref<2x320000xi32, #tpu.memory_space<hbm>> -> memref<1x2048xi32, #tpu.memory_space<hbm>>
      %dma_wait3A_256 = tpu.memref_squeeze %dma_wait3A_255 : memref<1x2048xi32, #tpu.memory_space<hbm>> -> memref<2048xi32, #tpu.memory_space<hbm>>
      %dma_wait3A_257 = tpu.memref_slice %arg3[%run_scoped3A_24, %add3A_19] : memref<2x320000xi32, #tpu.memory_space<hbm>> -> memref<1x2048xi32, #tpu.memory_space<hbm>>
      %dma_wait3A_258 = tpu.memref_squeeze %dma_wait3A_257 : memref<1x2048xi32, #tpu.memory_space<hbm>> -> memref<2048xi32, #tpu.memory_space<hbm>>
      tpu.wait_dma2 semaphore(%run_scoped3A_250 : memref<!tpu.dma_semaphore, #tpu.memory_space<semaphore_mem>>) src(%dma_wait3A_258 : memref<2048xi32, #tpu.memory_space<hbm>>) dst(%arg8 : memref<2048xi32, #tpu.memory_space<vmem>>)
      tpu.yield
    }) : () -> ()
    %dma_wait3A = arith.constant 0 : i32
    %dma_wait3A_25 = arith.constant 0 : i32
    %dma_wait3A_26 = tpu.memref_slice %arg12[%dma_wait3A, %dma_wait3A_25] : memref<10112x16xf32, #tpu.memory_space<vmem_shared>> -> memref<10112x16xf32, #tpu.memory_space<vmem_shared>>
    tpu.wait_indirect_dma semaphore(%arg14 : memref<!tpu.dma_semaphore, #tpu.memory_space<semaphore_mem>>) src(%dma_wait3A_26 : memref<10112x16xf32, #tpu.memory_space<vmem_shared>>) dst(%arg9 : memref<2048x16xf32, #tpu.memory_space<vmem>>)
    "tpu.region"() ({
      %run_scoped3A_250 = tpu.sem_alloc : memref<!tpu.dma_semaphore, #tpu.memory_space<semaphore_mem>>
      %dma_start3A_251 = arith.constant 0 : i32
      %dma_start3A_252 = arith.constant 0 : i32
      %dma_start3A_253 = tpu.memref_slice %arg13[%dma_start3A_251, %dma_start3A_252] : memref<10112x16xf32, #tpu.memory_space<vmem_shared>> -> memref<10112x16xf32, #tpu.memory_space<vmem_shared>>
      tpu.enqueue_indirect_dma source(%arg9 : memref<2048x16xf32, #tpu.memory_space<vmem>>) target(%dma_start3A_253 : memref<10112x16xf32, #tpu.memory_space<vmem_shared>>) offsets(%arg7 : memref<2048xi32, #tpu.memory_space<vmem>>) semaphore(%run_scoped3A_250 : memref<!tpu.dma_semaphore, #tpu.memory_space<semaphore_mem>>) {add = true}
      %dma_wait3A_254 = arith.constant 0 : i32
      %dma_wait3A_255 = arith.constant 0 : i32
      %dma_wait3A_256 = tpu.memref_slice %arg13[%dma_wait3A_254, %dma_wait3A_255] : memref<10112x16xf32, #tpu.memory_space<vmem_shared>> -> memref<10112x16xf32, #tpu.memory_space<vmem_shared>>
      tpu.wait_indirect_dma semaphore(%run_scoped3A_250 : memref<!tpu.dma_semaphore, #tpu.memory_space<semaphore_mem>>) src(%arg9 : memref<2048x16xf32, #tpu.memory_space<vmem>>) dst(%dma_wait3A_256 : memref<10112x16xf32, #tpu.memory_space<vmem_shared>>)
      tpu.yield
    }) : () -> ()
    %mul3A_27 = arith.constant 10000 : i32
    %mul3A_28 = arith.muli %add3A, %mul3A_27 : i32
    %add3A_29 = arith.constant 4096 : i32
    %add3A_30 = arith.addi %mul3A_28, %add3A_29 : i32
    %run_scoped3A_31 = arith.constant 0 : i32
    "tpu.region"() ({
      %run_scoped3A_250 = tpu.sem_alloc : memref<!tpu.dma_semaphore, #tpu.memory_space<semaphore_mem>>
      %dma_start3A_251 = tpu.memref_slice %arg3[%run_scoped3A_31, %add3A_30] : memref<2x320000xi32, #tpu.memory_space<hbm>> -> memref<1x2048xi32, #tpu.memory_space<hbm>>
      %dma_start3A_252 = tpu.memref_squeeze %dma_start3A_251 : memref<1x2048xi32, #tpu.memory_space<hbm>> -> memref<2048xi32, #tpu.memory_space<hbm>>
      %dma_start3A_253 = tpu.memref_slice %arg3[%run_scoped3A_31, %add3A_30] : memref<2x320000xi32, #tpu.memory_space<hbm>> -> memref<1x2048xi32, #tpu.memory_space<hbm>>
      %dma_start3A_254 = tpu.memref_squeeze %dma_start3A_253 : memref<1x2048xi32, #tpu.memory_space<hbm>> -> memref<2048xi32, #tpu.memory_space<hbm>>
      tpu.enqueue_dma source(%dma_start3A_254 : memref<2048xi32, #tpu.memory_space<hbm>>) target(%arg5 : memref<2048xi32, #tpu.memory_space<vmem>>) target_semaphore(%run_scoped3A_250 : memref<!tpu.dma_semaphore, #tpu.memory_space<semaphore_mem>>)
      %dma_wait3A_255 = tpu.memref_slice %arg3[%run_scoped3A_31, %add3A_30] : memref<2x320000xi32, #tpu.memory_space<hbm>> -> memref<1x2048xi32, #tpu.memory_space<hbm>>
      %dma_wait3A_256 = tpu.memref_squeeze %dma_wait3A_255 : memref<1x2048xi32, #tpu.memory_space<hbm>> -> memref<2048xi32, #tpu.memory_space<hbm>>
      %dma_wait3A_257 = tpu.memref_slice %arg3[%run_scoped3A_31, %add3A_30] : memref<2x320000xi32, #tpu.memory_space<hbm>> -> memref<1x2048xi32, #tpu.memory_space<hbm>>
      %dma_wait3A_258 = tpu.memref_squeeze %dma_wait3A_257 : memref<1x2048xi32, #tpu.memory_space<hbm>> -> memref<2048xi32, #tpu.memory_space<hbm>>
      tpu.wait_dma2 semaphore(%run_scoped3A_250 : memref<!tpu.dma_semaphore, #tpu.memory_space<semaphore_mem>>) src(%dma_wait3A_258 : memref<2048xi32, #tpu.memory_space<hbm>>) dst(%arg5 : memref<2048xi32, #tpu.memory_space<vmem>>)
      tpu.yield
    }) : () -> ()
    %dma_start3A_32 = arith.constant 0 : i32
    %dma_start3A_33 = arith.constant 0 : i32
    %dma_start3A_34 = tpu.memref_slice %arg12[%dma_start3A_32, %dma_start3A_33] : memref<10112x16xf32, #tpu.memory_space<vmem_shared>> -> memref<10112x16xf32, #tpu.memory_space<vmem_shared>>
    tpu.enqueue_indirect_dma source(%dma_start3A_34 : memref<10112x16xf32, #tpu.memory_space<vmem_shared>>) target(%arg9 : memref<2048x16xf32, #tpu.memory_space<vmem>>) offsets(%arg5 : memref<2048xi32, #tpu.memory_space<vmem>>) semaphore(%arg14 : memref<!tpu.dma_semaphore, #tpu.memory_space<semaphore_mem>>)
    %run_scoped3A_35 = arith.constant 1 : i32
    "tpu.region"() ({
      %run_scoped3A_250 = tpu.sem_alloc : memref<!tpu.dma_semaphore, #tpu.memory_space<semaphore_mem>>
      %dma_start3A_251 = tpu.memref_slice %arg3[%run_scoped3A_35, %add3A_30] : memref<2x320000xi32, #tpu.memory_space<hbm>> -> memref<1x2048xi32, #tpu.memory_space<hbm>>
      %dma_start3A_252 = tpu.memref_squeeze %dma_start3A_251 : memref<1x2048xi32, #tpu.memory_space<hbm>> -> memref<2048xi32, #tpu.memory_space<hbm>>
      %dma_start3A_253 = tpu.memref_slice %arg3[%run_scoped3A_35, %add3A_30] : memref<2x320000xi32, #tpu.memory_space<hbm>> -> memref<1x2048xi32, #tpu.memory_space<hbm>>
      %dma_start3A_254 = tpu.memref_squeeze %dma_start3A_253 : memref<1x2048xi32, #tpu.memory_space<hbm>> -> memref<2048xi32, #tpu.memory_space<hbm>>
      tpu.enqueue_dma source(%dma_start3A_254 : memref<2048xi32, #tpu.memory_space<hbm>>) target(%arg7 : memref<2048xi32, #tpu.memory_space<vmem>>) target_semaphore(%run_scoped3A_250 : memref<!tpu.dma_semaphore, #tpu.memory_space<semaphore_mem>>)
      %dma_wait3A_255 = tpu.memref_slice %arg3[%run_scoped3A_35, %add3A_30] : memref<2x320000xi32, #tpu.memory_space<hbm>> -> memref<1x2048xi32, #tpu.memory_space<hbm>>
      %dma_wait3A_256 = tpu.memref_squeeze %dma_wait3A_255 : memref<1x2048xi32, #tpu.memory_space<hbm>> -> memref<2048xi32, #tpu.memory_space<hbm>>
      %dma_wait3A_257 = tpu.memref_slice %arg3[%run_scoped3A_35, %add3A_30] : memref<2x320000xi32, #tpu.memory_space<hbm>> -> memref<1x2048xi32, #tpu.memory_space<hbm>>
      %dma_wait3A_258 = tpu.memref_squeeze %dma_wait3A_257 : memref<1x2048xi32, #tpu.memory_space<hbm>> -> memref<2048xi32, #tpu.memory_space<hbm>>
      tpu.wait_dma2 semaphore(%run_scoped3A_250 : memref<!tpu.dma_semaphore, #tpu.memory_space<semaphore_mem>>) src(%dma_wait3A_258 : memref<2048xi32, #tpu.memory_space<hbm>>) dst(%arg7 : memref<2048xi32, #tpu.memory_space<vmem>>)
      tpu.yield
    }) : () -> ()
    %dma_wait3A_36 = arith.constant 0 : i32
    %dma_wait3A_37 = arith.constant 0 : i32
    %dma_wait3A_38 = tpu.memref_slice %arg12[%dma_wait3A_36, %dma_wait3A_37] : memref<10112x16xf32, #tpu.memory_space<vmem_shared>> -> memref<10112x16xf32, #tpu.memory_space<vmem_shared>>
    tpu.wait_indirect_dma semaphore(%arg15 : memref<!tpu.dma_semaphore, #tpu.memory_space<semaphore_mem>>) src(%dma_wait3A_38 : memref<10112x16xf32, #tpu.memory_space<vmem_shared>>) dst(%arg10 : memref<2048x16xf32, #tpu.memory_space<vmem>>)
    "tpu.region"() ({
      %run_scoped3A_250 = tpu.sem_alloc : memref<!tpu.dma_semaphore, #tpu.memory_space<semaphore_mem>>
      %dma_start3A_251 = arith.constant 0 : i32
      %dma_start3A_252 = arith.constant 0 : i32
      %dma_start3A_253 = tpu.memref_slice %arg13[%dma_start3A_251, %dma_start3A_252] : memref<10112x16xf32, #tpu.memory_space<vmem_shared>> -> memref<10112x16xf32, #tpu.memory_space<vmem_shared>>
      tpu.enqueue_indirect_dma source(%arg10 : memref<2048x16xf32, #tpu.memory_space<vmem>>) target(%dma_start3A_253 : memref<10112x16xf32, #tpu.memory_space<vmem_shared>>) offsets(%arg8 : memref<2048xi32, #tpu.memory_space<vmem>>) semaphore(%run_scoped3A_250 : memref<!tpu.dma_semaphore, #tpu.memory_space<semaphore_mem>>) {add = true}
      %dma_wait3A_254 = arith.constant 0 : i32
      %dma_wait3A_255 = arith.constant 0 : i32
      %dma_wait3A_256 = tpu.memref_slice %arg13[%dma_wait3A_254, %dma_wait3A_255] : memref<10112x16xf32, #tpu.memory_space<vmem_shared>> -> memref<10112x16xf32, #tpu.memory_space<vmem_shared>>
      tpu.wait_indirect_dma semaphore(%run_scoped3A_250 : memref<!tpu.dma_semaphore, #tpu.memory_space<semaphore_mem>>) src(%arg10 : memref<2048x16xf32, #tpu.memory_space<vmem>>) dst(%dma_wait3A_256 : memref<10112x16xf32, #tpu.memory_space<vmem_shared>>)
      tpu.yield
    }) : () -> ()
    %mul3A_39 = arith.constant 10000 : i32
    %mul3A_40 = arith.muli %add3A, %mul3A_39 : i32
    %add3A_41 = arith.constant 6144 : i32
    %add3A_42 = arith.addi %mul3A_40, %add3A_41 : i32
    %run_scoped3A_43 = arith.constant 0 : i32
    "tpu.region"() ({
      %run_scoped3A_250 = tpu.sem_alloc : memref<!tpu.dma_semaphore, #tpu.memory_space<semaphore_mem>>
      %dma_start3A_251 = tpu.memref_slice %arg3[%run_scoped3A_43, %add3A_42] : memref<2x320000xi32, #tpu.memory_space<hbm>> -> memref<1x2048xi32, #tpu.memory_space<hbm>>
      %dma_start3A_252 = tpu.memref_squeeze %dma_start3A_251 : memref<1x2048xi32, #tpu.memory_space<hbm>> -> memref<2048xi32, #tpu.memory_space<hbm>>
      %dma_start3A_253 = tpu.memref_slice %arg3[%run_scoped3A_43, %add3A_42] : memref<2x320000xi32, #tpu.memory_space<hbm>> -> memref<1x2048xi32, #tpu.memory_space<hbm>>
      %dma_start3A_254 = tpu.memref_squeeze %dma_start3A_253 : memref<1x2048xi32, #tpu.memory_space<hbm>> -> memref<2048xi32, #tpu.memory_space<hbm>>
      tpu.enqueue_dma source(%dma_start3A_254 : memref<2048xi32, #tpu.memory_space<hbm>>) target(%arg6 : memref<2048xi32, #tpu.memory_space<vmem>>) target_semaphore(%run_scoped3A_250 : memref<!tpu.dma_semaphore, #tpu.memory_space<semaphore_mem>>)
      %dma_wait3A_255 = tpu.memref_slice %arg3[%run_scoped3A_43, %add3A_42] : memref<2x320000xi32, #tpu.memory_space<hbm>> -> memref<1x2048xi32, #tpu.memory_space<hbm>>
      %dma_wait3A_256 = tpu.memref_squeeze %dma_wait3A_255 : memref<1x2048xi32, #tpu.memory_space<hbm>> -> memref<2048xi32, #tpu.memory_space<hbm>>
      %dma_wait3A_257 = tpu.memref_slice %arg3[%run_scoped3A_43, %add3A_42] : memref<2x320000xi32, #tpu.memory_space<hbm>> -> memref<1x2048xi32, #tpu.memory_space<hbm>>
      %dma_wait3A_258 = tpu.memref_squeeze %dma_wait3A_257 : memref<1x2048xi32, #tpu.memory_space<hbm>> -> memref<2048xi32, #tpu.memory_space<hbm>>
      tpu.wait_dma2 semaphore(%run_scoped3A_250 : memref<!tpu.dma_semaphore, #tpu.memory_space<semaphore_mem>>) src(%dma_wait3A_258 : memref<2048xi32, #tpu.memory_space<hbm>>) dst(%arg6 : memref<2048xi32, #tpu.memory_space<vmem>>)
      tpu.yield
    }) : () -> ()
    %dma_start3A_44 = arith.constant 0 : i32
    %dma_start3A_45 = arith.constant 0 : i32
    %dma_start3A_46 = tpu.memref_slice %arg12[%dma_start3A_44, %dma_start3A_45] : memref<10112x16xf32, #tpu.memory_space<vmem_shared>> -> memref<10112x16xf32, #tpu.memory_space<vmem_shared>>
    tpu.enqueue_indirect_dma source(%dma_start3A_46 : memref<10112x16xf32, #tpu.memory_space<vmem_shared>>) target(%arg10 : memref<2048x16xf32, #tpu.memory_space<vmem>>) offsets(%arg6 : memref<2048xi32, #tpu.memory_space<vmem>>) semaphore(%arg15 : memref<!tpu.dma_semaphore, #tpu.memory_space<semaphore_mem>>)
    %run_scoped3A_47 = arith.constant 1 : i32
    "tpu.region"() ({
      %run_scoped3A_250 = tpu.sem_alloc : memref<!tpu.dma_semaphore, #tpu.memory_space<semaphore_mem>>
      %dma_start3A_251 = tpu.memref_slice %arg3[%run_scoped3A_47, %add3A_42] : memref<2x320000xi32, #tpu.memory_space<hbm>> -> memref<1x2048xi32, #tpu.memory_space<hbm>>
      %dma_start3A_252 = tpu.memref_squeeze %dma_start3A_251 : memref<1x2048xi32, #tpu.memory_space<hbm>> -> memref<2048xi32, #tpu.memory_space<hbm>>
      %dma_start3A_253 = tpu.memref_slice %arg3[%run_scoped3A_47, %add3A_42] : memref<2x320000xi32, #tpu.memory_space<hbm>> -> memref<1x2048xi32, #tpu.memory_space<hbm>>
      %dma_start3A_254 = tpu.memref_squeeze %dma_start3A_253 : memref<1x2048xi32, #tpu.memory_space<hbm>> -> memref<2048xi32, #tpu.memory_space<hbm>>
      tpu.enqueue_dma source(%dma_start3A_254 : memref<2048xi32, #tpu.memory_space<hbm>>) target(%arg8 : memref<2048xi32, #tpu.memory_space<vmem>>) target_semaphore(%run_scoped3A_250 : memref<!tpu.dma_semaphore, #tpu.memory_space<semaphore_mem>>)
      %dma_wait3A_255 = tpu.memref_slice %arg3[%run_scoped3A_47, %add3A_42] : memref<2x320000xi32, #tpu.memory_space<hbm>> -> memref<1x2048xi32, #tpu.memory_space<hbm>>
      %dma_wait3A_256 = tpu.memref_squeeze %dma_wait3A_255 : memref<1x2048xi32, #tpu.memory_space<hbm>> -> memref<2048xi32, #tpu.memory_space<hbm>>
      %dma_wait3A_257 = tpu.memref_slice %arg3[%run_scoped3A_47, %add3A_42] : memref<2x320000xi32, #tpu.memory_space<hbm>> -> memref<1x2048xi32, #tpu.memory_space<hbm>>
      %dma_wait3A_258 = tpu.memref_squeeze %dma_wait3A_257 : memref<1x2048xi32, #tpu.memory_space<hbm>> -> memref<2048xi32, #tpu.memory_space<hbm>>
      tpu.wait_dma2 semaphore(%run_scoped3A_250 : memref<!tpu.dma_semaphore, #tpu.memory_space<semaphore_mem>>) src(%dma_wait3A_258 : memref<2048xi32, #tpu.memory_space<hbm>>) dst(%arg8 : memref<2048xi32, #tpu.memory_space<vmem>>)
      tpu.yield
    }) : () -> ()
    %dma_wait3A_48 = arith.constant 0 : i32
    %dma_wait3A_49 = arith.constant 0 : i32
    %dma_wait3A_50 = tpu.memref_slice %arg12[%dma_wait3A_48, %dma_wait3A_49] : memref<10112x16xf32, #tpu.memory_space<vmem_shared>> -> memref<10112x16xf32, #tpu.memory_space<vmem_shared>>
    tpu.wait_indirect_dma semaphore(%arg14 : memref<!tpu.dma_semaphore, #tpu.memory_space<semaphore_mem>>) src(%dma_wait3A_50 : memref<10112x16xf32, #tpu.memory_space<vmem_shared>>) dst(%arg9 : memref<2048x16xf32, #tpu.memory_space<vmem>>)
    "tpu.region"() ({
      %run_scoped3A_250 = tpu.sem_alloc : memref<!tpu.dma_semaphore, #tpu.memory_space<semaphore_mem>>
      %dma_start3A_251 = arith.constant 0 : i32
      %dma_start3A_252 = arith.constant 0 : i32
      %dma_start3A_253 = tpu.memref_slice %arg13[%dma_start3A_251, %dma_start3A_252] : memref<10112x16xf32, #tpu.memory_space<vmem_shared>> -> memref<10112x16xf32, #tpu.memory_space<vmem_shared>>
      tpu.enqueue_indirect_dma source(%arg9 : memref<2048x16xf32, #tpu.memory_space<vmem>>) target(%dma_start3A_253 : memref<10112x16xf32, #tpu.memory_space<vmem_shared>>) offsets(%arg7 : memref<2048xi32, #tpu.memory_space<vmem>>) semaphore(%run_scoped3A_250 : memref<!tpu.dma_semaphore, #tpu.memory_space<semaphore_mem>>) {add = true}
      %dma_wait3A_254 = arith.constant 0 : i32
      %dma_wait3A_255 = arith.constant 0 : i32
      %dma_wait3A_256 = tpu.memref_slice %arg13[%dma_wait3A_254, %dma_wait3A_255] : memref<10112x16xf32, #tpu.memory_space<vmem_shared>> -> memref<10112x16xf32, #tpu.memory_space<vmem_shared>>
      tpu.wait_indirect_dma semaphore(%run_scoped3A_250 : memref<!tpu.dma_semaphore, #tpu.memory_space<semaphore_mem>>) src(%arg9 : memref<2048x16xf32, #tpu.memory_space<vmem>>) dst(%dma_wait3A_256 : memref<10112x16xf32, #tpu.memory_space<vmem_shared>>)
      tpu.yield
    }) : () -> ()
    %mul3A_51 = arith.constant 10000 : i32
    %mul3A_52 = arith.muli %add3A, %mul3A_51 : i32
    %add3A_53 = arith.constant 8192 : i32
    %add3A_54 = arith.addi %mul3A_52, %add3A_53 : i32
    %run_scoped3A_55 = arith.constant 0 : i32
    "tpu.region"() ({
      %run_scoped3A_250 = tpu.sem_alloc : memref<!tpu.dma_semaphore, #tpu.memory_space<semaphore_mem>>
      %dma_start3A_251 = arith.constant 0 : i32
      %dma_start3A_252 = tpu.memref_slice %arg5[%dma_start3A_251] : memref<2048xi32, #tpu.memory_space<vmem>> -> memref<1808xi32, #tpu.memory_space<vmem>>
      %dma_start3A_253 = tpu.memref_slice %arg3[%run_scoped3A_55, %add3A_54] : memref<2x320000xi32, #tpu.memory_space<hbm>> -> memref<1x1808xi32, #tpu.memory_space<hbm>>
      %dma_start3A_254 = tpu.memref_squeeze %dma_start3A_253 : memref<1x1808xi32, #tpu.memory_space<hbm>> -> memref<1808xi32, #tpu.memory_space<hbm>>
      %dma_start3A_255 = arith.constant 0 : i32
      %dma_start3A_256 = tpu.memref_slice %arg5[%dma_start3A_255] : memref<2048xi32, #tpu.memory_space<vmem>> -> memref<1808xi32, #tpu.memory_space<vmem>>
      %dma_start3A_257 = tpu.memref_slice %arg3[%run_scoped3A_55, %add3A_54] : memref<2x320000xi32, #tpu.memory_space<hbm>> -> memref<1x1808xi32, #tpu.memory_space<hbm>>
      %dma_start3A_258 = tpu.memref_squeeze %dma_start3A_257 : memref<1x1808xi32, #tpu.memory_space<hbm>> -> memref<1808xi32, #tpu.memory_space<hbm>>
      tpu.enqueue_dma source(%dma_start3A_258 : memref<1808xi32, #tpu.memory_space<hbm>>) target(%dma_start3A_256 : memref<1808xi32, #tpu.memory_space<vmem>>) target_semaphore(%run_scoped3A_250 : memref<!tpu.dma_semaphore, #tpu.memory_space<semaphore_mem>>)
      %dma_wait3A_259 = arith.constant 0 : i32
      %dma_wait3A_260 = tpu.memref_slice %arg5[%dma_wait3A_259] : memref<2048xi32, #tpu.memory_space<vmem>> -> memref<1808xi32, #tpu.memory_space<vmem>>
      %dma_wait3A_261 = tpu.memref_slice %arg3[%run_scoped3A_55, %add3A_54] : memref<2x320000xi32, #tpu.memory_space<hbm>> -> memref<1x1808xi32, #tpu.memory_space<hbm>>
      %dma_wait3A_262 = tpu.memref_squeeze %dma_wait3A_261 : memref<1x1808xi32, #tpu.memory_space<hbm>> -> memref<1808xi32, #tpu.memory_space<hbm>>
      %dma_wait3A_263 = arith.constant 0 : i32
      %dma_wait3A_264 = tpu.memref_slice %arg5[%dma_wait3A_263] : memref<2048xi32, #tpu.memory_space<vmem>> -> memref<1808xi32, #tpu.memory_space<vmem>>
      %dma_wait3A_265 = tpu.memref_slice %arg3[%run_scoped3A_55, %add3A_54] : memref<2x320000xi32, #tpu.memory_space<hbm>> -> memref<1x1808xi32, #tpu.memory_space<hbm>>
      %dma_wait3A_266 = tpu.memref_squeeze %dma_wait3A_265 : memref<1x1808xi32, #tpu.memory_space<hbm>> -> memref<1808xi32, #tpu.memory_space<hbm>>
      tpu.wait_dma2 semaphore(%run_scoped3A_250 : memref<!tpu.dma_semaphore, #tpu.memory_space<semaphore_mem>>) src(%dma_wait3A_266 : memref<1808xi32, #tpu.memory_space<hbm>>) dst(%dma_wait3A_264 : memref<1808xi32, #tpu.memory_space<vmem>>)
      tpu.yield
    }) : () -> ()
    %broadcast_in_dim3A = arith.constant 0 : i32
    %broadcast_in_dim3A_56 = vector.broadcast %broadcast_in_dim3A : i32 to vector<16xi32>
    %swap3A = arith.constant 1808 : index
    %swap3A_57 = tpu.vector_load %arg5[%swap3A] {strides = array<i32>} : memref<2048xi32, #tpu.memory_space<vmem>>, vector<16xi32>,
    %swap3A_58 = vector.shape_cast %swap3A_57 : vector<16xi32> to vector<16xi32>
    %swap3A_59 = vector.shape_cast %broadcast_in_dim3A_56 : vector<16xi32> to vector<16xi32>
    tpu.vector_store %arg5[%swap3A], %swap3A_59 {strides = array<i32>} : memref<2048xi32, #tpu.memory_space<vmem>>, vector<16xi32>,
    %broadcast_in_dim3A_60 = arith.constant 0 : i32
    %broadcast_in_dim3A_61 = vector.broadcast %broadcast_in_dim3A_60 : i32 to vector<16xi32>
    %swap3A_62 = arith.constant 1824 : index
    %swap3A_63 = tpu.vector_load %arg5[%swap3A_62] {strides = array<i32>} : memref<2048xi32, #tpu.memory_space<vmem>>, vector<16xi32>,
    %swap3A_64 = vector.shape_cast %swap3A_63 : vector<16xi32> to vector<16xi32>
    %swap3A_65 = vector.shape_cast %broadcast_in_dim3A_61 : vector<16xi32> to vector<16xi32>
    tpu.vector_store %arg5[%swap3A_62], %swap3A_65 {strides = array<i32>} : memref<2048xi32, #tpu.memory_space<vmem>>, vector<16xi32>,
    %broadcast_in_dim3A_66 = arith.constant 0 : i32
    %broadcast_in_dim3A_67 = vector.broadcast %broadcast_in_dim3A_66 : i32 to vector<16xi32>
    %swap3A_68 = arith.constant 1840 : index
    %swap3A_69 = tpu.vector_load %arg5[%swap3A_68] {strides = array<i32>} : memref<2048xi32, #tpu.memory_space<vmem>>, vector<16xi32>,
    %swap3A_70 = vector.shape_cast %swap3A_69 : vector<16xi32> to vector<16xi32>
    %swap3A_71 = vector.shape_cast %broadcast_in_dim3A_67 : vector<16xi32> to vector<16xi32>
    tpu.vector_store %arg5[%swap3A_68], %swap3A_71 {strides = array<i32>} : memref<2048xi32, #tpu.memory_space<vmem>>, vector<16xi32>,
    %broadcast_in_dim3A_72 = arith.constant 0 : i32
    %broadcast_in_dim3A_73 = vector.broadcast %broadcast_in_dim3A_72 : i32 to vector<16xi32>
    %swap3A_74 = arith.constant 1856 : index
    %swap3A_75 = tpu.vector_load %arg5[%swap3A_74] {strides = array<i32>} : memref<2048xi32, #tpu.memory_space<vmem>>, vector<16xi32>,
    %swap3A_76 = vector.shape_cast %swap3A_75 : vector<16xi32> to vector<16xi32>
    %swap3A_77 = vector.shape_cast %broadcast_in_dim3A_73 : vector<16xi32> to vector<16xi32>
    tpu.vector_store %arg5[%swap3A_74], %swap3A_77 {strides = array<i32>} : memref<2048xi32, #tpu.memory_space<vmem>>, vector<16xi32>,
    %broadcast_in_dim3A_78 = arith.constant 0 : i32
    %broadcast_in_dim3A_79 = vector.broadcast %broadcast_in_dim3A_78 : i32 to vector<16xi32>
    %swap3A_80 = arith.constant 1872 : index
    %swap3A_81 = tpu.vector_load %arg5[%swap3A_80] {strides = array<i32>} : memref<2048xi32, #tpu.memory_space<vmem>>, vector<16xi32>,
    %swap3A_82 = vector.shape_cast %swap3A_81 : vector<16xi32> to vector<16xi32>
    %swap3A_83 = vector.shape_cast %broadcast_in_dim3A_79 : vector<16xi32> to vector<16xi32>
    tpu.vector_store %arg5[%swap3A_80], %swap3A_83 {strides = array<i32>} : memref<2048xi32, #tpu.memory_space<vmem>>, vector<16xi32>,
    %broadcast_in_dim3A_84 = arith.constant 0 : i32
    %broadcast_in_dim3A_85 = vector.broadcast %broadcast_in_dim3A_84 : i32 to vector<16xi32>
    %swap3A_86 = arith.constant 1888 : index
    %swap3A_87 = tpu.vector_load %arg5[%swap3A_86] {strides = array<i32>} : memref<2048xi32, #tpu.memory_space<vmem>>, vector<16xi32>,
    %swap3A_88 = vector.shape_cast %swap3A_87 : vector<16xi32> to vector<16xi32>
    %swap3A_89 = vector.shape_cast %broadcast_in_dim3A_85 : vector<16xi32> to vector<16xi32>
    tpu.vector_store %arg5[%swap3A_86], %swap3A_89 {strides = array<i32>} : memref<2048xi32, #tpu.memory_space<vmem>>, vector<16xi32>,
    %broadcast_in_dim3A_90 = arith.constant 0 : i32
    %broadcast_in_dim3A_91 = vector.broadcast %broadcast_in_dim3A_90 : i32 to vector<16xi32>
    %swap3A_92 = arith.constant 1904 : index
    %swap3A_93 = tpu.vector_load %arg5[%swap3A_92] {strides = array<i32>} : memref<2048xi32, #tpu.memory_space<vmem>>, vector<16xi32>,
    %swap3A_94 = vector.shape_cast %swap3A_93 : vector<16xi32> to vector<16xi32>
    %swap3A_95 = vector.shape_cast %broadcast_in_dim3A_91 : vector<16xi32> to vector<16xi32>
    tpu.vector_store %arg5[%swap3A_92], %swap3A_95 {strides = array<i32>} : memref<2048xi32, #tpu.memory_space<vmem>>, vector<16xi32>,
    %broadcast_in_dim3A_96 = arith.constant 0 : i32
    %broadcast_in_dim3A_97 = vector.broadcast %broadcast_in_dim3A_96 : i32 to vector<16xi32>
    %swap3A_98 = arith.constant 1920 : index
    %swap3A_99 = tpu.vector_load %arg5[%swap3A_98] {strides = array<i32>} : memref<2048xi32, #tpu.memory_space<vmem>>, vector<16xi32>,
    %swap3A_100 = vector.shape_cast %swap3A_99 : vector<16xi32> to vector<16xi32>
    %swap3A_101 = vector.shape_cast %broadcast_in_dim3A_97 : vector<16xi32> to vector<16xi32>
    tpu.vector_store %arg5[%swap3A_98], %swap3A_101 {strides = array<i32>} : memref<2048xi32, #tpu.memory_space<vmem>>, vector<16xi32>,
    %broadcast_in_dim3A_102 = arith.constant 0 : i32
    %broadcast_in_dim3A_103 = vector.broadcast %broadcast_in_dim3A_102 : i32 to vector<16xi32>
    %swap3A_104 = arith.constant 1936 : index
    %swap3A_105 = tpu.vector_load %arg5[%swap3A_104] {strides = array<i32>} : memref<2048xi32, #tpu.memory_space<vmem>>, vector<16xi32>,
    %swap3A_106 = vector.shape_cast %swap3A_105 : vector<16xi32> to vector<16xi32>
    %swap3A_107 = vector.shape_cast %broadcast_in_dim3A_103 : vector<16xi32> to vector<16xi32>
    tpu.vector_store %arg5[%swap3A_104], %swap3A_107 {strides = array<i32>} : memref<2048xi32, #tpu.memory_space<vmem>>, vector<16xi32>,
    %broadcast_in_dim3A_108 = arith.constant 0 : i32
    %broadcast_in_dim3A_109 = vector.broadcast %broadcast_in_dim3A_108 : i32 to vector<16xi32>
    %swap3A_110 = arith.constant 1952 : index
    %swap3A_111 = tpu.vector_load %arg5[%swap3A_110] {strides = array<i32>} : memref<2048xi32, #tpu.memory_space<vmem>>, vector<16xi32>,
    %swap3A_112 = vector.shape_cast %swap3A_111 : vector<16xi32> to vector<16xi32>
    %swap3A_113 = vector.shape_cast %broadcast_in_dim3A_109 : vector<16xi32> to vector<16xi32>
    tpu.vector_store %arg5[%swap3A_110], %swap3A_113 {strides = array<i32>} : memref<2048xi32, #tpu.memory_space<vmem>>, vector<16xi32>,
    %broadcast_in_dim3A_114 = arith.constant 0 : i32
    %broadcast_in_dim3A_115 = vector.broadcast %broadcast_in_dim3A_114 : i32 to vector<16xi32>
    %swap3A_116 = arith.constant 1968 : index
    %swap3A_117 = tpu.vector_load %arg5[%swap3A_116] {strides = array<i32>} : memref<2048xi32, #tpu.memory_space<vmem>>, vector<16xi32>,
    %swap3A_118 = vector.shape_cast %swap3A_117 : vector<16xi32> to vector<16xi32>
    %swap3A_119 = vector.shape_cast %broadcast_in_dim3A_115 : vector<16xi32> to vector<16xi32>
    tpu.vector_store %arg5[%swap3A_116], %swap3A_119 {strides = array<i32>} : memref<2048xi32, #tpu.memory_space<vmem>>, vector<16xi32>,
    %broadcast_in_dim3A_120 = arith.constant 0 : i32
    %broadcast_in_dim3A_121 = vector.broadcast %broadcast_in_dim3A_120 : i32 to vector<16xi32>
    %swap3A_122 = arith.constant 1984 : index
    %swap3A_123 = tpu.vector_load %arg5[%swap3A_122] {strides = array<i32>} : memref<2048xi32, #tpu.memory_space<vmem>>, vector<16xi32>,
    %swap3A_124 = vector.shape_cast %swap3A_123 : vector<16xi32> to vector<16xi32>
    %swap3A_125 = vector.shape_cast %broadcast_in_dim3A_121 : vector<16xi32> to vector<16xi32>
    tpu.vector_store %arg5[%swap3A_122], %swap3A_125 {strides = array<i32>} : memref<2048xi32, #tpu.memory_space<vmem>>, vector<16xi32>,
    %broadcast_in_dim3A_126 = arith.constant 0 : i32
    %broadcast_in_dim3A_127 = vector.broadcast %broadcast_in_dim3A_126 : i32 to vector<16xi32>
    %swap3A_128 = arith.constant 2000 : index
    %swap3A_129 = tpu.vector_load %arg5[%swap3A_128] {strides = array<i32>} : memref<2048xi32, #tpu.memory_space<vmem>>, vector<16xi32>,
    %swap3A_130 = vector.shape_cast %swap3A_129 : vector<16xi32> to vector<16xi32>
    %swap3A_131 = vector.shape_cast %broadcast_in_dim3A_127 : vector<16xi32> to vector<16xi32>
    tpu.vector_store %arg5[%swap3A_128], %swap3A_131 {strides = array<i32>} : memref<2048xi32, #tpu.memory_space<vmem>>, vector<16xi32>,
    %broadcast_in_dim3A_132 = arith.constant 0 : i32
    %broadcast_in_dim3A_133 = vector.broadcast %broadcast_in_dim3A_132 : i32 to vector<16xi32>
    %swap3A_134 = arith.constant 2016 : index
    %swap3A_135 = tpu.vector_load %arg5[%swap3A_134] {strides = array<i32>} : memref<2048xi32, #tpu.memory_space<vmem>>, vector<16xi32>,
    %swap3A_136 = vector.shape_cast %swap3A_135 : vector<16xi32> to vector<16xi32>
    %swap3A_137 = vector.shape_cast %broadcast_in_dim3A_133 : vector<16xi32> to vector<16xi32>
    tpu.vector_store %arg5[%swap3A_134], %swap3A_137 {strides = array<i32>} : memref<2048xi32, #tpu.memory_space<vmem>>, vector<16xi32>,
    %broadcast_in_dim3A_138 = arith.constant 0 : i32
    %broadcast_in_dim3A_139 = vector.broadcast %broadcast_in_dim3A_138 : i32 to vector<16xi32>
    %swap3A_140 = arith.constant 2032 : index
    %swap3A_141 = tpu.vector_load %arg5[%swap3A_140] {strides = array<i32>} : memref<2048xi32, #tpu.memory_space<vmem>>, vector<16xi32>,
    %swap3A_142 = vector.shape_cast %swap3A_141 : vector<16xi32> to vector<16xi32>
    %swap3A_143 = vector.shape_cast %broadcast_in_dim3A_139 : vector<16xi32> to vector<16xi32>
    tpu.vector_store %arg5[%swap3A_140], %swap3A_143 {strides = array<i32>} : memref<2048xi32, #tpu.memory_space<vmem>>, vector<16xi32>,
    %dma_start3A_144 = arith.constant 0 : i32
    %dma_start3A_145 = arith.constant 0 : i32
    %dma_start3A_146 = tpu.memref_slice %arg12[%dma_start3A_144, %dma_start3A_145] : memref<10112x16xf32, #tpu.memory_space<vmem_shared>> -> memref<10112x16xf32, #tpu.memory_space<vmem_shared>>
    tpu.enqueue_indirect_dma source(%dma_start3A_146 : memref<10112x16xf32, #tpu.memory_space<vmem_shared>>) target(%arg9 : memref<2048x16xf32, #tpu.memory_space<vmem>>) offsets(%arg5 : memref<2048xi32, #tpu.memory_space<vmem>>) semaphore(%arg14 : memref<!tpu.dma_semaphore, #tpu.memory_space<semaphore_mem>>)
    %run_scoped3A_147 = arith.constant 1 : i32
    "tpu.region"() ({
      %run_scoped3A_250 = tpu.sem_alloc : memref<!tpu.dma_semaphore, #tpu.memory_space<semaphore_mem>>
      %dma_start3A_251 = arith.constant 0 : i32
      %dma_start3A_252 = tpu.memref_slice %arg7[%dma_start3A_251] : memref<2048xi32, #tpu.memory_space<vmem>> -> memref<1808xi32, #tpu.memory_space<vmem>>
      %dma_start3A_253 = tpu.memref_slice %arg3[%run_scoped3A_147, %add3A_54] : memref<2x320000xi32, #tpu.memory_space<hbm>> -> memref<1x1808xi32, #tpu.memory_space<hbm>>
      %dma_start3A_254 = tpu.memref_squeeze %dma_start3A_253 : memref<1x1808xi32, #tpu.memory_space<hbm>> -> memref<1808xi32, #tpu.memory_space<hbm>>
      %dma_start3A_255 = arith.constant 0 : i32
      %dma_start3A_256 = tpu.memref_slice %arg7[%dma_start3A_255] : memref<2048xi32, #tpu.memory_space<vmem>> -> memref<1808xi32, #tpu.memory_space<vmem>>
      %dma_start3A_257 = tpu.memref_slice %arg3[%run_scoped3A_147, %add3A_54] : memref<2x320000xi32, #tpu.memory_space<hbm>> -> memref<1x1808xi32, #tpu.memory_space<hbm>>
      %dma_start3A_258 = tpu.memref_squeeze %dma_start3A_257 : memref<1x1808xi32, #tpu.memory_space<hbm>> -> memref<1808xi32, #tpu.memory_space<hbm>>
      tpu.enqueue_dma source(%dma_start3A_258 : memref<1808xi32, #tpu.memory_space<hbm>>) target(%dma_start3A_256 : memref<1808xi32, #tpu.memory_space<vmem>>) target_semaphore(%run_scoped3A_250 : memref<!tpu.dma_semaphore, #tpu.memory_space<semaphore_mem>>)
      %dma_wait3A_259 = arith.constant 0 : i32
      %dma_wait3A_260 = tpu.memref_slice %arg7[%dma_wait3A_259] : memref<2048xi32, #tpu.memory_space<vmem>> -> memref<1808xi32, #tpu.memory_space<vmem>>
      %dma_wait3A_261 = tpu.memref_slice %arg3[%run_scoped3A_147, %add3A_54] : memref<2x320000xi32, #tpu.memory_space<hbm>> -> memref<1x1808xi32, #tpu.memory_space<hbm>>
      %dma_wait3A_262 = tpu.memref_squeeze %dma_wait3A_261 : memref<1x1808xi32, #tpu.memory_space<hbm>> -> memref<1808xi32, #tpu.memory_space<hbm>>
      %dma_wait3A_263 = arith.constant 0 : i32
      %dma_wait3A_264 = tpu.memref_slice %arg7[%dma_wait3A_263] : memref<2048xi32, #tpu.memory_space<vmem>> -> memref<1808xi32, #tpu.memory_space<vmem>>
      %dma_wait3A_265 = tpu.memref_slice %arg3[%run_scoped3A_147, %add3A_54] : memref<2x320000xi32, #tpu.memory_space<hbm>> -> memref<1x1808xi32, #tpu.memory_space<hbm>>
      %dma_wait3A_266 = tpu.memref_squeeze %dma_wait3A_265 : memref<1x1808xi32, #tpu.memory_space<hbm>> -> memref<1808xi32, #tpu.memory_space<hbm>>
      tpu.wait_dma2 semaphore(%run_scoped3A_250 : memref<!tpu.dma_semaphore, #tpu.memory_space<semaphore_mem>>) src(%dma_wait3A_266 : memref<1808xi32, #tpu.memory_space<hbm>>) dst(%dma_wait3A_264 : memref<1808xi32, #tpu.memory_space<vmem>>)
      tpu.yield
    }) : () -> ()
    %broadcast_in_dim3A_148 = arith.constant 10000 : i32
    %broadcast_in_dim3A_149 = vector.broadcast %broadcast_in_dim3A_148 : i32 to vector<16xi32>
    %swap3A_150 = arith.constant 1808 : index
    %swap3A_151 = tpu.vector_load %arg7[%swap3A_150] {strides = array<i32>} : memref<2048xi32, #tpu.memory_space<vmem>>, vector<16xi32>,
    %swap3A_152 = vector.shape_cast %swap3A_151 : vector<16xi32> to vector<16xi32>
    %swap3A_153 = vector.shape_cast %broadcast_in_dim3A_149 : vector<16xi32> to vector<16xi32>
    tpu.vector_store %arg7[%swap3A_150], %swap3A_153 {strides = array<i32>} : memref<2048xi32, #tpu.memory_space<vmem>>, vector<16xi32>,
    %broadcast_in_dim3A_154 = arith.constant 10000 : i32
    %broadcast_in_dim3A_155 = vector.broadcast %broadcast_in_dim3A_154 : i32 to vector<16xi32>
    %swap3A_156 = arith.constant 1824 : index
    %swap3A_157 = tpu.vector_load %arg7[%swap3A_156] {strides = array<i32>} : memref<2048xi32, #tpu.memory_space<vmem>>, vector<16xi32>,
    %swap3A_158 = vector.shape_cast %swap3A_157 : vector<16xi32> to vector<16xi32>
    %swap3A_159 = vector.shape_cast %broadcast_in_dim3A_155 : vector<16xi32> to vector<16xi32>
    tpu.vector_store %arg7[%swap3A_156], %swap3A_159 {strides = array<i32>} : memref<2048xi32, #tpu.memory_space<vmem>>, vector<16xi32>,
    %broadcast_in_dim3A_160 = arith.constant 10000 : i32
    %broadcast_in_dim3A_161 = vector.broadcast %broadcast_in_dim3A_160 : i32 to vector<16xi32>
    %swap3A_162 = arith.constant 1840 : index
    %swap3A_163 = tpu.vector_load %arg7[%swap3A_162] {strides = array<i32>} : memref<2048xi32, #tpu.memory_space<vmem>>, vector<16xi32>,
    %swap3A_164 = vector.shape_cast %swap3A_163 : vector<16xi32> to vector<16xi32>
    %swap3A_165 = vector.shape_cast %broadcast_in_dim3A_161 : vector<16xi32> to vector<16xi32>
    tpu.vector_store %arg7[%swap3A_162], %swap3A_165 {strides = array<i32>} : memref<2048xi32, #tpu.memory_space<vmem>>, vector<16xi32>,
    %broadcast_in_dim3A_166 = arith.constant 10000 : i32
    %broadcast_in_dim3A_167 = vector.broadcast %broadcast_in_dim3A_166 : i32 to vector<16xi32>
    %swap3A_168 = arith.constant 1856 : index
    %swap3A_169 = tpu.vector_load %arg7[%swap3A_168] {strides = array<i32>} : memref<2048xi32, #tpu.memory_space<vmem>>, vector<16xi32>,
    %swap3A_170 = vector.shape_cast %swap3A_169 : vector<16xi32> to vector<16xi32>
    %swap3A_171 = vector.shape_cast %broadcast_in_dim3A_167 : vector<16xi32> to vector<16xi32>
    tpu.vector_store %arg7[%swap3A_168], %swap3A_171 {strides = array<i32>} : memref<2048xi32, #tpu.memory_space<vmem>>, vector<16xi32>,
    %broadcast_in_dim3A_172 = arith.constant 10000 : i32
    %broadcast_in_dim3A_173 = vector.broadcast %broadcast_in_dim3A_172 : i32 to vector<16xi32>
    %swap3A_174 = arith.constant 1872 : index
    %swap3A_175 = tpu.vector_load %arg7[%swap3A_174] {strides = array<i32>} : memref<2048xi32, #tpu.memory_space<vmem>>, vector<16xi32>,
    %swap3A_176 = vector.shape_cast %swap3A_175 : vector<16xi32> to vector<16xi32>
    %swap3A_177 = vector.shape_cast %broadcast_in_dim3A_173 : vector<16xi32> to vector<16xi32>
    tpu.vector_store %arg7[%swap3A_174], %swap3A_177 {strides = array<i32>} : memref<2048xi32, #tpu.memory_space<vmem>>, vector<16xi32>,
    %broadcast_in_dim3A_178 = arith.constant 10000 : i32
    %broadcast_in_dim3A_179 = vector.broadcast %broadcast_in_dim3A_178 : i32 to vector<16xi32>
    %swap3A_180 = arith.constant 1888 : index
    %swap3A_181 = tpu.vector_load %arg7[%swap3A_180] {strides = array<i32>} : memref<2048xi32, #tpu.memory_space<vmem>>, vector<16xi32>,
    %swap3A_182 = vector.shape_cast %swap3A_181 : vector<16xi32> to vector<16xi32>
    %swap3A_183 = vector.shape_cast %broadcast_in_dim3A_179 : vector<16xi32> to vector<16xi32>
    tpu.vector_store %arg7[%swap3A_180], %swap3A_183 {strides = array<i32>} : memref<2048xi32, #tpu.memory_space<vmem>>, vector<16xi32>,
    %broadcast_in_dim3A_184 = arith.constant 10000 : i32
    %broadcast_in_dim3A_185 = vector.broadcast %broadcast_in_dim3A_184 : i32 to vector<16xi32>
    %swap3A_186 = arith.constant 1904 : index
    %swap3A_187 = tpu.vector_load %arg7[%swap3A_186] {strides = array<i32>} : memref<2048xi32, #tpu.memory_space<vmem>>, vector<16xi32>,
    %swap3A_188 = vector.shape_cast %swap3A_187 : vector<16xi32> to vector<16xi32>
    %swap3A_189 = vector.shape_cast %broadcast_in_dim3A_185 : vector<16xi32> to vector<16xi32>
    tpu.vector_store %arg7[%swap3A_186], %swap3A_189 {strides = array<i32>} : memref<2048xi32, #tpu.memory_space<vmem>>, vector<16xi32>,
    %broadcast_in_dim3A_190 = arith.constant 10000 : i32
    %broadcast_in_dim3A_191 = vector.broadcast %broadcast_in_dim3A_190 : i32 to vector<16xi32>
    %swap3A_192 = arith.constant 1920 : index
    %swap3A_193 = tpu.vector_load %arg7[%swap3A_192] {strides = array<i32>} : memref<2048xi32, #tpu.memory_space<vmem>>, vector<16xi32>,
    %swap3A_194 = vector.shape_cast %swap3A_193 : vector<16xi32> to vector<16xi32>
    %swap3A_195 = vector.shape_cast %broadcast_in_dim3A_191 : vector<16xi32> to vector<16xi32>
    tpu.vector_store %arg7[%swap3A_192], %swap3A_195 {strides = array<i32>} : memref<2048xi32, #tpu.memory_space<vmem>>, vector<16xi32>,
    %broadcast_in_dim3A_196 = arith.constant 10000 : i32
    %broadcast_in_dim3A_197 = vector.broadcast %broadcast_in_dim3A_196 : i32 to vector<16xi32>
    %swap3A_198 = arith.constant 1936 : index
    %swap3A_199 = tpu.vector_load %arg7[%swap3A_198] {strides = array<i32>} : memref<2048xi32, #tpu.memory_space<vmem>>, vector<16xi32>,
    %swap3A_200 = vector.shape_cast %swap3A_199 : vector<16xi32> to vector<16xi32>
    %swap3A_201 = vector.shape_cast %broadcast_in_dim3A_197 : vector<16xi32> to vector<16xi32>
    tpu.vector_store %arg7[%swap3A_198], %swap3A_201 {strides = array<i32>} : memref<2048xi32, #tpu.memory_space<vmem>>, vector<16xi32>,
    %broadcast_in_dim3A_202 = arith.constant 10000 : i32
    %broadcast_in_dim3A_203 = vector.broadcast %broadcast_in_dim3A_202 : i32 to vector<16xi32>
    %swap3A_204 = arith.constant 1952 : index
    %swap3A_205 = tpu.vector_load %arg7[%swap3A_204] {strides = array<i32>} : memref<2048xi32, #tpu.memory_space<vmem>>, vector<16xi32>,
    %swap3A_206 = vector.shape_cast %swap3A_205 : vector<16xi32> to vector<16xi32>
    %swap3A_207 = vector.shape_cast %broadcast_in_dim3A_203 : vector<16xi32> to vector<16xi32>
    tpu.vector_store %arg7[%swap3A_204], %swap3A_207 {strides = array<i32>} : memref<2048xi32, #tpu.memory_space<vmem>>, vector<16xi32>,
    %broadcast_in_dim3A_208 = arith.constant 10000 : i32
    %broadcast_in_dim3A_209 = vector.broadcast %broadcast_in_dim3A_208 : i32 to vector<16xi32>
    %swap3A_210 = arith.constant 1968 : index
    %swap3A_211 = tpu.vector_load %arg7[%swap3A_210] {strides = array<i32>} : memref<2048xi32, #tpu.memory_space<vmem>>, vector<16xi32>,
    %swap3A_212 = vector.shape_cast %swap3A_211 : vector<16xi32> to vector<16xi32>
    %swap3A_213 = vector.shape_cast %broadcast_in_dim3A_209 : vector<16xi32> to vector<16xi32>
    tpu.vector_store %arg7[%swap3A_210], %swap3A_213 {strides = array<i32>} : memref<2048xi32, #tpu.memory_space<vmem>>, vector<16xi32>,
    %broadcast_in_dim3A_214 = arith.constant 10000 : i32
    %broadcast_in_dim3A_215 = vector.broadcast %broadcast_in_dim3A_214 : i32 to vector<16xi32>
    %swap3A_216 = arith.constant 1984 : index
    %swap3A_217 = tpu.vector_load %arg7[%swap3A_216] {strides = array<i32>} : memref<2048xi32, #tpu.memory_space<vmem>>, vector<16xi32>,
    %swap3A_218 = vector.shape_cast %swap3A_217 : vector<16xi32> to vector<16xi32>
    %swap3A_219 = vector.shape_cast %broadcast_in_dim3A_215 : vector<16xi32> to vector<16xi32>
    tpu.vector_store %arg7[%swap3A_216], %swap3A_219 {strides = array<i32>} : memref<2048xi32, #tpu.memory_space<vmem>>, vector<16xi32>,
    %broadcast_in_dim3A_220 = arith.constant 10000 : i32
    %broadcast_in_dim3A_221 = vector.broadcast %broadcast_in_dim3A_220 : i32 to vector<16xi32>
    %swap3A_222 = arith.constant 2000 : index
    %swap3A_223 = tpu.vector_load %arg7[%swap3A_222] {strides = array<i32>} : memref<2048xi32, #tpu.memory_space<vmem>>, vector<16xi32>,
    %swap3A_224 = vector.shape_cast %swap3A_223 : vector<16xi32> to vector<16xi32>
    %swap3A_225 = vector.shape_cast %broadcast_in_dim3A_221 : vector<16xi32> to vector<16xi32>
    tpu.vector_store %arg7[%swap3A_222], %swap3A_225 {strides = array<i32>} : memref<2048xi32, #tpu.memory_space<vmem>>, vector<16xi32>,
    %broadcast_in_dim3A_226 = arith.constant 10000 : i32
    %broadcast_in_dim3A_227 = vector.broadcast %broadcast_in_dim3A_226 : i32 to vector<16xi32>
    %swap3A_228 = arith.constant 2016 : index
    %swap3A_229 = tpu.vector_load %arg7[%swap3A_228] {strides = array<i32>} : memref<2048xi32, #tpu.memory_space<vmem>>, vector<16xi32>,
    %swap3A_230 = vector.shape_cast %swap3A_229 : vector<16xi32> to vector<16xi32>
    %swap3A_231 = vector.shape_cast %broadcast_in_dim3A_227 : vector<16xi32> to vector<16xi32>
    tpu.vector_store %arg7[%swap3A_228], %swap3A_231 {strides = array<i32>} : memref<2048xi32, #tpu.memory_space<vmem>>, vector<16xi32>,
    %broadcast_in_dim3A_232 = arith.constant 10000 : i32
    %broadcast_in_dim3A_233 = vector.broadcast %broadcast_in_dim3A_232 : i32 to vector<16xi32>
    %swap3A_234 = arith.constant 2032 : index
    %swap3A_235 = tpu.vector_load %arg7[%swap3A_234] {strides = array<i32>} : memref<2048xi32, #tpu.memory_space<vmem>>, vector<16xi32>,
    %swap3A_236 = vector.shape_cast %swap3A_235 : vector<16xi32> to vector<16xi32>
    %swap3A_237 = vector.shape_cast %broadcast_in_dim3A_233 : vector<16xi32> to vector<16xi32>
    tpu.vector_store %arg7[%swap3A_234], %swap3A_237 {strides = array<i32>} : memref<2048xi32, #tpu.memory_space<vmem>>, vector<16xi32>,
    %dma_wait3A_238 = arith.constant 0 : i32
    %dma_wait3A_239 = arith.constant 0 : i32
    %dma_wait3A_240 = tpu.memref_slice %arg12[%dma_wait3A_238, %dma_wait3A_239] : memref<10112x16xf32, #tpu.memory_space<vmem_shared>> -> memref<10112x16xf32, #tpu.memory_space<vmem_shared>>
    tpu.wait_indirect_dma semaphore(%arg15 : memref<!tpu.dma_semaphore, #tpu.memory_space<semaphore_mem>>) src(%dma_wait3A_240 : memref<10112x16xf32, #tpu.memory_space<vmem_shared>>) dst(%arg10 : memref<2048x16xf32, #tpu.memory_space<vmem>>)
    "tpu.region"() ({
      %run_scoped3A_250 = tpu.sem_alloc : memref<!tpu.dma_semaphore, #tpu.memory_space<semaphore_mem>>
      %dma_start3A_251 = arith.constant 0 : i32
      %dma_start3A_252 = arith.constant 0 : i32
      %dma_start3A_253 = tpu.memref_slice %arg13[%dma_start3A_251, %dma_start3A_252] : memref<10112x16xf32, #tpu.memory_space<vmem_shared>> -> memref<10112x16xf32, #tpu.memory_space<vmem_shared>>
      tpu.enqueue_indirect_dma source(%arg10 : memref<2048x16xf32, #tpu.memory_space<vmem>>) target(%dma_start3A_253 : memref<10112x16xf32, #tpu.memory_space<vmem_shared>>) offsets(%arg8 : memref<2048xi32, #tpu.memory_space<vmem>>) semaphore(%run_scoped3A_250 : memref<!tpu.dma_semaphore, #tpu.memory_space<semaphore_mem>>) {add = true}
      %dma_wait3A_254 = arith.constant 0 : i32
      %dma_wait3A_255 = arith.constant 0 : i32
      %dma_wait3A_256 = tpu.memref_slice %arg13[%dma_wait3A_254, %dma_wait3A_255] : memref<10112x16xf32, #tpu.memory_space<vmem_shared>> -> memref<10112x16xf32, #tpu.memory_space<vmem_shared>>
      tpu.wait_indirect_dma semaphore(%run_scoped3A_250 : memref<!tpu.dma_semaphore, #tpu.memory_space<semaphore_mem>>) src(%arg10 : memref<2048x16xf32, #tpu.memory_space<vmem>>) dst(%dma_wait3A_256 : memref<10112x16xf32, #tpu.memory_space<vmem_shared>>)
      tpu.yield
    }) : () -> ()
    %dma_wait3A_241 = arith.constant 0 : i32
    %dma_wait3A_242 = arith.constant 0 : i32
    %dma_wait3A_243 = tpu.memref_slice %arg12[%dma_wait3A_241, %dma_wait3A_242] : memref<10112x16xf32, #tpu.memory_space<vmem_shared>> -> memref<10112x16xf32, #tpu.memory_space<vmem_shared>>
    tpu.wait_indirect_dma semaphore(%arg14 : memref<!tpu.dma_semaphore, #tpu.memory_space<semaphore_mem>>) src(%dma_wait3A_243 : memref<10112x16xf32, #tpu.memory_space<vmem_shared>>) dst(%arg9 : memref<2048x16xf32, #tpu.memory_space<vmem>>)
    "tpu.region"() ({
      %run_scoped3A_250 = tpu.sem_alloc : memref<!tpu.dma_semaphore, #tpu.memory_space<semaphore_mem>>
      %dma_start3A_251 = arith.constant 0 : i32
      %dma_start3A_252 = arith.constant 0 : i32
      %dma_start3A_253 = tpu.memref_slice %arg13[%dma_start3A_251, %dma_start3A_252] : memref<10112x16xf32, #tpu.memory_space<vmem_shared>> -> memref<10112x16xf32, #tpu.memory_space<vmem_shared>>
      tpu.enqueue_indirect_dma source(%arg9 : memref<2048x16xf32, #tpu.memory_space<vmem>>) target(%dma_start3A_253 : memref<10112x16xf32, #tpu.memory_space<vmem_shared>>) offsets(%arg7 : memref<2048xi32, #tpu.memory_space<vmem>>) semaphore(%run_scoped3A_250 : memref<!tpu.dma_semaphore, #tpu.memory_space<semaphore_mem>>) {add = true}
      %dma_wait3A_254 = arith.constant 0 : i32
      %dma_wait3A_255 = arith.constant 0 : i32
      %dma_wait3A_256 = tpu.memref_slice %arg13[%dma_wait3A_254, %dma_wait3A_255] : memref<10112x16xf32, #tpu.memory_space<vmem_shared>> -> memref<10112x16xf32, #tpu.memory_space<vmem_shared>>
      tpu.wait_indirect_dma semaphore(%run_scoped3A_250 : memref<!tpu.dma_semaphore, #tpu.memory_space<semaphore_mem>>) src(%arg9 : memref<2048x16xf32, #tpu.memory_space<vmem>>) dst(%dma_wait3A_256 : memref<10112x16xf32, #tpu.memory_space<vmem_shared>>)
      tpu.yield
    }) : () -> ()
    %barrier3A_244 = arith.constant 0 : index
    tpu.barrier barrier_id(%barrier3A_244)
    %mul3A_245 = arith.constant 10112 : i32
    %mul3A_246 = arith.muli %arg0, %mul3A_245 : i32
    %mul3A_247 = arith.constant 632 : i32
    %mul3A_248 = arith.muli %arg1, %mul3A_247 : i32
    %add3A_249 = arith.addi %mul3A_246, %mul3A_248 : i32
    "tpu.region"() ({
      %run_scoped3A_250 = tpu.sem_alloc : memref<!tpu.dma_semaphore, #tpu.memory_space<semaphore_mem>>
      %dma_start3A_251 = arith.constant 0 : i32
      %dma_start3A_252 = tpu.memref_slice %arg4[%add3A_249, %dma_start3A_251] : memref<20224x16xf32, #tpu.memory_space<hbm>> -> memref<632x16xf32, #tpu.memory_space<hbm>>
      %dma_start3A_253 = arith.constant 0 : i32
      %dma_start3A_254 = tpu.memref_slice %arg13[%mul3A_2, %dma_start3A_253] : memref<10112x16xf32, #tpu.memory_space<vmem_shared>> -> memref<632x16xf32, #tpu.memory_space<vmem_shared>>
      tpu.enqueue_dma source(%dma_start3A_254 : memref<632x16xf32, #tpu.memory_space<vmem_shared>>) target(%dma_start3A_252 : memref<632x16xf32, #tpu.memory_space<hbm>>) target_semaphore(%run_scoped3A_250 : memref<!tpu.dma_semaphore, #tpu.memory_space<semaphore_mem>>)
      %dma_wait3A_255 = arith.constant 0 : i32
      %dma_wait3A_256 = tpu.memref_slice %arg4[%add3A_249, %dma_wait3A_255] : memref<20224x16xf32, #tpu.memory_space<hbm>> -> memref<632x16xf32, #tpu.memory_space<hbm>>
      %dma_wait3A_257 = arith.constant 0 : i32
      %dma_wait3A_258 = tpu.memref_slice %arg13[%mul3A_2, %dma_wait3A_257] : memref<10112x16xf32, #tpu.memory_space<vmem_shared>> -> memref<632x16xf32, #tpu.memory_space<vmem_shared>>
      tpu.wait_dma2 semaphore(%run_scoped3A_250 : memref<!tpu.dma_semaphore, #tpu.memory_space<semaphore_mem>>) src(%dma_wait3A_258 : memref<632x16xf32, #tpu.memory_space<vmem_shared>>) dst(%dma_wait3A_256 : memref<632x16xf32, #tpu.memory_space<hbm>>)
      tpu.yield
    }) : () -> ()
    return
  }
}

#map = affine_map<(d0, d1) -> (0, 0)>
module attributes {stable_mosaic.version = 14 : i64} {
  func.func @body(%arg0: i32, %arg1: i32, %arg2: memref<10112x16xf32, #tpu.memory_space<hbm>>, %arg3: memref<2x320000xi32, #tpu.memory_space<hbm>>, %arg4: memref<20224x16xf32, #tpu.memory_space<hbm>>, %arg5: memref<20224x16xf32, #tpu.memory_space<hbm>>, %arg6: memref<1536xi32, #tpu.memory_space<vmem>>, %arg7: memref<1536xi32, #tpu.memory_space<vmem>>, %arg8: memref<1536xi32, #tpu.memory_space<vmem>>, %arg9: memref<1536xi32, #tpu.memory_space<vmem>>, %arg10: memref<1536x16xf32, #tpu.memory_space<vmem>>, %arg11: memref<1536x16xf32, #tpu.memory_space<vmem>>, %arg12: memref<632x16xf32, #tpu.memory_space<vmem>>, %arg13: memref<10112x16xf32, #tpu.memory_space<vmem_shared>>, %arg14: memref<10112x16xf32, #tpu.memory_space<vmem_shared>>, %arg15: memref<!tpu.dma_semaphore, #tpu.memory_space<semaphore_mem>>, %arg16: memref<!tpu.dma_semaphore, #tpu.memory_space<semaphore_mem>>, %arg17: memref<1536x16xf32, #tpu.memory_space<vmem>>, %arg18: memref<10112x16xf32, #tpu.memory_space<vmem_shared>>, %arg19: memref<!tpu.dma_semaphore, #tpu.memory_space<semaphore_mem>>) attributes {dimension_semantics = [#tpu.dimension_semantics<core_parallel>, #tpu.dimension_semantics<subcore_parallel>], iteration_bounds = array<i64: 2, 16>, scalar_prefetch = 0 : i64, scratch_operands = 14 : i64, tpu.core_type = #tpu.core_type<sc_vector_subcore>, window_params = [{transform_indices = #map}, {transform_indices = #map}, {transform_indices = #map}, {transform_indices = #map}]} {
    %mul3A = arith.constant 2 : i32
    %mul3A_0 = arith.muli %arg1, %mul3A : i32
    %add3A = arith.addi %mul3A_0, %arg0 : i32
    %mul3A_1 = arith.constant 632 : i32
    %mul3A_2 = arith.muli %arg1, %mul3A_1 : i32
    "tpu.region"() ({
      %run_scoped3A_707 = tpu.sem_alloc : memref<!tpu.dma_semaphore, #tpu.memory_space<semaphore_mem>>
      %dma_start3A_708 = arith.constant 0 : i32
      %dma_start3A_709 = tpu.memref_slice %arg13[%mul3A_2, %dma_start3A_708] : memref<10112x16xf32, #tpu.memory_space<vmem_shared>> -> memref<632x16xf32, #tpu.memory_space<vmem_shared>>
      %dma_start3A_710 = arith.constant 0 : i32
      %dma_start3A_711 = tpu.memref_slice %arg2[%mul3A_2, %dma_start3A_710] : memref<10112x16xf32, #tpu.memory_space<hbm>> -> memref<632x16xf32, #tpu.memory_space<hbm>>
      tpu.enqueue_dma source(%dma_start3A_711 : memref<632x16xf32, #tpu.memory_space<hbm>>) target(%dma_start3A_709 : memref<632x16xf32, #tpu.memory_space<vmem_shared>>) target_semaphore(%run_scoped3A_707 : memref<!tpu.dma_semaphore, #tpu.memory_space<semaphore_mem>>)
      %dma_wait3A_712 = arith.constant 0 : i32
      %dma_wait3A_713 = tpu.memref_slice %arg13[%mul3A_2, %dma_wait3A_712] : memref<10112x16xf32, #tpu.memory_space<vmem_shared>> -> memref<632x16xf32, #tpu.memory_space<vmem_shared>>
      %dma_wait3A_714 = arith.constant 0 : i32
      %dma_wait3A_715 = tpu.memref_slice %arg2[%mul3A_2, %dma_wait3A_714] : memref<10112x16xf32, #tpu.memory_space<hbm>> -> memref<632x16xf32, #tpu.memory_space<hbm>>
      tpu.wait_dma2 semaphore(%run_scoped3A_707 : memref<!tpu.dma_semaphore, #tpu.memory_space<semaphore_mem>>) src(%dma_wait3A_715 : memref<632x16xf32, #tpu.memory_space<hbm>>) dst(%dma_wait3A_713 : memref<632x16xf32, #tpu.memory_space<vmem_shared>>)
      tpu.yield
    }) : () -> ()
    %scan3A = arith.constant 0 : i32
    %scan3A_3 = arith.constant 0 : i32
    %scan3A_4 = arith.constant 632 : i32
    %scan3A_5 = arith.addi %scan3A_3, %scan3A_4 : i32
    %scan3A_6 = arith.constant 1 : i32
    %scan3A_7 = scf.for %scan3A_707 = %scan3A_3 to %scan3A_5 step %scan3A_6 iter_args(%scan3A_708 = %scan3A) -> (i32)  : i32 {
      %broadcast_in_dim3A_709 = arith.constant 0.000000e+00 : f32
      %broadcast_in_dim3A_710 = vector.broadcast %broadcast_in_dim3A_709 : f32 to vector<16xf32>
      %swap3A_711 = arith.index_cast %scan3A_707 : i32 to index
      %swap3A_712 = arith.constant 0 : index
      %swap3A_713 = tpu.vector_load %arg12[%swap3A_711, %swap3A_712] {strides = array<i32>} : memref<632x16xf32, #tpu.memory_space<vmem>>, vector<1x16xf32>,
      %swap3A_714 = vector.shape_cast %swap3A_713 : vector<1x16xf32> to vector<16xf32>
      %swap3A_715 = vector.shape_cast %broadcast_in_dim3A_710 : vector<16xf32> to vector<1x16xf32>
      tpu.vector_store %arg12[%swap3A_711, %swap3A_712], %swap3A_715 {strides = array<i32>} : memref<632x16xf32, #tpu.memory_space<vmem>>, vector<1x16xf32>,
      %scan3A_716 = arith.constant 0 : i32
      scf.yield %scan3A_716 : i32
    }
    %scan3A_8 = arith.constant 632 : i32
    "tpu.region"() ({
      %run_scoped3A_707 = tpu.sem_alloc : memref<!tpu.dma_semaphore, #tpu.memory_space<semaphore_mem>>
      %dma_start3A_708 = arith.constant 0 : i32
      %dma_start3A_709 = tpu.memref_slice %arg14[%mul3A_2, %dma_start3A_708] : memref<10112x16xf32, #tpu.memory_space<vmem_shared>> -> memref<632x16xf32, #tpu.memory_space<vmem_shared>>
      %dma_start3A_710 = arith.constant 0 : i32
      %dma_start3A_711 = tpu.memref_slice %arg14[%mul3A_2, %dma_start3A_710] : memref<10112x16xf32, #tpu.memory_space<vmem_shared>> -> memref<632x16xf32, #tpu.memory_space<vmem_shared>>
      tpu.enqueue_dma source(%arg12 : memref<632x16xf32, #tpu.memory_space<vmem>>) target(%dma_start3A_711 : memref<632x16xf32, #tpu.memory_space<vmem_shared>>) target_semaphore(%run_scoped3A_707 : memref<!tpu.dma_semaphore, #tpu.memory_space<semaphore_mem>>)
      %dma_wait3A_712 = arith.constant 0 : i32
      %dma_wait3A_713 = tpu.memref_slice %arg14[%mul3A_2, %dma_wait3A_712] : memref<10112x16xf32, #tpu.memory_space<vmem_shared>> -> memref<632x16xf32, #tpu.memory_space<vmem_shared>>
      %dma_wait3A_714 = arith.constant 0 : i32
      %dma_wait3A_715 = tpu.memref_slice %arg14[%mul3A_2, %dma_wait3A_714] : memref<10112x16xf32, #tpu.memory_space<vmem_shared>> -> memref<632x16xf32, #tpu.memory_space<vmem_shared>>
      tpu.wait_dma2 semaphore(%run_scoped3A_707 : memref<!tpu.dma_semaphore, #tpu.memory_space<semaphore_mem>>) src(%arg12 : memref<632x16xf32, #tpu.memory_space<vmem>>) dst(%dma_wait3A_715 : memref<632x16xf32, #tpu.memory_space<vmem_shared>>)
      tpu.yield
    }) : () -> ()
    "tpu.region"() ({
      %run_scoped3A_707 = tpu.sem_alloc : memref<!tpu.dma_semaphore, #tpu.memory_space<semaphore_mem>>
      %dma_start3A_708 = arith.constant 0 : i32
      %dma_start3A_709 = tpu.memref_slice %arg18[%mul3A_2, %dma_start3A_708] : memref<10112x16xf32, #tpu.memory_space<vmem_shared>> -> memref<632x16xf32, #tpu.memory_space<vmem_shared>>
      %dma_start3A_710 = arith.constant 0 : i32
      %dma_start3A_711 = tpu.memref_slice %arg18[%mul3A_2, %dma_start3A_710] : memref<10112x16xf32, #tpu.memory_space<vmem_shared>> -> memref<632x16xf32, #tpu.memory_space<vmem_shared>>
      tpu.enqueue_dma source(%arg12 : memref<632x16xf32, #tpu.memory_space<vmem>>) target(%dma_start3A_711 : memref<632x16xf32, #tpu.memory_space<vmem_shared>>) target_semaphore(%run_scoped3A_707 : memref<!tpu.dma_semaphore, #tpu.memory_space<semaphore_mem>>)
      %dma_wait3A_712 = arith.constant 0 : i32
      %dma_wait3A_713 = tpu.memref_slice %arg18[%mul3A_2, %dma_wait3A_712] : memref<10112x16xf32, #tpu.memory_space<vmem_shared>> -> memref<632x16xf32, #tpu.memory_space<vmem_shared>>
      %dma_wait3A_714 = arith.constant 0 : i32
      %dma_wait3A_715 = tpu.memref_slice %arg18[%mul3A_2, %dma_wait3A_714] : memref<10112x16xf32, #tpu.memory_space<vmem_shared>> -> memref<632x16xf32, #tpu.memory_space<vmem_shared>>
      tpu.wait_dma2 semaphore(%run_scoped3A_707 : memref<!tpu.dma_semaphore, #tpu.memory_space<semaphore_mem>>) src(%arg12 : memref<632x16xf32, #tpu.memory_space<vmem>>) dst(%dma_wait3A_715 : memref<632x16xf32, #tpu.memory_space<vmem_shared>>)
      tpu.yield
    }) : () -> ()
    %scan3A_9 = arith.constant 0 : i32
    %scan3A_10 = arith.constant 0 : i32
    %scan3A_11 = arith.constant 1536 : i32
    %scan3A_12 = arith.addi %scan3A_10, %scan3A_11 : i32
    %scan3A_13 = arith.constant 1 : i32
    %scan3A_14 = scf.for %scan3A_707 = %scan3A_10 to %scan3A_12 step %scan3A_13 iter_args(%scan3A_708 = %scan3A_9) -> (i32)  : i32 {
      %broadcast_in_dim3A_709 = arith.constant 1.000000e+00 : f32
      %broadcast_in_dim3A_710 = vector.broadcast %broadcast_in_dim3A_709 : f32 to vector<16xf32>
      %swap3A_711 = arith.index_cast %scan3A_707 : i32 to index
      %swap3A_712 = arith.constant 0 : index
      %swap3A_713 = tpu.vector_load %arg17[%swap3A_711, %swap3A_712] {strides = array<i32>} : memref<1536x16xf32, #tpu.memory_space<vmem>>, vector<1x16xf32>,
      %swap3A_714 = vector.shape_cast %swap3A_713 : vector<1x16xf32> to vector<16xf32>
      %swap3A_715 = vector.shape_cast %broadcast_in_dim3A_710 : vector<16xf32> to vector<1x16xf32>
      tpu.vector_store %arg17[%swap3A_711, %swap3A_712], %swap3A_715 {strides = array<i32>} : memref<1536x16xf32, #tpu.memory_space<vmem>>, vector<1x16xf32>,
      %scan3A_716 = arith.constant 0 : i32
      scf.yield %scan3A_716 : i32
    }
    %scan3A_15 = arith.constant 1536 : i32
    %barrier3A = arith.constant 0 : index
    tpu.barrier barrier_id(%barrier3A)
    %mul3A_16 = arith.constant 10000 : i32
    %mul3A_17 = arith.muli %add3A, %mul3A_16 : i32
    %add3A_18 = arith.constant 0 : i32
    %add3A_19 = arith.addi %mul3A_17, %add3A_18 : i32
    %run_scoped3A = arith.constant 0 : i32
    "tpu.region"() ({
      %run_scoped3A_707 = tpu.sem_alloc : memref<!tpu.dma_semaphore, #tpu.memory_space<semaphore_mem>>
      %dma_start3A_708 = tpu.memref_slice %arg3[%run_scoped3A, %add3A_19] : memref<2x320000xi32, #tpu.memory_space<hbm>> -> memref<1x1536xi32, #tpu.memory_space<hbm>>
      %dma_start3A_709 = tpu.memref_squeeze %dma_start3A_708 : memref<1x1536xi32, #tpu.memory_space<hbm>> -> memref<1536xi32, #tpu.memory_space<hbm>>
      %dma_start3A_710 = tpu.memref_slice %arg3[%run_scoped3A, %add3A_19] : memref<2x320000xi32, #tpu.memory_space<hbm>> -> memref<1x1536xi32, #tpu.memory_space<hbm>>
      %dma_start3A_711 = tpu.memref_squeeze %dma_start3A_710 : memref<1x1536xi32, #tpu.memory_space<hbm>> -> memref<1536xi32, #tpu.memory_space<hbm>>
      tpu.enqueue_dma source(%dma_start3A_711 : memref<1536xi32, #tpu.memory_space<hbm>>) target(%arg6 : memref<1536xi32, #tpu.memory_space<vmem>>) target_semaphore(%run_scoped3A_707 : memref<!tpu.dma_semaphore, #tpu.memory_space<semaphore_mem>>)
      %dma_wait3A_712 = tpu.memref_slice %arg3[%run_scoped3A, %add3A_19] : memref<2x320000xi32, #tpu.memory_space<hbm>> -> memref<1x1536xi32, #tpu.memory_space<hbm>>
      %dma_wait3A_713 = tpu.memref_squeeze %dma_wait3A_712 : memref<1x1536xi32, #tpu.memory_space<hbm>> -> memref<1536xi32, #tpu.memory_space<hbm>>
      %dma_wait3A_714 = tpu.memref_slice %arg3[%run_scoped3A, %add3A_19] : memref<2x320000xi32, #tpu.memory_space<hbm>> -> memref<1x1536xi32, #tpu.memory_space<hbm>>
      %dma_wait3A_715 = tpu.memref_squeeze %dma_wait3A_714 : memref<1x1536xi32, #tpu.memory_space<hbm>> -> memref<1536xi32, #tpu.memory_space<hbm>>
      tpu.wait_dma2 semaphore(%run_scoped3A_707 : memref<!tpu.dma_semaphore, #tpu.memory_space<semaphore_mem>>) src(%dma_wait3A_715 : memref<1536xi32, #tpu.memory_space<hbm>>) dst(%arg6 : memref<1536xi32, #tpu.memory_space<vmem>>)
      tpu.yield
    }) : () -> ()
    %dma_start3A = arith.constant 0 : i32
    %dma_start3A_20 = arith.constant 0 : i32
    %dma_start3A_21 = tpu.memref_slice %arg13[%dma_start3A, %dma_start3A_20] : memref<10112x16xf32, #tpu.memory_space<vmem_shared>> -> memref<10112x16xf32, #tpu.memory_space<vmem_shared>>
    tpu.enqueue_indirect_dma source(%dma_start3A_21 : memref<10112x16xf32, #tpu.memory_space<vmem_shared>>) target(%arg10 : memref<1536x16xf32, #tpu.memory_space<vmem>>) offsets(%arg6 : memref<1536xi32, #tpu.memory_space<vmem>>) semaphore(%arg15 : memref<!tpu.dma_semaphore, #tpu.memory_space<semaphore_mem>>)
    %run_scoped3A_22 = arith.constant 1 : i32
    "tpu.region"() ({
      %run_scoped3A_707 = tpu.sem_alloc : memref<!tpu.dma_semaphore, #tpu.memory_space<semaphore_mem>>
      %dma_start3A_708 = tpu.memref_slice %arg3[%run_scoped3A_22, %add3A_19] : memref<2x320000xi32, #tpu.memory_space<hbm>> -> memref<1x1536xi32, #tpu.memory_space<hbm>>
      %dma_start3A_709 = tpu.memref_squeeze %dma_start3A_708 : memref<1x1536xi32, #tpu.memory_space<hbm>> -> memref<1536xi32, #tpu.memory_space<hbm>>
      %dma_start3A_710 = tpu.memref_slice %arg3[%run_scoped3A_22, %add3A_19] : memref<2x320000xi32, #tpu.memory_space<hbm>> -> memref<1x1536xi32, #tpu.memory_space<hbm>>
      %dma_start3A_711 = tpu.memref_squeeze %dma_start3A_710 : memref<1x1536xi32, #tpu.memory_space<hbm>> -> memref<1536xi32, #tpu.memory_space<hbm>>
      tpu.enqueue_dma source(%dma_start3A_711 : memref<1536xi32, #tpu.memory_space<hbm>>) target(%arg8 : memref<1536xi32, #tpu.memory_space<vmem>>) target_semaphore(%run_scoped3A_707 : memref<!tpu.dma_semaphore, #tpu.memory_space<semaphore_mem>>)
      %dma_wait3A_712 = tpu.memref_slice %arg3[%run_scoped3A_22, %add3A_19] : memref<2x320000xi32, #tpu.memory_space<hbm>> -> memref<1x1536xi32, #tpu.memory_space<hbm>>
      %dma_wait3A_713 = tpu.memref_squeeze %dma_wait3A_712 : memref<1x1536xi32, #tpu.memory_space<hbm>> -> memref<1536xi32, #tpu.memory_space<hbm>>
      %dma_wait3A_714 = tpu.memref_slice %arg3[%run_scoped3A_22, %add3A_19] : memref<2x320000xi32, #tpu.memory_space<hbm>> -> memref<1x1536xi32, #tpu.memory_space<hbm>>
      %dma_wait3A_715 = tpu.memref_squeeze %dma_wait3A_714 : memref<1x1536xi32, #tpu.memory_space<hbm>> -> memref<1536xi32, #tpu.memory_space<hbm>>
      tpu.wait_dma2 semaphore(%run_scoped3A_707 : memref<!tpu.dma_semaphore, #tpu.memory_space<semaphore_mem>>) src(%dma_wait3A_715 : memref<1536xi32, #tpu.memory_space<hbm>>) dst(%arg8 : memref<1536xi32, #tpu.memory_space<vmem>>)
      tpu.yield
    }) : () -> ()
    %mul3A_23 = arith.constant 10000 : i32
    %mul3A_24 = arith.muli %add3A, %mul3A_23 : i32
    %add3A_25 = arith.constant 1536 : i32
    %add3A_26 = arith.addi %mul3A_24, %add3A_25 : i32
    %run_scoped3A_27 = arith.constant 0 : i32
    "tpu.region"() ({
      %run_scoped3A_707 = tpu.sem_alloc : memref<!tpu.dma_semaphore, #tpu.memory_space<semaphore_mem>>
      %dma_start3A_708 = tpu.memref_slice %arg3[%run_scoped3A_27, %add3A_26] : memref<2x320000xi32, #tpu.memory_space<hbm>> -> memref<1x1536xi32, #tpu.memory_space<hbm>>
      %dma_start3A_709 = tpu.memref_squeeze %dma_start3A_708 : memref<1x1536xi32, #tpu.memory_space<hbm>> -> memref<1536xi32, #tpu.memory_space<hbm>>
      %dma_start3A_710 = tpu.memref_slice %arg3[%run_scoped3A_27, %add3A_26] : memref<2x320000xi32, #tpu.memory_space<hbm>> -> memref<1x1536xi32, #tpu.memory_space<hbm>>
      %dma_start3A_711 = tpu.memref_squeeze %dma_start3A_710 : memref<1x1536xi32, #tpu.memory_space<hbm>> -> memref<1536xi32, #tpu.memory_space<hbm>>
      tpu.enqueue_dma source(%dma_start3A_711 : memref<1536xi32, #tpu.memory_space<hbm>>) target(%arg7 : memref<1536xi32, #tpu.memory_space<vmem>>) target_semaphore(%run_scoped3A_707 : memref<!tpu.dma_semaphore, #tpu.memory_space<semaphore_mem>>)
      %dma_wait3A_712 = tpu.memref_slice %arg3[%run_scoped3A_27, %add3A_26] : memref<2x320000xi32, #tpu.memory_space<hbm>> -> memref<1x1536xi32, #tpu.memory_space<hbm>>
      %dma_wait3A_713 = tpu.memref_squeeze %dma_wait3A_712 : memref<1x1536xi32, #tpu.memory_space<hbm>> -> memref<1536xi32, #tpu.memory_space<hbm>>
      %dma_wait3A_714 = tpu.memref_slice %arg3[%run_scoped3A_27, %add3A_26] : memref<2x320000xi32, #tpu.memory_space<hbm>> -> memref<1x1536xi32, #tpu.memory_space<hbm>>
      %dma_wait3A_715 = tpu.memref_squeeze %dma_wait3A_714 : memref<1x1536xi32, #tpu.memory_space<hbm>> -> memref<1536xi32, #tpu.memory_space<hbm>>
      tpu.wait_dma2 semaphore(%run_scoped3A_707 : memref<!tpu.dma_semaphore, #tpu.memory_space<semaphore_mem>>) src(%dma_wait3A_715 : memref<1536xi32, #tpu.memory_space<hbm>>) dst(%arg7 : memref<1536xi32, #tpu.memory_space<vmem>>)
      tpu.yield
    }) : () -> ()
    %dma_start3A_28 = arith.constant 0 : i32
    %dma_start3A_29 = arith.constant 0 : i32
    %dma_start3A_30 = tpu.memref_slice %arg13[%dma_start3A_28, %dma_start3A_29] : memref<10112x16xf32, #tpu.memory_space<vmem_shared>> -> memref<10112x16xf32, #tpu.memory_space<vmem_shared>>
    tpu.enqueue_indirect_dma source(%dma_start3A_30 : memref<10112x16xf32, #tpu.memory_space<vmem_shared>>) target(%arg11 : memref<1536x16xf32, #tpu.memory_space<vmem>>) offsets(%arg7 : memref<1536xi32, #tpu.memory_space<vmem>>) semaphore(%arg16 : memref<!tpu.dma_semaphore, #tpu.memory_space<semaphore_mem>>)
    %run_scoped3A_31 = arith.constant 1 : i32
    "tpu.region"() ({
      %run_scoped3A_707 = tpu.sem_alloc : memref<!tpu.dma_semaphore, #tpu.memory_space<semaphore_mem>>
      %dma_start3A_708 = tpu.memref_slice %arg3[%run_scoped3A_31, %add3A_26] : memref<2x320000xi32, #tpu.memory_space<hbm>> -> memref<1x1536xi32, #tpu.memory_space<hbm>>
      %dma_start3A_709 = tpu.memref_squeeze %dma_start3A_708 : memref<1x1536xi32, #tpu.memory_space<hbm>> -> memref<1536xi32, #tpu.memory_space<hbm>>
      %dma_start3A_710 = tpu.memref_slice %arg3[%run_scoped3A_31, %add3A_26] : memref<2x320000xi32, #tpu.memory_space<hbm>> -> memref<1x1536xi32, #tpu.memory_space<hbm>>
      %dma_start3A_711 = tpu.memref_squeeze %dma_start3A_710 : memref<1x1536xi32, #tpu.memory_space<hbm>> -> memref<1536xi32, #tpu.memory_space<hbm>>
      tpu.enqueue_dma source(%dma_start3A_711 : memref<1536xi32, #tpu.memory_space<hbm>>) target(%arg9 : memref<1536xi32, #tpu.memory_space<vmem>>) target_semaphore(%run_scoped3A_707 : memref<!tpu.dma_semaphore, #tpu.memory_space<semaphore_mem>>)
      %dma_wait3A_712 = tpu.memref_slice %arg3[%run_scoped3A_31, %add3A_26] : memref<2x320000xi32, #tpu.memory_space<hbm>> -> memref<1x1536xi32, #tpu.memory_space<hbm>>
      %dma_wait3A_713 = tpu.memref_squeeze %dma_wait3A_712 : memref<1x1536xi32, #tpu.memory_space<hbm>> -> memref<1536xi32, #tpu.memory_space<hbm>>
      %dma_wait3A_714 = tpu.memref_slice %arg3[%run_scoped3A_31, %add3A_26] : memref<2x320000xi32, #tpu.memory_space<hbm>> -> memref<1x1536xi32, #tpu.memory_space<hbm>>
      %dma_wait3A_715 = tpu.memref_squeeze %dma_wait3A_714 : memref<1x1536xi32, #tpu.memory_space<hbm>> -> memref<1536xi32, #tpu.memory_space<hbm>>
      tpu.wait_dma2 semaphore(%run_scoped3A_707 : memref<!tpu.dma_semaphore, #tpu.memory_space<semaphore_mem>>) src(%dma_wait3A_715 : memref<1536xi32, #tpu.memory_space<hbm>>) dst(%arg9 : memref<1536xi32, #tpu.memory_space<vmem>>)
      tpu.yield
    }) : () -> ()
    %dma_wait3A = arith.constant 0 : i32
    %dma_wait3A_32 = arith.constant 0 : i32
    %dma_wait3A_33 = tpu.memref_slice %arg13[%dma_wait3A, %dma_wait3A_32] : memref<10112x16xf32, #tpu.memory_space<vmem_shared>> -> memref<10112x16xf32, #tpu.memory_space<vmem_shared>>
    tpu.wait_indirect_dma semaphore(%arg15 : memref<!tpu.dma_semaphore, #tpu.memory_space<semaphore_mem>>) src(%dma_wait3A_33 : memref<10112x16xf32, #tpu.memory_space<vmem_shared>>) dst(%arg10 : memref<1536x16xf32, #tpu.memory_space<vmem>>)
    %dma_start3A_34 = arith.constant 0 : i32
    %dma_start3A_35 = arith.constant 0 : i32
    %dma_start3A_36 = tpu.memref_slice %arg18[%dma_start3A_34, %dma_start3A_35] : memref<10112x16xf32, #tpu.memory_space<vmem_shared>> -> memref<10112x16xf32, #tpu.memory_space<vmem_shared>>
    tpu.enqueue_indirect_dma source(%arg17 : memref<1536x16xf32, #tpu.memory_space<vmem>>) target(%dma_start3A_36 : memref<10112x16xf32, #tpu.memory_space<vmem_shared>>) offsets(%arg8 : memref<1536xi32, #tpu.memory_space<vmem>>) semaphore(%arg19 : memref<!tpu.dma_semaphore, #tpu.memory_space<semaphore_mem>>) {add = true}
    "tpu.region"() ({
      %run_scoped3A_707 = tpu.sem_alloc : memref<!tpu.dma_semaphore, #tpu.memory_space<semaphore_mem>>
      %dma_start3A_708 = arith.constant 0 : i32
      %dma_start3A_709 = arith.constant 0 : i32
      %dma_start3A_710 = tpu.memref_slice %arg14[%dma_start3A_708, %dma_start3A_709] : memref<10112x16xf32, #tpu.memory_space<vmem_shared>> -> memref<10112x16xf32, #tpu.memory_space<vmem_shared>>
      tpu.enqueue_indirect_dma source(%arg10 : memref<1536x16xf32, #tpu.memory_space<vmem>>) target(%dma_start3A_710 : memref<10112x16xf32, #tpu.memory_space<vmem_shared>>) offsets(%arg8 : memref<1536xi32, #tpu.memory_space<vmem>>) semaphore(%run_scoped3A_707 : memref<!tpu.dma_semaphore, #tpu.memory_space<semaphore_mem>>) {add = true}
      %dma_wait3A_711 = arith.constant 0 : i32
      %dma_wait3A_712 = arith.constant 0 : i32
      %dma_wait3A_713 = tpu.memref_slice %arg14[%dma_wait3A_711, %dma_wait3A_712] : memref<10112x16xf32, #tpu.memory_space<vmem_shared>> -> memref<10112x16xf32, #tpu.memory_space<vmem_shared>>
      tpu.wait_indirect_dma semaphore(%run_scoped3A_707 : memref<!tpu.dma_semaphore, #tpu.memory_space<semaphore_mem>>) src(%arg10 : memref<1536x16xf32, #tpu.memory_space<vmem>>) dst(%dma_wait3A_713 : memref<10112x16xf32, #tpu.memory_space<vmem_shared>>)
      tpu.yield
    }) : () -> ()
    %dma_wait3A_37 = arith.constant 0 : i32
    %dma_wait3A_38 = arith.constant 0 : i32
    %dma_wait3A_39 = tpu.memref_slice %arg18[%dma_wait3A_37, %dma_wait3A_38] : memref<10112x16xf32, #tpu.memory_space<vmem_shared>> -> memref<10112x16xf32, #tpu.memory_space<vmem_shared>>
    tpu.wait_indirect_dma semaphore(%arg19 : memref<!tpu.dma_semaphore, #tpu.memory_space<semaphore_mem>>) src(%arg17 : memref<1536x16xf32, #tpu.memory_space<vmem>>) dst(%dma_wait3A_39 : memref<10112x16xf32, #tpu.memory_space<vmem_shared>>)
    %mul3A_40 = arith.constant 10000 : i32
    %mul3A_41 = arith.muli %add3A, %mul3A_40 : i32
    %add3A_42 = arith.constant 3072 : i32
    %add3A_43 = arith.addi %mul3A_41, %add3A_42 : i32
    %run_scoped3A_44 = arith.constant 0 : i32
    "tpu.region"() ({
      %run_scoped3A_707 = tpu.sem_alloc : memref<!tpu.dma_semaphore, #tpu.memory_space<semaphore_mem>>
      %dma_start3A_708 = tpu.memref_slice %arg3[%run_scoped3A_44, %add3A_43] : memref<2x320000xi32, #tpu.memory_space<hbm>> -> memref<1x1536xi32, #tpu.memory_space<hbm>>
      %dma_start3A_709 = tpu.memref_squeeze %dma_start3A_708 : memref<1x1536xi32, #tpu.memory_space<hbm>> -> memref<1536xi32, #tpu.memory_space<hbm>>
      %dma_start3A_710 = tpu.memref_slice %arg3[%run_scoped3A_44, %add3A_43] : memref<2x320000xi32, #tpu.memory_space<hbm>> -> memref<1x1536xi32, #tpu.memory_space<hbm>>
      %dma_start3A_711 = tpu.memref_squeeze %dma_start3A_710 : memref<1x1536xi32, #tpu.memory_space<hbm>> -> memref<1536xi32, #tpu.memory_space<hbm>>
      tpu.enqueue_dma source(%dma_start3A_711 : memref<1536xi32, #tpu.memory_space<hbm>>) target(%arg6 : memref<1536xi32, #tpu.memory_space<vmem>>) target_semaphore(%run_scoped3A_707 : memref<!tpu.dma_semaphore, #tpu.memory_space<semaphore_mem>>)
      %dma_wait3A_712 = tpu.memref_slice %arg3[%run_scoped3A_44, %add3A_43] : memref<2x320000xi32, #tpu.memory_space<hbm>> -> memref<1x1536xi32, #tpu.memory_space<hbm>>
      %dma_wait3A_713 = tpu.memref_squeeze %dma_wait3A_712 : memref<1x1536xi32, #tpu.memory_space<hbm>> -> memref<1536xi32, #tpu.memory_space<hbm>>
      %dma_wait3A_714 = tpu.memref_slice %arg3[%run_scoped3A_44, %add3A_43] : memref<2x320000xi32, #tpu.memory_space<hbm>> -> memref<1x1536xi32, #tpu.memory_space<hbm>>
      %dma_wait3A_715 = tpu.memref_squeeze %dma_wait3A_714 : memref<1x1536xi32, #tpu.memory_space<hbm>> -> memref<1536xi32, #tpu.memory_space<hbm>>
      tpu.wait_dma2 semaphore(%run_scoped3A_707 : memref<!tpu.dma_semaphore, #tpu.memory_space<semaphore_mem>>) src(%dma_wait3A_715 : memref<1536xi32, #tpu.memory_space<hbm>>) dst(%arg6 : memref<1536xi32, #tpu.memory_space<vmem>>)
      tpu.yield
    }) : () -> ()
    %dma_start3A_45 = arith.constant 0 : i32
    %dma_start3A_46 = arith.constant 0 : i32
    %dma_start3A_47 = tpu.memref_slice %arg13[%dma_start3A_45, %dma_start3A_46] : memref<10112x16xf32, #tpu.memory_space<vmem_shared>> -> memref<10112x16xf32, #tpu.memory_space<vmem_shared>>
    tpu.enqueue_indirect_dma source(%dma_start3A_47 : memref<10112x16xf32, #tpu.memory_space<vmem_shared>>) target(%arg10 : memref<1536x16xf32, #tpu.memory_space<vmem>>) offsets(%arg6 : memref<1536xi32, #tpu.memory_space<vmem>>) semaphore(%arg15 : memref<!tpu.dma_semaphore, #tpu.memory_space<semaphore_mem>>)
    %run_scoped3A_48 = arith.constant 1 : i32
    "tpu.region"() ({
      %run_scoped3A_707 = tpu.sem_alloc : memref<!tpu.dma_semaphore, #tpu.memory_space<semaphore_mem>>
      %dma_start3A_708 = tpu.memref_slice %arg3[%run_scoped3A_48, %add3A_43] : memref<2x320000xi32, #tpu.memory_space<hbm>> -> memref<1x1536xi32, #tpu.memory_space<hbm>>
      %dma_start3A_709 = tpu.memref_squeeze %dma_start3A_708 : memref<1x1536xi32, #tpu.memory_space<hbm>> -> memref<1536xi32, #tpu.memory_space<hbm>>
      %dma_start3A_710 = tpu.memref_slice %arg3[%run_scoped3A_48, %add3A_43] : memref<2x320000xi32, #tpu.memory_space<hbm>> -> memref<1x1536xi32, #tpu.memory_space<hbm>>
      %dma_start3A_711 = tpu.memref_squeeze %dma_start3A_710 : memref<1x1536xi32, #tpu.memory_space<hbm>> -> memref<1536xi32, #tpu.memory_space<hbm>>
      tpu.enqueue_dma source(%dma_start3A_711 : memref<1536xi32, #tpu.memory_space<hbm>>) target(%arg8 : memref<1536xi32, #tpu.memory_space<vmem>>) target_semaphore(%run_scoped3A_707 : memref<!tpu.dma_semaphore, #tpu.memory_space<semaphore_mem>>)
      %dma_wait3A_712 = tpu.memref_slice %arg3[%run_scoped3A_48, %add3A_43] : memref<2x320000xi32, #tpu.memory_space<hbm>> -> memref<1x1536xi32, #tpu.memory_space<hbm>>
      %dma_wait3A_713 = tpu.memref_squeeze %dma_wait3A_712 : memref<1x1536xi32, #tpu.memory_space<hbm>> -> memref<1536xi32, #tpu.memory_space<hbm>>
      %dma_wait3A_714 = tpu.memref_slice %arg3[%run_scoped3A_48, %add3A_43] : memref<2x320000xi32, #tpu.memory_space<hbm>> -> memref<1x1536xi32, #tpu.memory_space<hbm>>
      %dma_wait3A_715 = tpu.memref_squeeze %dma_wait3A_714 : memref<1x1536xi32, #tpu.memory_space<hbm>> -> memref<1536xi32, #tpu.memory_space<hbm>>
      tpu.wait_dma2 semaphore(%run_scoped3A_707 : memref<!tpu.dma_semaphore, #tpu.memory_space<semaphore_mem>>) src(%dma_wait3A_715 : memref<1536xi32, #tpu.memory_space<hbm>>) dst(%arg8 : memref<1536xi32, #tpu.memory_space<vmem>>)
      tpu.yield
    }) : () -> ()
    %dma_wait3A_49 = arith.constant 0 : i32
    %dma_wait3A_50 = arith.constant 0 : i32
    %dma_wait3A_51 = tpu.memref_slice %arg13[%dma_wait3A_49, %dma_wait3A_50] : memref<10112x16xf32, #tpu.memory_space<vmem_shared>> -> memref<10112x16xf32, #tpu.memory_space<vmem_shared>>
    tpu.wait_indirect_dma semaphore(%arg16 : memref<!tpu.dma_semaphore, #tpu.memory_space<semaphore_mem>>) src(%dma_wait3A_51 : memref<10112x16xf32, #tpu.memory_space<vmem_shared>>) dst(%arg11 : memref<1536x16xf32, #tpu.memory_space<vmem>>)
    %dma_start3A_52 = arith.constant 0 : i32
    %dma_start3A_53 = arith.constant 0 : i32
    %dma_start3A_54 = tpu.memref_slice %arg18[%dma_start3A_52, %dma_start3A_53] : memref<10112x16xf32, #tpu.memory_space<vmem_shared>> -> memref<10112x16xf32, #tpu.memory_space<vmem_shared>>
    tpu.enqueue_indirect_dma source(%arg17 : memref<1536x16xf32, #tpu.memory_space<vmem>>) target(%dma_start3A_54 : memref<10112x16xf32, #tpu.memory_space<vmem_shared>>) offsets(%arg9 : memref<1536xi32, #tpu.memory_space<vmem>>) semaphore(%arg19 : memref<!tpu.dma_semaphore, #tpu.memory_space<semaphore_mem>>) {add = true}
    "tpu.region"() ({
      %run_scoped3A_707 = tpu.sem_alloc : memref<!tpu.dma_semaphore, #tpu.memory_space<semaphore_mem>>
      %dma_start3A_708 = arith.constant 0 : i32
      %dma_start3A_709 = arith.constant 0 : i32
      %dma_start3A_710 = tpu.memref_slice %arg14[%dma_start3A_708, %dma_start3A_709] : memref<10112x16xf32, #tpu.memory_space<vmem_shared>> -> memref<10112x16xf32, #tpu.memory_space<vmem_shared>>
      tpu.enqueue_indirect_dma source(%arg11 : memref<1536x16xf32, #tpu.memory_space<vmem>>) target(%dma_start3A_710 : memref<10112x16xf32, #tpu.memory_space<vmem_shared>>) offsets(%arg9 : memref<1536xi32, #tpu.memory_space<vmem>>) semaphore(%run_scoped3A_707 : memref<!tpu.dma_semaphore, #tpu.memory_space<semaphore_mem>>) {add = true}
      %dma_wait3A_711 = arith.constant 0 : i32
      %dma_wait3A_712 = arith.constant 0 : i32
      %dma_wait3A_713 = tpu.memref_slice %arg14[%dma_wait3A_711, %dma_wait3A_712] : memref<10112x16xf32, #tpu.memory_space<vmem_shared>> -> memref<10112x16xf32, #tpu.memory_space<vmem_shared>>
      tpu.wait_indirect_dma semaphore(%run_scoped3A_707 : memref<!tpu.dma_semaphore, #tpu.memory_space<semaphore_mem>>) src(%arg11 : memref<1536x16xf32, #tpu.memory_space<vmem>>) dst(%dma_wait3A_713 : memref<10112x16xf32, #tpu.memory_space<vmem_shared>>)
      tpu.yield
    }) : () -> ()
    %dma_wait3A_55 = arith.constant 0 : i32
    %dma_wait3A_56 = arith.constant 0 : i32
    %dma_wait3A_57 = tpu.memref_slice %arg18[%dma_wait3A_55, %dma_wait3A_56] : memref<10112x16xf32, #tpu.memory_space<vmem_shared>> -> memref<10112x16xf32, #tpu.memory_space<vmem_shared>>
    tpu.wait_indirect_dma semaphore(%arg19 : memref<!tpu.dma_semaphore, #tpu.memory_space<semaphore_mem>>) src(%arg17 : memref<1536x16xf32, #tpu.memory_space<vmem>>) dst(%dma_wait3A_57 : memref<10112x16xf32, #tpu.memory_space<vmem_shared>>)
    %mul3A_58 = arith.constant 10000 : i32
    %mul3A_59 = arith.muli %add3A, %mul3A_58 : i32
    %add3A_60 = arith.constant 4608 : i32
    %add3A_61 = arith.addi %mul3A_59, %add3A_60 : i32
    %run_scoped3A_62 = arith.constant 0 : i32
    "tpu.region"() ({
      %run_scoped3A_707 = tpu.sem_alloc : memref<!tpu.dma_semaphore, #tpu.memory_space<semaphore_mem>>
      %dma_start3A_708 = tpu.memref_slice %arg3[%run_scoped3A_62, %add3A_61] : memref<2x320000xi32, #tpu.memory_space<hbm>> -> memref<1x1536xi32, #tpu.memory_space<hbm>>
      %dma_start3A_709 = tpu.memref_squeeze %dma_start3A_708 : memref<1x1536xi32, #tpu.memory_space<hbm>> -> memref<1536xi32, #tpu.memory_space<hbm>>
      %dma_start3A_710 = tpu.memref_slice %arg3[%run_scoped3A_62, %add3A_61] : memref<2x320000xi32, #tpu.memory_space<hbm>> -> memref<1x1536xi32, #tpu.memory_space<hbm>>
      %dma_start3A_711 = tpu.memref_squeeze %dma_start3A_710 : memref<1x1536xi32, #tpu.memory_space<hbm>> -> memref<1536xi32, #tpu.memory_space<hbm>>
      tpu.enqueue_dma source(%dma_start3A_711 : memref<1536xi32, #tpu.memory_space<hbm>>) target(%arg7 : memref<1536xi32, #tpu.memory_space<vmem>>) target_semaphore(%run_scoped3A_707 : memref<!tpu.dma_semaphore, #tpu.memory_space<semaphore_mem>>)
      %dma_wait3A_712 = tpu.memref_slice %arg3[%run_scoped3A_62, %add3A_61] : memref<2x320000xi32, #tpu.memory_space<hbm>> -> memref<1x1536xi32, #tpu.memory_space<hbm>>
      %dma_wait3A_713 = tpu.memref_squeeze %dma_wait3A_712 : memref<1x1536xi32, #tpu.memory_space<hbm>> -> memref<1536xi32, #tpu.memory_space<hbm>>
      %dma_wait3A_714 = tpu.memref_slice %arg3[%run_scoped3A_62, %add3A_61] : memref<2x320000xi32, #tpu.memory_space<hbm>> -> memref<1x1536xi32, #tpu.memory_space<hbm>>
      %dma_wait3A_715 = tpu.memref_squeeze %dma_wait3A_714 : memref<1x1536xi32, #tpu.memory_space<hbm>> -> memref<1536xi32, #tpu.memory_space<hbm>>
      tpu.wait_dma2 semaphore(%run_scoped3A_707 : memref<!tpu.dma_semaphore, #tpu.memory_space<semaphore_mem>>) src(%dma_wait3A_715 : memref<1536xi32, #tpu.memory_space<hbm>>) dst(%arg7 : memref<1536xi32, #tpu.memory_space<vmem>>)
      tpu.yield
    }) : () -> ()
    %dma_start3A_63 = arith.constant 0 : i32
    %dma_start3A_64 = arith.constant 0 : i32
    %dma_start3A_65 = tpu.memref_slice %arg13[%dma_start3A_63, %dma_start3A_64] : memref<10112x16xf32, #tpu.memory_space<vmem_shared>> -> memref<10112x16xf32, #tpu.memory_space<vmem_shared>>
    tpu.enqueue_indirect_dma source(%dma_start3A_65 : memref<10112x16xf32, #tpu.memory_space<vmem_shared>>) target(%arg11 : memref<1536x16xf32, #tpu.memory_space<vmem>>) offsets(%arg7 : memref<1536xi32, #tpu.memory_space<vmem>>) semaphore(%arg16 : memref<!tpu.dma_semaphore, #tpu.memory_space<semaphore_mem>>)
    %run_scoped3A_66 = arith.constant 1 : i32
    "tpu.region"() ({
      %run_scoped3A_707 = tpu.sem_alloc : memref<!tpu.dma_semaphore, #tpu.memory_space<semaphore_mem>>
      %dma_start3A_708 = tpu.memref_slice %arg3[%run_scoped3A_66, %add3A_61] : memref<2x320000xi32, #tpu.memory_space<hbm>> -> memref<1x1536xi32, #tpu.memory_space<hbm>>
      %dma_start3A_709 = tpu.memref_squeeze %dma_start3A_708 : memref<1x1536xi32, #tpu.memory_space<hbm>> -> memref<1536xi32, #tpu.memory_space<hbm>>
      %dma_start3A_710 = tpu.memref_slice %arg3[%run_scoped3A_66, %add3A_61] : memref<2x320000xi32, #tpu.memory_space<hbm>> -> memref<1x1536xi32, #tpu.memory_space<hbm>>
      %dma_start3A_711 = tpu.memref_squeeze %dma_start3A_710 : memref<1x1536xi32, #tpu.memory_space<hbm>> -> memref<1536xi32, #tpu.memory_space<hbm>>
      tpu.enqueue_dma source(%dma_start3A_711 : memref<1536xi32, #tpu.memory_space<hbm>>) target(%arg9 : memref<1536xi32, #tpu.memory_space<vmem>>) target_semaphore(%run_scoped3A_707 : memref<!tpu.dma_semaphore, #tpu.memory_space<semaphore_mem>>)
      %dma_wait3A_712 = tpu.memref_slice %arg3[%run_scoped3A_66, %add3A_61] : memref<2x320000xi32, #tpu.memory_space<hbm>> -> memref<1x1536xi32, #tpu.memory_space<hbm>>
      %dma_wait3A_713 = tpu.memref_squeeze %dma_wait3A_712 : memref<1x1536xi32, #tpu.memory_space<hbm>> -> memref<1536xi32, #tpu.memory_space<hbm>>
      %dma_wait3A_714 = tpu.memref_slice %arg3[%run_scoped3A_66, %add3A_61] : memref<2x320000xi32, #tpu.memory_space<hbm>> -> memref<1x1536xi32, #tpu.memory_space<hbm>>
      %dma_wait3A_715 = tpu.memref_squeeze %dma_wait3A_714 : memref<1x1536xi32, #tpu.memory_space<hbm>> -> memref<1536xi32, #tpu.memory_space<hbm>>
      tpu.wait_dma2 semaphore(%run_scoped3A_707 : memref<!tpu.dma_semaphore, #tpu.memory_space<semaphore_mem>>) src(%dma_wait3A_715 : memref<1536xi32, #tpu.memory_space<hbm>>) dst(%arg9 : memref<1536xi32, #tpu.memory_space<vmem>>)
      tpu.yield
    }) : () -> ()
    %dma_wait3A_67 = arith.constant 0 : i32
    %dma_wait3A_68 = arith.constant 0 : i32
    %dma_wait3A_69 = tpu.memref_slice %arg13[%dma_wait3A_67, %dma_wait3A_68] : memref<10112x16xf32, #tpu.memory_space<vmem_shared>> -> memref<10112x16xf32, #tpu.memory_space<vmem_shared>>
    tpu.wait_indirect_dma semaphore(%arg15 : memref<!tpu.dma_semaphore, #tpu.memory_space<semaphore_mem>>) src(%dma_wait3A_69 : memref<10112x16xf32, #tpu.memory_space<vmem_shared>>) dst(%arg10 : memref<1536x16xf32, #tpu.memory_space<vmem>>)
    %dma_start3A_70 = arith.constant 0 : i32
    %dma_start3A_71 = arith.constant 0 : i32
    %dma_start3A_72 = tpu.memref_slice %arg18[%dma_start3A_70, %dma_start3A_71] : memref<10112x16xf32, #tpu.memory_space<vmem_shared>> -> memref<10112x16xf32, #tpu.memory_space<vmem_shared>>
    tpu.enqueue_indirect_dma source(%arg17 : memref<1536x16xf32, #tpu.memory_space<vmem>>) target(%dma_start3A_72 : memref<10112x16xf32, #tpu.memory_space<vmem_shared>>) offsets(%arg8 : memref<1536xi32, #tpu.memory_space<vmem>>) semaphore(%arg19 : memref<!tpu.dma_semaphore, #tpu.memory_space<semaphore_mem>>) {add = true}
    "tpu.region"() ({
      %run_scoped3A_707 = tpu.sem_alloc : memref<!tpu.dma_semaphore, #tpu.memory_space<semaphore_mem>>
      %dma_start3A_708 = arith.constant 0 : i32
      %dma_start3A_709 = arith.constant 0 : i32
      %dma_start3A_710 = tpu.memref_slice %arg14[%dma_start3A_708, %dma_start3A_709] : memref<10112x16xf32, #tpu.memory_space<vmem_shared>> -> memref<10112x16xf32, #tpu.memory_space<vmem_shared>>
      tpu.enqueue_indirect_dma source(%arg10 : memref<1536x16xf32, #tpu.memory_space<vmem>>) target(%dma_start3A_710 : memref<10112x16xf32, #tpu.memory_space<vmem_shared>>) offsets(%arg8 : memref<1536xi32, #tpu.memory_space<vmem>>) semaphore(%run_scoped3A_707 : memref<!tpu.dma_semaphore, #tpu.memory_space<semaphore_mem>>) {add = true}
      %dma_wait3A_711 = arith.constant 0 : i32
      %dma_wait3A_712 = arith.constant 0 : i32
      %dma_wait3A_713 = tpu.memref_slice %arg14[%dma_wait3A_711, %dma_wait3A_712] : memref<10112x16xf32, #tpu.memory_space<vmem_shared>> -> memref<10112x16xf32, #tpu.memory_space<vmem_shared>>
      tpu.wait_indirect_dma semaphore(%run_scoped3A_707 : memref<!tpu.dma_semaphore, #tpu.memory_space<semaphore_mem>>) src(%arg10 : memref<1536x16xf32, #tpu.memory_space<vmem>>) dst(%dma_wait3A_713 : memref<10112x16xf32, #tpu.memory_space<vmem_shared>>)
      tpu.yield
    }) : () -> ()
    %dma_wait3A_73 = arith.constant 0 : i32
    %dma_wait3A_74 = arith.constant 0 : i32
    %dma_wait3A_75 = tpu.memref_slice %arg18[%dma_wait3A_73, %dma_wait3A_74] : memref<10112x16xf32, #tpu.memory_space<vmem_shared>> -> memref<10112x16xf32, #tpu.memory_space<vmem_shared>>
    tpu.wait_indirect_dma semaphore(%arg19 : memref<!tpu.dma_semaphore, #tpu.memory_space<semaphore_mem>>) src(%arg17 : memref<1536x16xf32, #tpu.memory_space<vmem>>) dst(%dma_wait3A_75 : memref<10112x16xf32, #tpu.memory_space<vmem_shared>>)
    %mul3A_76 = arith.constant 10000 : i32
    %mul3A_77 = arith.muli %add3A, %mul3A_76 : i32
    %add3A_78 = arith.constant 6144 : i32
    %add3A_79 = arith.addi %mul3A_77, %add3A_78 : i32
    %run_scoped3A_80 = arith.constant 0 : i32
    "tpu.region"() ({
      %run_scoped3A_707 = tpu.sem_alloc : memref<!tpu.dma_semaphore, #tpu.memory_space<semaphore_mem>>
      %dma_start3A_708 = tpu.memref_slice %arg3[%run_scoped3A_80, %add3A_79] : memref<2x320000xi32, #tpu.memory_space<hbm>> -> memref<1x1536xi32, #tpu.memory_space<hbm>>
      %dma_start3A_709 = tpu.memref_squeeze %dma_start3A_708 : memref<1x1536xi32, #tpu.memory_space<hbm>> -> memref<1536xi32, #tpu.memory_space<hbm>>
      %dma_start3A_710 = tpu.memref_slice %arg3[%run_scoped3A_80, %add3A_79] : memref<2x320000xi32, #tpu.memory_space<hbm>> -> memref<1x1536xi32, #tpu.memory_space<hbm>>
      %dma_start3A_711 = tpu.memref_squeeze %dma_start3A_710 : memref<1x1536xi32, #tpu.memory_space<hbm>> -> memref<1536xi32, #tpu.memory_space<hbm>>
      tpu.enqueue_dma source(%dma_start3A_711 : memref<1536xi32, #tpu.memory_space<hbm>>) target(%arg6 : memref<1536xi32, #tpu.memory_space<vmem>>) target_semaphore(%run_scoped3A_707 : memref<!tpu.dma_semaphore, #tpu.memory_space<semaphore_mem>>)
      %dma_wait3A_712 = tpu.memref_slice %arg3[%run_scoped3A_80, %add3A_79] : memref<2x320000xi32, #tpu.memory_space<hbm>> -> memref<1x1536xi32, #tpu.memory_space<hbm>>
      %dma_wait3A_713 = tpu.memref_squeeze %dma_wait3A_712 : memref<1x1536xi32, #tpu.memory_space<hbm>> -> memref<1536xi32, #tpu.memory_space<hbm>>
      %dma_wait3A_714 = tpu.memref_slice %arg3[%run_scoped3A_80, %add3A_79] : memref<2x320000xi32, #tpu.memory_space<hbm>> -> memref<1x1536xi32, #tpu.memory_space<hbm>>
      %dma_wait3A_715 = tpu.memref_squeeze %dma_wait3A_714 : memref<1x1536xi32, #tpu.memory_space<hbm>> -> memref<1536xi32, #tpu.memory_space<hbm>>
      tpu.wait_dma2 semaphore(%run_scoped3A_707 : memref<!tpu.dma_semaphore, #tpu.memory_space<semaphore_mem>>) src(%dma_wait3A_715 : memref<1536xi32, #tpu.memory_space<hbm>>) dst(%arg6 : memref<1536xi32, #tpu.memory_space<vmem>>)
      tpu.yield
    }) : () -> ()
    %dma_start3A_81 = arith.constant 0 : i32
    %dma_start3A_82 = arith.constant 0 : i32
    %dma_start3A_83 = tpu.memref_slice %arg13[%dma_start3A_81, %dma_start3A_82] : memref<10112x16xf32, #tpu.memory_space<vmem_shared>> -> memref<10112x16xf32, #tpu.memory_space<vmem_shared>>
    tpu.enqueue_indirect_dma source(%dma_start3A_83 : memref<10112x16xf32, #tpu.memory_space<vmem_shared>>) target(%arg10 : memref<1536x16xf32, #tpu.memory_space<vmem>>) offsets(%arg6 : memref<1536xi32, #tpu.memory_space<vmem>>) semaphore(%arg15 : memref<!tpu.dma_semaphore, #tpu.memory_space<semaphore_mem>>)
    %run_scoped3A_84 = arith.constant 1 : i32
    "tpu.region"() ({
      %run_scoped3A_707 = tpu.sem_alloc : memref<!tpu.dma_semaphore, #tpu.memory_space<semaphore_mem>>
      %dma_start3A_708 = tpu.memref_slice %arg3[%run_scoped3A_84, %add3A_79] : memref<2x320000xi32, #tpu.memory_space<hbm>> -> memref<1x1536xi32, #tpu.memory_space<hbm>>
      %dma_start3A_709 = tpu.memref_squeeze %dma_start3A_708 : memref<1x1536xi32, #tpu.memory_space<hbm>> -> memref<1536xi32, #tpu.memory_space<hbm>>
      %dma_start3A_710 = tpu.memref_slice %arg3[%run_scoped3A_84, %add3A_79] : memref<2x320000xi32, #tpu.memory_space<hbm>> -> memref<1x1536xi32, #tpu.memory_space<hbm>>
      %dma_start3A_711 = tpu.memref_squeeze %dma_start3A_710 : memref<1x1536xi32, #tpu.memory_space<hbm>> -> memref<1536xi32, #tpu.memory_space<hbm>>
      tpu.enqueue_dma source(%dma_start3A_711 : memref<1536xi32, #tpu.memory_space<hbm>>) target(%arg8 : memref<1536xi32, #tpu.memory_space<vmem>>) target_semaphore(%run_scoped3A_707 : memref<!tpu.dma_semaphore, #tpu.memory_space<semaphore_mem>>)
      %dma_wait3A_712 = tpu.memref_slice %arg3[%run_scoped3A_84, %add3A_79] : memref<2x320000xi32, #tpu.memory_space<hbm>> -> memref<1x1536xi32, #tpu.memory_space<hbm>>
      %dma_wait3A_713 = tpu.memref_squeeze %dma_wait3A_712 : memref<1x1536xi32, #tpu.memory_space<hbm>> -> memref<1536xi32, #tpu.memory_space<hbm>>
      %dma_wait3A_714 = tpu.memref_slice %arg3[%run_scoped3A_84, %add3A_79] : memref<2x320000xi32, #tpu.memory_space<hbm>> -> memref<1x1536xi32, #tpu.memory_space<hbm>>
      %dma_wait3A_715 = tpu.memref_squeeze %dma_wait3A_714 : memref<1x1536xi32, #tpu.memory_space<hbm>> -> memref<1536xi32, #tpu.memory_space<hbm>>
      tpu.wait_dma2 semaphore(%run_scoped3A_707 : memref<!tpu.dma_semaphore, #tpu.memory_space<semaphore_mem>>) src(%dma_wait3A_715 : memref<1536xi32, #tpu.memory_space<hbm>>) dst(%arg8 : memref<1536xi32, #tpu.memory_space<vmem>>)
      tpu.yield
    }) : () -> ()
    %dma_wait3A_85 = arith.constant 0 : i32
    %dma_wait3A_86 = arith.constant 0 : i32
    %dma_wait3A_87 = tpu.memref_slice %arg13[%dma_wait3A_85, %dma_wait3A_86] : memref<10112x16xf32, #tpu.memory_space<vmem_shared>> -> memref<10112x16xf32, #tpu.memory_space<vmem_shared>>
    tpu.wait_indirect_dma semaphore(%arg16 : memref<!tpu.dma_semaphore, #tpu.memory_space<semaphore_mem>>) src(%dma_wait3A_87 : memref<10112x16xf32, #tpu.memory_space<vmem_shared>>) dst(%arg11 : memref<1536x16xf32, #tpu.memory_space<vmem>>)
    %dma_start3A_88 = arith.constant 0 : i32
    %dma_start3A_89 = arith.constant 0 : i32
    %dma_start3A_90 = tpu.memref_slice %arg18[%dma_start3A_88, %dma_start3A_89] : memref<10112x16xf32, #tpu.memory_space<vmem_shared>> -> memref<10112x16xf32, #tpu.memory_space<vmem_shared>>
    tpu.enqueue_indirect_dma source(%arg17 : memref<1536x16xf32, #tpu.memory_space<vmem>>) target(%dma_start3A_90 : memref<10112x16xf32, #tpu.memory_space<vmem_shared>>) offsets(%arg9 : memref<1536xi32, #tpu.memory_space<vmem>>) semaphore(%arg19 : memref<!tpu.dma_semaphore, #tpu.memory_space<semaphore_mem>>) {add = true}
    "tpu.region"() ({
      %run_scoped3A_707 = tpu.sem_alloc : memref<!tpu.dma_semaphore, #tpu.memory_space<semaphore_mem>>
      %dma_start3A_708 = arith.constant 0 : i32
      %dma_start3A_709 = arith.constant 0 : i32
      %dma_start3A_710 = tpu.memref_slice %arg14[%dma_start3A_708, %dma_start3A_709] : memref<10112x16xf32, #tpu.memory_space<vmem_shared>> -> memref<10112x16xf32, #tpu.memory_space<vmem_shared>>
      tpu.enqueue_indirect_dma source(%arg11 : memref<1536x16xf32, #tpu.memory_space<vmem>>) target(%dma_start3A_710 : memref<10112x16xf32, #tpu.memory_space<vmem_shared>>) offsets(%arg9 : memref<1536xi32, #tpu.memory_space<vmem>>) semaphore(%run_scoped3A_707 : memref<!tpu.dma_semaphore, #tpu.memory_space<semaphore_mem>>) {add = true}
      %dma_wait3A_711 = arith.constant 0 : i32
      %dma_wait3A_712 = arith.constant 0 : i32
      %dma_wait3A_713 = tpu.memref_slice %arg14[%dma_wait3A_711, %dma_wait3A_712] : memref<10112x16xf32, #tpu.memory_space<vmem_shared>> -> memref<10112x16xf32, #tpu.memory_space<vmem_shared>>
      tpu.wait_indirect_dma semaphore(%run_scoped3A_707 : memref<!tpu.dma_semaphore, #tpu.memory_space<semaphore_mem>>) src(%arg11 : memref<1536x16xf32, #tpu.memory_space<vmem>>) dst(%dma_wait3A_713 : memref<10112x16xf32, #tpu.memory_space<vmem_shared>>)
      tpu.yield
    }) : () -> ()
    %dma_wait3A_91 = arith.constant 0 : i32
    %dma_wait3A_92 = arith.constant 0 : i32
    %dma_wait3A_93 = tpu.memref_slice %arg18[%dma_wait3A_91, %dma_wait3A_92] : memref<10112x16xf32, #tpu.memory_space<vmem_shared>> -> memref<10112x16xf32, #tpu.memory_space<vmem_shared>>
    tpu.wait_indirect_dma semaphore(%arg19 : memref<!tpu.dma_semaphore, #tpu.memory_space<semaphore_mem>>) src(%arg17 : memref<1536x16xf32, #tpu.memory_space<vmem>>) dst(%dma_wait3A_93 : memref<10112x16xf32, #tpu.memory_space<vmem_shared>>)
    %mul3A_94 = arith.constant 10000 : i32
    %mul3A_95 = arith.muli %add3A, %mul3A_94 : i32
    %add3A_96 = arith.constant 7680 : i32
    %add3A_97 = arith.addi %mul3A_95, %add3A_96 : i32
    %run_scoped3A_98 = arith.constant 0 : i32
    "tpu.region"() ({
      %run_scoped3A_707 = tpu.sem_alloc : memref<!tpu.dma_semaphore, #tpu.memory_space<semaphore_mem>>
      %dma_start3A_708 = tpu.memref_slice %arg3[%run_scoped3A_98, %add3A_97] : memref<2x320000xi32, #tpu.memory_space<hbm>> -> memref<1x1536xi32, #tpu.memory_space<hbm>>
      %dma_start3A_709 = tpu.memref_squeeze %dma_start3A_708 : memref<1x1536xi32, #tpu.memory_space<hbm>> -> memref<1536xi32, #tpu.memory_space<hbm>>
      %dma_start3A_710 = tpu.memref_slice %arg3[%run_scoped3A_98, %add3A_97] : memref<2x320000xi32, #tpu.memory_space<hbm>> -> memref<1x1536xi32, #tpu.memory_space<hbm>>
      %dma_start3A_711 = tpu.memref_squeeze %dma_start3A_710 : memref<1x1536xi32, #tpu.memory_space<hbm>> -> memref<1536xi32, #tpu.memory_space<hbm>>
      tpu.enqueue_dma source(%dma_start3A_711 : memref<1536xi32, #tpu.memory_space<hbm>>) target(%arg7 : memref<1536xi32, #tpu.memory_space<vmem>>) target_semaphore(%run_scoped3A_707 : memref<!tpu.dma_semaphore, #tpu.memory_space<semaphore_mem>>)
      %dma_wait3A_712 = tpu.memref_slice %arg3[%run_scoped3A_98, %add3A_97] : memref<2x320000xi32, #tpu.memory_space<hbm>> -> memref<1x1536xi32, #tpu.memory_space<hbm>>
      %dma_wait3A_713 = tpu.memref_squeeze %dma_wait3A_712 : memref<1x1536xi32, #tpu.memory_space<hbm>> -> memref<1536xi32, #tpu.memory_space<hbm>>
      %dma_wait3A_714 = tpu.memref_slice %arg3[%run_scoped3A_98, %add3A_97] : memref<2x320000xi32, #tpu.memory_space<hbm>> -> memref<1x1536xi32, #tpu.memory_space<hbm>>
      %dma_wait3A_715 = tpu.memref_squeeze %dma_wait3A_714 : memref<1x1536xi32, #tpu.memory_space<hbm>> -> memref<1536xi32, #tpu.memory_space<hbm>>
      tpu.wait_dma2 semaphore(%run_scoped3A_707 : memref<!tpu.dma_semaphore, #tpu.memory_space<semaphore_mem>>) src(%dma_wait3A_715 : memref<1536xi32, #tpu.memory_space<hbm>>) dst(%arg7 : memref<1536xi32, #tpu.memory_space<vmem>>)
      tpu.yield
    }) : () -> ()
    %dma_start3A_99 = arith.constant 0 : i32
    %dma_start3A_100 = arith.constant 0 : i32
    %dma_start3A_101 = tpu.memref_slice %arg13[%dma_start3A_99, %dma_start3A_100] : memref<10112x16xf32, #tpu.memory_space<vmem_shared>> -> memref<10112x16xf32, #tpu.memory_space<vmem_shared>>
    tpu.enqueue_indirect_dma source(%dma_start3A_101 : memref<10112x16xf32, #tpu.memory_space<vmem_shared>>) target(%arg11 : memref<1536x16xf32, #tpu.memory_space<vmem>>) offsets(%arg7 : memref<1536xi32, #tpu.memory_space<vmem>>) semaphore(%arg16 : memref<!tpu.dma_semaphore, #tpu.memory_space<semaphore_mem>>)
    %run_scoped3A_102 = arith.constant 1 : i32
    "tpu.region"() ({
      %run_scoped3A_707 = tpu.sem_alloc : memref<!tpu.dma_semaphore, #tpu.memory_space<semaphore_mem>>
      %dma_start3A_708 = tpu.memref_slice %arg3[%run_scoped3A_102, %add3A_97] : memref<2x320000xi32, #tpu.memory_space<hbm>> -> memref<1x1536xi32, #tpu.memory_space<hbm>>
      %dma_start3A_709 = tpu.memref_squeeze %dma_start3A_708 : memref<1x1536xi32, #tpu.memory_space<hbm>> -> memref<1536xi32, #tpu.memory_space<hbm>>
      %dma_start3A_710 = tpu.memref_slice %arg3[%run_scoped3A_102, %add3A_97] : memref<2x320000xi32, #tpu.memory_space<hbm>> -> memref<1x1536xi32, #tpu.memory_space<hbm>>
      %dma_start3A_711 = tpu.memref_squeeze %dma_start3A_710 : memref<1x1536xi32, #tpu.memory_space<hbm>> -> memref<1536xi32, #tpu.memory_space<hbm>>
      tpu.enqueue_dma source(%dma_start3A_711 : memref<1536xi32, #tpu.memory_space<hbm>>) target(%arg9 : memref<1536xi32, #tpu.memory_space<vmem>>) target_semaphore(%run_scoped3A_707 : memref<!tpu.dma_semaphore, #tpu.memory_space<semaphore_mem>>)
      %dma_wait3A_712 = tpu.memref_slice %arg3[%run_scoped3A_102, %add3A_97] : memref<2x320000xi32, #tpu.memory_space<hbm>> -> memref<1x1536xi32, #tpu.memory_space<hbm>>
      %dma_wait3A_713 = tpu.memref_squeeze %dma_wait3A_712 : memref<1x1536xi32, #tpu.memory_space<hbm>> -> memref<1536xi32, #tpu.memory_space<hbm>>
      %dma_wait3A_714 = tpu.memref_slice %arg3[%run_scoped3A_102, %add3A_97] : memref<2x320000xi32, #tpu.memory_space<hbm>> -> memref<1x1536xi32, #tpu.memory_space<hbm>>
      %dma_wait3A_715 = tpu.memref_squeeze %dma_wait3A_714 : memref<1x1536xi32, #tpu.memory_space<hbm>> -> memref<1536xi32, #tpu.memory_space<hbm>>
      tpu.wait_dma2 semaphore(%run_scoped3A_707 : memref<!tpu.dma_semaphore, #tpu.memory_space<semaphore_mem>>) src(%dma_wait3A_715 : memref<1536xi32, #tpu.memory_space<hbm>>) dst(%arg9 : memref<1536xi32, #tpu.memory_space<vmem>>)
      tpu.yield
    }) : () -> ()
    %dma_wait3A_103 = arith.constant 0 : i32
    %dma_wait3A_104 = arith.constant 0 : i32
    %dma_wait3A_105 = tpu.memref_slice %arg13[%dma_wait3A_103, %dma_wait3A_104] : memref<10112x16xf32, #tpu.memory_space<vmem_shared>> -> memref<10112x16xf32, #tpu.memory_space<vmem_shared>>
    tpu.wait_indirect_dma semaphore(%arg15 : memref<!tpu.dma_semaphore, #tpu.memory_space<semaphore_mem>>) src(%dma_wait3A_105 : memref<10112x16xf32, #tpu.memory_space<vmem_shared>>) dst(%arg10 : memref<1536x16xf32, #tpu.memory_space<vmem>>)
    %dma_start3A_106 = arith.constant 0 : i32
    %dma_start3A_107 = arith.constant 0 : i32
    %dma_start3A_108 = tpu.memref_slice %arg18[%dma_start3A_106, %dma_start3A_107] : memref<10112x16xf32, #tpu.memory_space<vmem_shared>> -> memref<10112x16xf32, #tpu.memory_space<vmem_shared>>
    tpu.enqueue_indirect_dma source(%arg17 : memref<1536x16xf32, #tpu.memory_space<vmem>>) target(%dma_start3A_108 : memref<10112x16xf32, #tpu.memory_space<vmem_shared>>) offsets(%arg8 : memref<1536xi32, #tpu.memory_space<vmem>>) semaphore(%arg19 : memref<!tpu.dma_semaphore, #tpu.memory_space<semaphore_mem>>) {add = true}
    "tpu.region"() ({
      %run_scoped3A_707 = tpu.sem_alloc : memref<!tpu.dma_semaphore, #tpu.memory_space<semaphore_mem>>
      %dma_start3A_708 = arith.constant 0 : i32
      %dma_start3A_709 = arith.constant 0 : i32
      %dma_start3A_710 = tpu.memref_slice %arg14[%dma_start3A_708, %dma_start3A_709] : memref<10112x16xf32, #tpu.memory_space<vmem_shared>> -> memref<10112x16xf32, #tpu.memory_space<vmem_shared>>
      tpu.enqueue_indirect_dma source(%arg10 : memref<1536x16xf32, #tpu.memory_space<vmem>>) target(%dma_start3A_710 : memref<10112x16xf32, #tpu.memory_space<vmem_shared>>) offsets(%arg8 : memref<1536xi32, #tpu.memory_space<vmem>>) semaphore(%run_scoped3A_707 : memref<!tpu.dma_semaphore, #tpu.memory_space<semaphore_mem>>) {add = true}
      %dma_wait3A_711 = arith.constant 0 : i32
      %dma_wait3A_712 = arith.constant 0 : i32
      %dma_wait3A_713 = tpu.memref_slice %arg14[%dma_wait3A_711, %dma_wait3A_712] : memref<10112x16xf32, #tpu.memory_space<vmem_shared>> -> memref<10112x16xf32, #tpu.memory_space<vmem_shared>>
      tpu.wait_indirect_dma semaphore(%run_scoped3A_707 : memref<!tpu.dma_semaphore, #tpu.memory_space<semaphore_mem>>) src(%arg10 : memref<1536x16xf32, #tpu.memory_space<vmem>>) dst(%dma_wait3A_713 : memref<10112x16xf32, #tpu.memory_space<vmem_shared>>)
      tpu.yield
    }) : () -> ()
    %dma_wait3A_109 = arith.constant 0 : i32
    %dma_wait3A_110 = arith.constant 0 : i32
    %dma_wait3A_111 = tpu.memref_slice %arg18[%dma_wait3A_109, %dma_wait3A_110] : memref<10112x16xf32, #tpu.memory_space<vmem_shared>> -> memref<10112x16xf32, #tpu.memory_space<vmem_shared>>
    tpu.wait_indirect_dma semaphore(%arg19 : memref<!tpu.dma_semaphore, #tpu.memory_space<semaphore_mem>>) src(%arg17 : memref<1536x16xf32, #tpu.memory_space<vmem>>) dst(%dma_wait3A_111 : memref<10112x16xf32, #tpu.memory_space<vmem_shared>>)
    %mul3A_112 = arith.constant 10000 : i32
    %mul3A_113 = arith.muli %add3A, %mul3A_112 : i32
    %add3A_114 = arith.constant 9216 : i32
    %add3A_115 = arith.addi %mul3A_113, %add3A_114 : i32
    %run_scoped3A_116 = arith.constant 0 : i32
    "tpu.region"() ({
      %run_scoped3A_707 = tpu.sem_alloc : memref<!tpu.dma_semaphore, #tpu.memory_space<semaphore_mem>>
      %dma_start3A_708 = arith.constant 0 : i32
      %dma_start3A_709 = tpu.memref_slice %arg6[%dma_start3A_708] : memref<1536xi32, #tpu.memory_space<vmem>> -> memref<784xi32, #tpu.memory_space<vmem>>
      %dma_start3A_710 = tpu.memref_slice %arg3[%run_scoped3A_116, %add3A_115] : memref<2x320000xi32, #tpu.memory_space<hbm>> -> memref<1x784xi32, #tpu.memory_space<hbm>>
      %dma_start3A_711 = tpu.memref_squeeze %dma_start3A_710 : memref<1x784xi32, #tpu.memory_space<hbm>> -> memref<784xi32, #tpu.memory_space<hbm>>
      %dma_start3A_712 = arith.constant 0 : i32
      %dma_start3A_713 = tpu.memref_slice %arg6[%dma_start3A_712] : memref<1536xi32, #tpu.memory_space<vmem>> -> memref<784xi32, #tpu.memory_space<vmem>>
      %dma_start3A_714 = tpu.memref_slice %arg3[%run_scoped3A_116, %add3A_115] : memref<2x320000xi32, #tpu.memory_space<hbm>> -> memref<1x784xi32, #tpu.memory_space<hbm>>
      %dma_start3A_715 = tpu.memref_squeeze %dma_start3A_714 : memref<1x784xi32, #tpu.memory_space<hbm>> -> memref<784xi32, #tpu.memory_space<hbm>>
      tpu.enqueue_dma source(%dma_start3A_715 : memref<784xi32, #tpu.memory_space<hbm>>) target(%dma_start3A_713 : memref<784xi32, #tpu.memory_space<vmem>>) target_semaphore(%run_scoped3A_707 : memref<!tpu.dma_semaphore, #tpu.memory_space<semaphore_mem>>)
      %dma_wait3A_716 = arith.constant 0 : i32
      %dma_wait3A_717 = tpu.memref_slice %arg6[%dma_wait3A_716] : memref<1536xi32, #tpu.memory_space<vmem>> -> memref<784xi32, #tpu.memory_space<vmem>>
      %dma_wait3A_718 = tpu.memref_slice %arg3[%run_scoped3A_116, %add3A_115] : memref<2x320000xi32, #tpu.memory_space<hbm>> -> memref<1x784xi32, #tpu.memory_space<hbm>>
      %dma_wait3A_719 = tpu.memref_squeeze %dma_wait3A_718 : memref<1x784xi32, #tpu.memory_space<hbm>> -> memref<784xi32, #tpu.memory_space<hbm>>
      %dma_wait3A_720 = arith.constant 0 : i32
      %dma_wait3A_721 = tpu.memref_slice %arg6[%dma_wait3A_720] : memref<1536xi32, #tpu.memory_space<vmem>> -> memref<784xi32, #tpu.memory_space<vmem>>
      %dma_wait3A_722 = tpu.memref_slice %arg3[%run_scoped3A_116, %add3A_115] : memref<2x320000xi32, #tpu.memory_space<hbm>> -> memref<1x784xi32, #tpu.memory_space<hbm>>
      %dma_wait3A_723 = tpu.memref_squeeze %dma_wait3A_722 : memref<1x784xi32, #tpu.memory_space<hbm>> -> memref<784xi32, #tpu.memory_space<hbm>>
      tpu.wait_dma2 semaphore(%run_scoped3A_707 : memref<!tpu.dma_semaphore, #tpu.memory_space<semaphore_mem>>) src(%dma_wait3A_723 : memref<784xi32, #tpu.memory_space<hbm>>) dst(%dma_wait3A_721 : memref<784xi32, #tpu.memory_space<vmem>>)
      tpu.yield
    }) : () -> ()
    %broadcast_in_dim3A = arith.constant 0 : i32
    %broadcast_in_dim3A_117 = vector.broadcast %broadcast_in_dim3A : i32 to vector<16xi32>
    %swap3A = arith.constant 784 : index
    %swap3A_118 = tpu.vector_load %arg6[%swap3A] {strides = array<i32>} : memref<1536xi32, #tpu.memory_space<vmem>>, vector<16xi32>,
    %swap3A_119 = vector.shape_cast %swap3A_118 : vector<16xi32> to vector<16xi32>
    %swap3A_120 = vector.shape_cast %broadcast_in_dim3A_117 : vector<16xi32> to vector<16xi32>
    tpu.vector_store %arg6[%swap3A], %swap3A_120 {strides = array<i32>} : memref<1536xi32, #tpu.memory_space<vmem>>, vector<16xi32>,
    %broadcast_in_dim3A_121 = arith.constant 0 : i32
    %broadcast_in_dim3A_122 = vector.broadcast %broadcast_in_dim3A_121 : i32 to vector<16xi32>
    %swap3A_123 = arith.constant 800 : index
    %swap3A_124 = tpu.vector_load %arg6[%swap3A_123] {strides = array<i32>} : memref<1536xi32, #tpu.memory_space<vmem>>, vector<16xi32>,
    %swap3A_125 = vector.shape_cast %swap3A_124 : vector<16xi32> to vector<16xi32>
    %swap3A_126 = vector.shape_cast %broadcast_in_dim3A_122 : vector<16xi32> to vector<16xi32>
    tpu.vector_store %arg6[%swap3A_123], %swap3A_126 {strides = array<i32>} : memref<1536xi32, #tpu.memory_space<vmem>>, vector<16xi32>,
    %broadcast_in_dim3A_127 = arith.constant 0 : i32
    %broadcast_in_dim3A_128 = vector.broadcast %broadcast_in_dim3A_127 : i32 to vector<16xi32>
    %swap3A_129 = arith.constant 816 : index
    %swap3A_130 = tpu.vector_load %arg6[%swap3A_129] {strides = array<i32>} : memref<1536xi32, #tpu.memory_space<vmem>>, vector<16xi32>,
    %swap3A_131 = vector.shape_cast %swap3A_130 : vector<16xi32> to vector<16xi32>
    %swap3A_132 = vector.shape_cast %broadcast_in_dim3A_128 : vector<16xi32> to vector<16xi32>
    tpu.vector_store %arg6[%swap3A_129], %swap3A_132 {strides = array<i32>} : memref<1536xi32, #tpu.memory_space<vmem>>, vector<16xi32>,
    %broadcast_in_dim3A_133 = arith.constant 0 : i32
    %broadcast_in_dim3A_134 = vector.broadcast %broadcast_in_dim3A_133 : i32 to vector<16xi32>
    %swap3A_135 = arith.constant 832 : index
    %swap3A_136 = tpu.vector_load %arg6[%swap3A_135] {strides = array<i32>} : memref<1536xi32, #tpu.memory_space<vmem>>, vector<16xi32>,
    %swap3A_137 = vector.shape_cast %swap3A_136 : vector<16xi32> to vector<16xi32>
    %swap3A_138 = vector.shape_cast %broadcast_in_dim3A_134 : vector<16xi32> to vector<16xi32>
    tpu.vector_store %arg6[%swap3A_135], %swap3A_138 {strides = array<i32>} : memref<1536xi32, #tpu.memory_space<vmem>>, vector<16xi32>,
    %broadcast_in_dim3A_139 = arith.constant 0 : i32
    %broadcast_in_dim3A_140 = vector.broadcast %broadcast_in_dim3A_139 : i32 to vector<16xi32>
    %swap3A_141 = arith.constant 848 : index
    %swap3A_142 = tpu.vector_load %arg6[%swap3A_141] {strides = array<i32>} : memref<1536xi32, #tpu.memory_space<vmem>>, vector<16xi32>,
    %swap3A_143 = vector.shape_cast %swap3A_142 : vector<16xi32> to vector<16xi32>
    %swap3A_144 = vector.shape_cast %broadcast_in_dim3A_140 : vector<16xi32> to vector<16xi32>
    tpu.vector_store %arg6[%swap3A_141], %swap3A_144 {strides = array<i32>} : memref<1536xi32, #tpu.memory_space<vmem>>, vector<16xi32>,
    %broadcast_in_dim3A_145 = arith.constant 0 : i32
    %broadcast_in_dim3A_146 = vector.broadcast %broadcast_in_dim3A_145 : i32 to vector<16xi32>
    %swap3A_147 = arith.constant 864 : index
    %swap3A_148 = tpu.vector_load %arg6[%swap3A_147] {strides = array<i32>} : memref<1536xi32, #tpu.memory_space<vmem>>, vector<16xi32>,
    %swap3A_149 = vector.shape_cast %swap3A_148 : vector<16xi32> to vector<16xi32>
    %swap3A_150 = vector.shape_cast %broadcast_in_dim3A_146 : vector<16xi32> to vector<16xi32>
    tpu.vector_store %arg6[%swap3A_147], %swap3A_150 {strides = array<i32>} : memref<1536xi32, #tpu.memory_space<vmem>>, vector<16xi32>,
    %broadcast_in_dim3A_151 = arith.constant 0 : i32
    %broadcast_in_dim3A_152 = vector.broadcast %broadcast_in_dim3A_151 : i32 to vector<16xi32>
    %swap3A_153 = arith.constant 880 : index
    %swap3A_154 = tpu.vector_load %arg6[%swap3A_153] {strides = array<i32>} : memref<1536xi32, #tpu.memory_space<vmem>>, vector<16xi32>,
    %swap3A_155 = vector.shape_cast %swap3A_154 : vector<16xi32> to vector<16xi32>
    %swap3A_156 = vector.shape_cast %broadcast_in_dim3A_152 : vector<16xi32> to vector<16xi32>
    tpu.vector_store %arg6[%swap3A_153], %swap3A_156 {strides = array<i32>} : memref<1536xi32, #tpu.memory_space<vmem>>, vector<16xi32>,
    %broadcast_in_dim3A_157 = arith.constant 0 : i32
    %broadcast_in_dim3A_158 = vector.broadcast %broadcast_in_dim3A_157 : i32 to vector<16xi32>
    %swap3A_159 = arith.constant 896 : index
    %swap3A_160 = tpu.vector_load %arg6[%swap3A_159] {strides = array<i32>} : memref<1536xi32, #tpu.memory_space<vmem>>, vector<16xi32>,
    %swap3A_161 = vector.shape_cast %swap3A_160 : vector<16xi32> to vector<16xi32>
    %swap3A_162 = vector.shape_cast %broadcast_in_dim3A_158 : vector<16xi32> to vector<16xi32>
    tpu.vector_store %arg6[%swap3A_159], %swap3A_162 {strides = array<i32>} : memref<1536xi32, #tpu.memory_space<vmem>>, vector<16xi32>,
    %broadcast_in_dim3A_163 = arith.constant 0 : i32
    %broadcast_in_dim3A_164 = vector.broadcast %broadcast_in_dim3A_163 : i32 to vector<16xi32>
    %swap3A_165 = arith.constant 912 : index
    %swap3A_166 = tpu.vector_load %arg6[%swap3A_165] {strides = array<i32>} : memref<1536xi32, #tpu.memory_space<vmem>>, vector<16xi32>,
    %swap3A_167 = vector.shape_cast %swap3A_166 : vector<16xi32> to vector<16xi32>
    %swap3A_168 = vector.shape_cast %broadcast_in_dim3A_164 : vector<16xi32> to vector<16xi32>
    tpu.vector_store %arg6[%swap3A_165], %swap3A_168 {strides = array<i32>} : memref<1536xi32, #tpu.memory_space<vmem>>, vector<16xi32>,
    %broadcast_in_dim3A_169 = arith.constant 0 : i32
    %broadcast_in_dim3A_170 = vector.broadcast %broadcast_in_dim3A_169 : i32 to vector<16xi32>
    %swap3A_171 = arith.constant 928 : index
    %swap3A_172 = tpu.vector_load %arg6[%swap3A_171] {strides = array<i32>} : memref<1536xi32, #tpu.memory_space<vmem>>, vector<16xi32>,
    %swap3A_173 = vector.shape_cast %swap3A_172 : vector<16xi32> to vector<16xi32>
    %swap3A_174 = vector.shape_cast %broadcast_in_dim3A_170 : vector<16xi32> to vector<16xi32>
    tpu.vector_store %arg6[%swap3A_171], %swap3A_174 {strides = array<i32>} : memref<1536xi32, #tpu.memory_space<vmem>>, vector<16xi32>,
    %broadcast_in_dim3A_175 = arith.constant 0 : i32
    %broadcast_in_dim3A_176 = vector.broadcast %broadcast_in_dim3A_175 : i32 to vector<16xi32>
    %swap3A_177 = arith.constant 944 : index
    %swap3A_178 = tpu.vector_load %arg6[%swap3A_177] {strides = array<i32>} : memref<1536xi32, #tpu.memory_space<vmem>>, vector<16xi32>,
    %swap3A_179 = vector.shape_cast %swap3A_178 : vector<16xi32> to vector<16xi32>
    %swap3A_180 = vector.shape_cast %broadcast_in_dim3A_176 : vector<16xi32> to vector<16xi32>
    tpu.vector_store %arg6[%swap3A_177], %swap3A_180 {strides = array<i32>} : memref<1536xi32, #tpu.memory_space<vmem>>, vector<16xi32>,
    %broadcast_in_dim3A_181 = arith.constant 0 : i32
    %broadcast_in_dim3A_182 = vector.broadcast %broadcast_in_dim3A_181 : i32 to vector<16xi32>
    %swap3A_183 = arith.constant 960 : index
    %swap3A_184 = tpu.vector_load %arg6[%swap3A_183] {strides = array<i32>} : memref<1536xi32, #tpu.memory_space<vmem>>, vector<16xi32>,
    %swap3A_185 = vector.shape_cast %swap3A_184 : vector<16xi32> to vector<16xi32>
    %swap3A_186 = vector.shape_cast %broadcast_in_dim3A_182 : vector<16xi32> to vector<16xi32>
    tpu.vector_store %arg6[%swap3A_183], %swap3A_186 {strides = array<i32>} : memref<1536xi32, #tpu.memory_space<vmem>>, vector<16xi32>,
    %broadcast_in_dim3A_187 = arith.constant 0 : i32
    %broadcast_in_dim3A_188 = vector.broadcast %broadcast_in_dim3A_187 : i32 to vector<16xi32>
    %swap3A_189 = arith.constant 976 : index
    %swap3A_190 = tpu.vector_load %arg6[%swap3A_189] {strides = array<i32>} : memref<1536xi32, #tpu.memory_space<vmem>>, vector<16xi32>,
    %swap3A_191 = vector.shape_cast %swap3A_190 : vector<16xi32> to vector<16xi32>
    %swap3A_192 = vector.shape_cast %broadcast_in_dim3A_188 : vector<16xi32> to vector<16xi32>
    tpu.vector_store %arg6[%swap3A_189], %swap3A_192 {strides = array<i32>} : memref<1536xi32, #tpu.memory_space<vmem>>, vector<16xi32>,
    %broadcast_in_dim3A_193 = arith.constant 0 : i32
    %broadcast_in_dim3A_194 = vector.broadcast %broadcast_in_dim3A_193 : i32 to vector<16xi32>
    %swap3A_195 = arith.constant 992 : index
    %swap3A_196 = tpu.vector_load %arg6[%swap3A_195] {strides = array<i32>} : memref<1536xi32, #tpu.memory_space<vmem>>, vector<16xi32>,
    %swap3A_197 = vector.shape_cast %swap3A_196 : vector<16xi32> to vector<16xi32>
    %swap3A_198 = vector.shape_cast %broadcast_in_dim3A_194 : vector<16xi32> to vector<16xi32>
    tpu.vector_store %arg6[%swap3A_195], %swap3A_198 {strides = array<i32>} : memref<1536xi32, #tpu.memory_space<vmem>>, vector<16xi32>,
    %broadcast_in_dim3A_199 = arith.constant 0 : i32
    %broadcast_in_dim3A_200 = vector.broadcast %broadcast_in_dim3A_199 : i32 to vector<16xi32>
    %swap3A_201 = arith.constant 1008 : index
    %swap3A_202 = tpu.vector_load %arg6[%swap3A_201] {strides = array<i32>} : memref<1536xi32, #tpu.memory_space<vmem>>, vector<16xi32>,
    %swap3A_203 = vector.shape_cast %swap3A_202 : vector<16xi32> to vector<16xi32>
    %swap3A_204 = vector.shape_cast %broadcast_in_dim3A_200 : vector<16xi32> to vector<16xi32>
    tpu.vector_store %arg6[%swap3A_201], %swap3A_204 {strides = array<i32>} : memref<1536xi32, #tpu.memory_space<vmem>>, vector<16xi32>,
    %broadcast_in_dim3A_205 = arith.constant 0 : i32
    %broadcast_in_dim3A_206 = vector.broadcast %broadcast_in_dim3A_205 : i32 to vector<16xi32>
    %swap3A_207 = arith.constant 1024 : index
    %swap3A_208 = tpu.vector_load %arg6[%swap3A_207] {strides = array<i32>} : memref<1536xi32, #tpu.memory_space<vmem>>, vector<16xi32>,
    %swap3A_209 = vector.shape_cast %swap3A_208 : vector<16xi32> to vector<16xi32>
    %swap3A_210 = vector.shape_cast %broadcast_in_dim3A_206 : vector<16xi32> to vector<16xi32>
    tpu.vector_store %arg6[%swap3A_207], %swap3A_210 {strides = array<i32>} : memref<1536xi32, #tpu.memory_space<vmem>>, vector<16xi32>,
    %broadcast_in_dim3A_211 = arith.constant 0 : i32
    %broadcast_in_dim3A_212 = vector.broadcast %broadcast_in_dim3A_211 : i32 to vector<16xi32>
    %swap3A_213 = arith.constant 1040 : index
    %swap3A_214 = tpu.vector_load %arg6[%swap3A_213] {strides = array<i32>} : memref<1536xi32, #tpu.memory_space<vmem>>, vector<16xi32>,
    %swap3A_215 = vector.shape_cast %swap3A_214 : vector<16xi32> to vector<16xi32>
    %swap3A_216 = vector.shape_cast %broadcast_in_dim3A_212 : vector<16xi32> to vector<16xi32>
    tpu.vector_store %arg6[%swap3A_213], %swap3A_216 {strides = array<i32>} : memref<1536xi32, #tpu.memory_space<vmem>>, vector<16xi32>,
    %broadcast_in_dim3A_217 = arith.constant 0 : i32
    %broadcast_in_dim3A_218 = vector.broadcast %broadcast_in_dim3A_217 : i32 to vector<16xi32>
    %swap3A_219 = arith.constant 1056 : index
    %swap3A_220 = tpu.vector_load %arg6[%swap3A_219] {strides = array<i32>} : memref<1536xi32, #tpu.memory_space<vmem>>, vector<16xi32>,
    %swap3A_221 = vector.shape_cast %swap3A_220 : vector<16xi32> to vector<16xi32>
    %swap3A_222 = vector.shape_cast %broadcast_in_dim3A_218 : vector<16xi32> to vector<16xi32>
    tpu.vector_store %arg6[%swap3A_219], %swap3A_222 {strides = array<i32>} : memref<1536xi32, #tpu.memory_space<vmem>>, vector<16xi32>,
    %broadcast_in_dim3A_223 = arith.constant 0 : i32
    %broadcast_in_dim3A_224 = vector.broadcast %broadcast_in_dim3A_223 : i32 to vector<16xi32>
    %swap3A_225 = arith.constant 1072 : index
    %swap3A_226 = tpu.vector_load %arg6[%swap3A_225] {strides = array<i32>} : memref<1536xi32, #tpu.memory_space<vmem>>, vector<16xi32>,
    %swap3A_227 = vector.shape_cast %swap3A_226 : vector<16xi32> to vector<16xi32>
    %swap3A_228 = vector.shape_cast %broadcast_in_dim3A_224 : vector<16xi32> to vector<16xi32>
    tpu.vector_store %arg6[%swap3A_225], %swap3A_228 {strides = array<i32>} : memref<1536xi32, #tpu.memory_space<vmem>>, vector<16xi32>,
    %broadcast_in_dim3A_229 = arith.constant 0 : i32
    %broadcast_in_dim3A_230 = vector.broadcast %broadcast_in_dim3A_229 : i32 to vector<16xi32>
    %swap3A_231 = arith.constant 1088 : index
    %swap3A_232 = tpu.vector_load %arg6[%swap3A_231] {strides = array<i32>} : memref<1536xi32, #tpu.memory_space<vmem>>, vector<16xi32>,
    %swap3A_233 = vector.shape_cast %swap3A_232 : vector<16xi32> to vector<16xi32>
    %swap3A_234 = vector.shape_cast %broadcast_in_dim3A_230 : vector<16xi32> to vector<16xi32>
    tpu.vector_store %arg6[%swap3A_231], %swap3A_234 {strides = array<i32>} : memref<1536xi32, #tpu.memory_space<vmem>>, vector<16xi32>,
    %broadcast_in_dim3A_235 = arith.constant 0 : i32
    %broadcast_in_dim3A_236 = vector.broadcast %broadcast_in_dim3A_235 : i32 to vector<16xi32>
    %swap3A_237 = arith.constant 1104 : index
    %swap3A_238 = tpu.vector_load %arg6[%swap3A_237] {strides = array<i32>} : memref<1536xi32, #tpu.memory_space<vmem>>, vector<16xi32>,
    %swap3A_239 = vector.shape_cast %swap3A_238 : vector<16xi32> to vector<16xi32>
    %swap3A_240 = vector.shape_cast %broadcast_in_dim3A_236 : vector<16xi32> to vector<16xi32>
    tpu.vector_store %arg6[%swap3A_237], %swap3A_240 {strides = array<i32>} : memref<1536xi32, #tpu.memory_space<vmem>>, vector<16xi32>,
    %broadcast_in_dim3A_241 = arith.constant 0 : i32
    %broadcast_in_dim3A_242 = vector.broadcast %broadcast_in_dim3A_241 : i32 to vector<16xi32>
    %swap3A_243 = arith.constant 1120 : index
    %swap3A_244 = tpu.vector_load %arg6[%swap3A_243] {strides = array<i32>} : memref<1536xi32, #tpu.memory_space<vmem>>, vector<16xi32>,
    %swap3A_245 = vector.shape_cast %swap3A_244 : vector<16xi32> to vector<16xi32>
    %swap3A_246 = vector.shape_cast %broadcast_in_dim3A_242 : vector<16xi32> to vector<16xi32>
    tpu.vector_store %arg6[%swap3A_243], %swap3A_246 {strides = array<i32>} : memref<1536xi32, #tpu.memory_space<vmem>>, vector<16xi32>,
    %broadcast_in_dim3A_247 = arith.constant 0 : i32
    %broadcast_in_dim3A_248 = vector.broadcast %broadcast_in_dim3A_247 : i32 to vector<16xi32>
    %swap3A_249 = arith.constant 1136 : index
    %swap3A_250 = tpu.vector_load %arg6[%swap3A_249] {strides = array<i32>} : memref<1536xi32, #tpu.memory_space<vmem>>, vector<16xi32>,
    %swap3A_251 = vector.shape_cast %swap3A_250 : vector<16xi32> to vector<16xi32>
    %swap3A_252 = vector.shape_cast %broadcast_in_dim3A_248 : vector<16xi32> to vector<16xi32>
    tpu.vector_store %arg6[%swap3A_249], %swap3A_252 {strides = array<i32>} : memref<1536xi32, #tpu.memory_space<vmem>>, vector<16xi32>,
    %broadcast_in_dim3A_253 = arith.constant 0 : i32
    %broadcast_in_dim3A_254 = vector.broadcast %broadcast_in_dim3A_253 : i32 to vector<16xi32>
    %swap3A_255 = arith.constant 1152 : index
    %swap3A_256 = tpu.vector_load %arg6[%swap3A_255] {strides = array<i32>} : memref<1536xi32, #tpu.memory_space<vmem>>, vector<16xi32>,
    %swap3A_257 = vector.shape_cast %swap3A_256 : vector<16xi32> to vector<16xi32>
    %swap3A_258 = vector.shape_cast %broadcast_in_dim3A_254 : vector<16xi32> to vector<16xi32>
    tpu.vector_store %arg6[%swap3A_255], %swap3A_258 {strides = array<i32>} : memref<1536xi32, #tpu.memory_space<vmem>>, vector<16xi32>,
    %broadcast_in_dim3A_259 = arith.constant 0 : i32
    %broadcast_in_dim3A_260 = vector.broadcast %broadcast_in_dim3A_259 : i32 to vector<16xi32>
    %swap3A_261 = arith.constant 1168 : index
    %swap3A_262 = tpu.vector_load %arg6[%swap3A_261] {strides = array<i32>} : memref<1536xi32, #tpu.memory_space<vmem>>, vector<16xi32>,
    %swap3A_263 = vector.shape_cast %swap3A_262 : vector<16xi32> to vector<16xi32>
    %swap3A_264 = vector.shape_cast %broadcast_in_dim3A_260 : vector<16xi32> to vector<16xi32>
    tpu.vector_store %arg6[%swap3A_261], %swap3A_264 {strides = array<i32>} : memref<1536xi32, #tpu.memory_space<vmem>>, vector<16xi32>,
    %broadcast_in_dim3A_265 = arith.constant 0 : i32
    %broadcast_in_dim3A_266 = vector.broadcast %broadcast_in_dim3A_265 : i32 to vector<16xi32>
    %swap3A_267 = arith.constant 1184 : index
    %swap3A_268 = tpu.vector_load %arg6[%swap3A_267] {strides = array<i32>} : memref<1536xi32, #tpu.memory_space<vmem>>, vector<16xi32>,
    %swap3A_269 = vector.shape_cast %swap3A_268 : vector<16xi32> to vector<16xi32>
    %swap3A_270 = vector.shape_cast %broadcast_in_dim3A_266 : vector<16xi32> to vector<16xi32>
    tpu.vector_store %arg6[%swap3A_267], %swap3A_270 {strides = array<i32>} : memref<1536xi32, #tpu.memory_space<vmem>>, vector<16xi32>,
    %broadcast_in_dim3A_271 = arith.constant 0 : i32
    %broadcast_in_dim3A_272 = vector.broadcast %broadcast_in_dim3A_271 : i32 to vector<16xi32>
    %swap3A_273 = arith.constant 1200 : index
    %swap3A_274 = tpu.vector_load %arg6[%swap3A_273] {strides = array<i32>} : memref<1536xi32, #tpu.memory_space<vmem>>, vector<16xi32>,
    %swap3A_275 = vector.shape_cast %swap3A_274 : vector<16xi32> to vector<16xi32>
    %swap3A_276 = vector.shape_cast %broadcast_in_dim3A_272 : vector<16xi32> to vector<16xi32>
    tpu.vector_store %arg6[%swap3A_273], %swap3A_276 {strides = array<i32>} : memref<1536xi32, #tpu.memory_space<vmem>>, vector<16xi32>,
    %broadcast_in_dim3A_277 = arith.constant 0 : i32
    %broadcast_in_dim3A_278 = vector.broadcast %broadcast_in_dim3A_277 : i32 to vector<16xi32>
    %swap3A_279 = arith.constant 1216 : index
    %swap3A_280 = tpu.vector_load %arg6[%swap3A_279] {strides = array<i32>} : memref<1536xi32, #tpu.memory_space<vmem>>, vector<16xi32>,
    %swap3A_281 = vector.shape_cast %swap3A_280 : vector<16xi32> to vector<16xi32>
    %swap3A_282 = vector.shape_cast %broadcast_in_dim3A_278 : vector<16xi32> to vector<16xi32>
    tpu.vector_store %arg6[%swap3A_279], %swap3A_282 {strides = array<i32>} : memref<1536xi32, #tpu.memory_space<vmem>>, vector<16xi32>,
    %broadcast_in_dim3A_283 = arith.constant 0 : i32
    %broadcast_in_dim3A_284 = vector.broadcast %broadcast_in_dim3A_283 : i32 to vector<16xi32>
    %swap3A_285 = arith.constant 1232 : index
    %swap3A_286 = tpu.vector_load %arg6[%swap3A_285] {strides = array<i32>} : memref<1536xi32, #tpu.memory_space<vmem>>, vector<16xi32>,
    %swap3A_287 = vector.shape_cast %swap3A_286 : vector<16xi32> to vector<16xi32>
    %swap3A_288 = vector.shape_cast %broadcast_in_dim3A_284 : vector<16xi32> to vector<16xi32>
    tpu.vector_store %arg6[%swap3A_285], %swap3A_288 {strides = array<i32>} : memref<1536xi32, #tpu.memory_space<vmem>>, vector<16xi32>,
    %broadcast_in_dim3A_289 = arith.constant 0 : i32
    %broadcast_in_dim3A_290 = vector.broadcast %broadcast_in_dim3A_289 : i32 to vector<16xi32>
    %swap3A_291 = arith.constant 1248 : index
    %swap3A_292 = tpu.vector_load %arg6[%swap3A_291] {strides = array<i32>} : memref<1536xi32, #tpu.memory_space<vmem>>, vector<16xi32>,
    %swap3A_293 = vector.shape_cast %swap3A_292 : vector<16xi32> to vector<16xi32>
    %swap3A_294 = vector.shape_cast %broadcast_in_dim3A_290 : vector<16xi32> to vector<16xi32>
    tpu.vector_store %arg6[%swap3A_291], %swap3A_294 {strides = array<i32>} : memref<1536xi32, #tpu.memory_space<vmem>>, vector<16xi32>,
    %broadcast_in_dim3A_295 = arith.constant 0 : i32
    %broadcast_in_dim3A_296 = vector.broadcast %broadcast_in_dim3A_295 : i32 to vector<16xi32>
    %swap3A_297 = arith.constant 1264 : index
    %swap3A_298 = tpu.vector_load %arg6[%swap3A_297] {strides = array<i32>} : memref<1536xi32, #tpu.memory_space<vmem>>, vector<16xi32>,
    %swap3A_299 = vector.shape_cast %swap3A_298 : vector<16xi32> to vector<16xi32>
    %swap3A_300 = vector.shape_cast %broadcast_in_dim3A_296 : vector<16xi32> to vector<16xi32>
    tpu.vector_store %arg6[%swap3A_297], %swap3A_300 {strides = array<i32>} : memref<1536xi32, #tpu.memory_space<vmem>>, vector<16xi32>,
    %broadcast_in_dim3A_301 = arith.constant 0 : i32
    %broadcast_in_dim3A_302 = vector.broadcast %broadcast_in_dim3A_301 : i32 to vector<16xi32>
    %swap3A_303 = arith.constant 1280 : index
    %swap3A_304 = tpu.vector_load %arg6[%swap3A_303] {strides = array<i32>} : memref<1536xi32, #tpu.memory_space<vmem>>, vector<16xi32>,
    %swap3A_305 = vector.shape_cast %swap3A_304 : vector<16xi32> to vector<16xi32>
    %swap3A_306 = vector.shape_cast %broadcast_in_dim3A_302 : vector<16xi32> to vector<16xi32>
    tpu.vector_store %arg6[%swap3A_303], %swap3A_306 {strides = array<i32>} : memref<1536xi32, #tpu.memory_space<vmem>>, vector<16xi32>,
    %broadcast_in_dim3A_307 = arith.constant 0 : i32
    %broadcast_in_dim3A_308 = vector.broadcast %broadcast_in_dim3A_307 : i32 to vector<16xi32>
    %swap3A_309 = arith.constant 1296 : index
    %swap3A_310 = tpu.vector_load %arg6[%swap3A_309] {strides = array<i32>} : memref<1536xi32, #tpu.memory_space<vmem>>, vector<16xi32>,
    %swap3A_311 = vector.shape_cast %swap3A_310 : vector<16xi32> to vector<16xi32>
    %swap3A_312 = vector.shape_cast %broadcast_in_dim3A_308 : vector<16xi32> to vector<16xi32>
    tpu.vector_store %arg6[%swap3A_309], %swap3A_312 {strides = array<i32>} : memref<1536xi32, #tpu.memory_space<vmem>>, vector<16xi32>,
    %broadcast_in_dim3A_313 = arith.constant 0 : i32
    %broadcast_in_dim3A_314 = vector.broadcast %broadcast_in_dim3A_313 : i32 to vector<16xi32>
    %swap3A_315 = arith.constant 1312 : index
    %swap3A_316 = tpu.vector_load %arg6[%swap3A_315] {strides = array<i32>} : memref<1536xi32, #tpu.memory_space<vmem>>, vector<16xi32>,
    %swap3A_317 = vector.shape_cast %swap3A_316 : vector<16xi32> to vector<16xi32>
    %swap3A_318 = vector.shape_cast %broadcast_in_dim3A_314 : vector<16xi32> to vector<16xi32>
    tpu.vector_store %arg6[%swap3A_315], %swap3A_318 {strides = array<i32>} : memref<1536xi32, #tpu.memory_space<vmem>>, vector<16xi32>,
    %broadcast_in_dim3A_319 = arith.constant 0 : i32
    %broadcast_in_dim3A_320 = vector.broadcast %broadcast_in_dim3A_319 : i32 to vector<16xi32>
    %swap3A_321 = arith.constant 1328 : index
    %swap3A_322 = tpu.vector_load %arg6[%swap3A_321] {strides = array<i32>} : memref<1536xi32, #tpu.memory_space<vmem>>, vector<16xi32>,
    %swap3A_323 = vector.shape_cast %swap3A_322 : vector<16xi32> to vector<16xi32>
    %swap3A_324 = vector.shape_cast %broadcast_in_dim3A_320 : vector<16xi32> to vector<16xi32>
    tpu.vector_store %arg6[%swap3A_321], %swap3A_324 {strides = array<i32>} : memref<1536xi32, #tpu.memory_space<vmem>>, vector<16xi32>,
    %broadcast_in_dim3A_325 = arith.constant 0 : i32
    %broadcast_in_dim3A_326 = vector.broadcast %broadcast_in_dim3A_325 : i32 to vector<16xi32>
    %swap3A_327 = arith.constant 1344 : index
    %swap3A_328 = tpu.vector_load %arg6[%swap3A_327] {strides = array<i32>} : memref<1536xi32, #tpu.memory_space<vmem>>, vector<16xi32>,
    %swap3A_329 = vector.shape_cast %swap3A_328 : vector<16xi32> to vector<16xi32>
    %swap3A_330 = vector.shape_cast %broadcast_in_dim3A_326 : vector<16xi32> to vector<16xi32>
    tpu.vector_store %arg6[%swap3A_327], %swap3A_330 {strides = array<i32>} : memref<1536xi32, #tpu.memory_space<vmem>>, vector<16xi32>,
    %broadcast_in_dim3A_331 = arith.constant 0 : i32
    %broadcast_in_dim3A_332 = vector.broadcast %broadcast_in_dim3A_331 : i32 to vector<16xi32>
    %swap3A_333 = arith.constant 1360 : index
    %swap3A_334 = tpu.vector_load %arg6[%swap3A_333] {strides = array<i32>} : memref<1536xi32, #tpu.memory_space<vmem>>, vector<16xi32>,
    %swap3A_335 = vector.shape_cast %swap3A_334 : vector<16xi32> to vector<16xi32>
    %swap3A_336 = vector.shape_cast %broadcast_in_dim3A_332 : vector<16xi32> to vector<16xi32>
    tpu.vector_store %arg6[%swap3A_333], %swap3A_336 {strides = array<i32>} : memref<1536xi32, #tpu.memory_space<vmem>>, vector<16xi32>,
    %broadcast_in_dim3A_337 = arith.constant 0 : i32
    %broadcast_in_dim3A_338 = vector.broadcast %broadcast_in_dim3A_337 : i32 to vector<16xi32>
    %swap3A_339 = arith.constant 1376 : index
    %swap3A_340 = tpu.vector_load %arg6[%swap3A_339] {strides = array<i32>} : memref<1536xi32, #tpu.memory_space<vmem>>, vector<16xi32>,
    %swap3A_341 = vector.shape_cast %swap3A_340 : vector<16xi32> to vector<16xi32>
    %swap3A_342 = vector.shape_cast %broadcast_in_dim3A_338 : vector<16xi32> to vector<16xi32>
    tpu.vector_store %arg6[%swap3A_339], %swap3A_342 {strides = array<i32>} : memref<1536xi32, #tpu.memory_space<vmem>>, vector<16xi32>,
    %broadcast_in_dim3A_343 = arith.constant 0 : i32
    %broadcast_in_dim3A_344 = vector.broadcast %broadcast_in_dim3A_343 : i32 to vector<16xi32>
    %swap3A_345 = arith.constant 1392 : index
    %swap3A_346 = tpu.vector_load %arg6[%swap3A_345] {strides = array<i32>} : memref<1536xi32, #tpu.memory_space<vmem>>, vector<16xi32>,
    %swap3A_347 = vector.shape_cast %swap3A_346 : vector<16xi32> to vector<16xi32>
    %swap3A_348 = vector.shape_cast %broadcast_in_dim3A_344 : vector<16xi32> to vector<16xi32>
    tpu.vector_store %arg6[%swap3A_345], %swap3A_348 {strides = array<i32>} : memref<1536xi32, #tpu.memory_space<vmem>>, vector<16xi32>,
    %broadcast_in_dim3A_349 = arith.constant 0 : i32
    %broadcast_in_dim3A_350 = vector.broadcast %broadcast_in_dim3A_349 : i32 to vector<16xi32>
    %swap3A_351 = arith.constant 1408 : index
    %swap3A_352 = tpu.vector_load %arg6[%swap3A_351] {strides = array<i32>} : memref<1536xi32, #tpu.memory_space<vmem>>, vector<16xi32>,
    %swap3A_353 = vector.shape_cast %swap3A_352 : vector<16xi32> to vector<16xi32>
    %swap3A_354 = vector.shape_cast %broadcast_in_dim3A_350 : vector<16xi32> to vector<16xi32>
    tpu.vector_store %arg6[%swap3A_351], %swap3A_354 {strides = array<i32>} : memref<1536xi32, #tpu.memory_space<vmem>>, vector<16xi32>,
    %broadcast_in_dim3A_355 = arith.constant 0 : i32
    %broadcast_in_dim3A_356 = vector.broadcast %broadcast_in_dim3A_355 : i32 to vector<16xi32>
    %swap3A_357 = arith.constant 1424 : index
    %swap3A_358 = tpu.vector_load %arg6[%swap3A_357] {strides = array<i32>} : memref<1536xi32, #tpu.memory_space<vmem>>, vector<16xi32>,
    %swap3A_359 = vector.shape_cast %swap3A_358 : vector<16xi32> to vector<16xi32>
    %swap3A_360 = vector.shape_cast %broadcast_in_dim3A_356 : vector<16xi32> to vector<16xi32>
    tpu.vector_store %arg6[%swap3A_357], %swap3A_360 {strides = array<i32>} : memref<1536xi32, #tpu.memory_space<vmem>>, vector<16xi32>,
    %broadcast_in_dim3A_361 = arith.constant 0 : i32
    %broadcast_in_dim3A_362 = vector.broadcast %broadcast_in_dim3A_361 : i32 to vector<16xi32>
    %swap3A_363 = arith.constant 1440 : index
    %swap3A_364 = tpu.vector_load %arg6[%swap3A_363] {strides = array<i32>} : memref<1536xi32, #tpu.memory_space<vmem>>, vector<16xi32>,
    %swap3A_365 = vector.shape_cast %swap3A_364 : vector<16xi32> to vector<16xi32>
    %swap3A_366 = vector.shape_cast %broadcast_in_dim3A_362 : vector<16xi32> to vector<16xi32>
    tpu.vector_store %arg6[%swap3A_363], %swap3A_366 {strides = array<i32>} : memref<1536xi32, #tpu.memory_space<vmem>>, vector<16xi32>,
    %broadcast_in_dim3A_367 = arith.constant 0 : i32
    %broadcast_in_dim3A_368 = vector.broadcast %broadcast_in_dim3A_367 : i32 to vector<16xi32>
    %swap3A_369 = arith.constant 1456 : index
    %swap3A_370 = tpu.vector_load %arg6[%swap3A_369] {strides = array<i32>} : memref<1536xi32, #tpu.memory_space<vmem>>, vector<16xi32>,
    %swap3A_371 = vector.shape_cast %swap3A_370 : vector<16xi32> to vector<16xi32>
    %swap3A_372 = vector.shape_cast %broadcast_in_dim3A_368 : vector<16xi32> to vector<16xi32>
    tpu.vector_store %arg6[%swap3A_369], %swap3A_372 {strides = array<i32>} : memref<1536xi32, #tpu.memory_space<vmem>>, vector<16xi32>,
    %broadcast_in_dim3A_373 = arith.constant 0 : i32
    %broadcast_in_dim3A_374 = vector.broadcast %broadcast_in_dim3A_373 : i32 to vector<16xi32>
    %swap3A_375 = arith.constant 1472 : index
    %swap3A_376 = tpu.vector_load %arg6[%swap3A_375] {strides = array<i32>} : memref<1536xi32, #tpu.memory_space<vmem>>, vector<16xi32>,
    %swap3A_377 = vector.shape_cast %swap3A_376 : vector<16xi32> to vector<16xi32>
    %swap3A_378 = vector.shape_cast %broadcast_in_dim3A_374 : vector<16xi32> to vector<16xi32>
    tpu.vector_store %arg6[%swap3A_375], %swap3A_378 {strides = array<i32>} : memref<1536xi32, #tpu.memory_space<vmem>>, vector<16xi32>,
    %broadcast_in_dim3A_379 = arith.constant 0 : i32
    %broadcast_in_dim3A_380 = vector.broadcast %broadcast_in_dim3A_379 : i32 to vector<16xi32>
    %swap3A_381 = arith.constant 1488 : index
    %swap3A_382 = tpu.vector_load %arg6[%swap3A_381] {strides = array<i32>} : memref<1536xi32, #tpu.memory_space<vmem>>, vector<16xi32>,
    %swap3A_383 = vector.shape_cast %swap3A_382 : vector<16xi32> to vector<16xi32>
    %swap3A_384 = vector.shape_cast %broadcast_in_dim3A_380 : vector<16xi32> to vector<16xi32>
    tpu.vector_store %arg6[%swap3A_381], %swap3A_384 {strides = array<i32>} : memref<1536xi32, #tpu.memory_space<vmem>>, vector<16xi32>,
    %broadcast_in_dim3A_385 = arith.constant 0 : i32
    %broadcast_in_dim3A_386 = vector.broadcast %broadcast_in_dim3A_385 : i32 to vector<16xi32>
    %swap3A_387 = arith.constant 1504 : index
    %swap3A_388 = tpu.vector_load %arg6[%swap3A_387] {strides = array<i32>} : memref<1536xi32, #tpu.memory_space<vmem>>, vector<16xi32>,
    %swap3A_389 = vector.shape_cast %swap3A_388 : vector<16xi32> to vector<16xi32>
    %swap3A_390 = vector.shape_cast %broadcast_in_dim3A_386 : vector<16xi32> to vector<16xi32>
    tpu.vector_store %arg6[%swap3A_387], %swap3A_390 {strides = array<i32>} : memref<1536xi32, #tpu.memory_space<vmem>>, vector<16xi32>,
    %broadcast_in_dim3A_391 = arith.constant 0 : i32
    %broadcast_in_dim3A_392 = vector.broadcast %broadcast_in_dim3A_391 : i32 to vector<16xi32>
    %swap3A_393 = arith.constant 1520 : index
    %swap3A_394 = tpu.vector_load %arg6[%swap3A_393] {strides = array<i32>} : memref<1536xi32, #tpu.memory_space<vmem>>, vector<16xi32>,
    %swap3A_395 = vector.shape_cast %swap3A_394 : vector<16xi32> to vector<16xi32>
    %swap3A_396 = vector.shape_cast %broadcast_in_dim3A_392 : vector<16xi32> to vector<16xi32>
    tpu.vector_store %arg6[%swap3A_393], %swap3A_396 {strides = array<i32>} : memref<1536xi32, #tpu.memory_space<vmem>>, vector<16xi32>,
    %dma_start3A_397 = arith.constant 0 : i32
    %dma_start3A_398 = arith.constant 0 : i32
    %dma_start3A_399 = tpu.memref_slice %arg13[%dma_start3A_397, %dma_start3A_398] : memref<10112x16xf32, #tpu.memory_space<vmem_shared>> -> memref<10112x16xf32, #tpu.memory_space<vmem_shared>>
    tpu.enqueue_indirect_dma source(%dma_start3A_399 : memref<10112x16xf32, #tpu.memory_space<vmem_shared>>) target(%arg10 : memref<1536x16xf32, #tpu.memory_space<vmem>>) offsets(%arg6 : memref<1536xi32, #tpu.memory_space<vmem>>) semaphore(%arg15 : memref<!tpu.dma_semaphore, #tpu.memory_space<semaphore_mem>>)
    %run_scoped3A_400 = arith.constant 1 : i32
    "tpu.region"() ({
      %run_scoped3A_707 = tpu.sem_alloc : memref<!tpu.dma_semaphore, #tpu.memory_space<semaphore_mem>>
      %dma_start3A_708 = arith.constant 0 : i32
      %dma_start3A_709 = tpu.memref_slice %arg8[%dma_start3A_708] : memref<1536xi32, #tpu.memory_space<vmem>> -> memref<784xi32, #tpu.memory_space<vmem>>
      %dma_start3A_710 = tpu.memref_slice %arg3[%run_scoped3A_400, %add3A_115] : memref<2x320000xi32, #tpu.memory_space<hbm>> -> memref<1x784xi32, #tpu.memory_space<hbm>>
      %dma_start3A_711 = tpu.memref_squeeze %dma_start3A_710 : memref<1x784xi32, #tpu.memory_space<hbm>> -> memref<784xi32, #tpu.memory_space<hbm>>
      %dma_start3A_712 = arith.constant 0 : i32
      %dma_start3A_713 = tpu.memref_slice %arg8[%dma_start3A_712] : memref<1536xi32, #tpu.memory_space<vmem>> -> memref<784xi32, #tpu.memory_space<vmem>>
      %dma_start3A_714 = tpu.memref_slice %arg3[%run_scoped3A_400, %add3A_115] : memref<2x320000xi32, #tpu.memory_space<hbm>> -> memref<1x784xi32, #tpu.memory_space<hbm>>
      %dma_start3A_715 = tpu.memref_squeeze %dma_start3A_714 : memref<1x784xi32, #tpu.memory_space<hbm>> -> memref<784xi32, #tpu.memory_space<hbm>>
      tpu.enqueue_dma source(%dma_start3A_715 : memref<784xi32, #tpu.memory_space<hbm>>) target(%dma_start3A_713 : memref<784xi32, #tpu.memory_space<vmem>>) target_semaphore(%run_scoped3A_707 : memref<!tpu.dma_semaphore, #tpu.memory_space<semaphore_mem>>)
      %dma_wait3A_716 = arith.constant 0 : i32
      %dma_wait3A_717 = tpu.memref_slice %arg8[%dma_wait3A_716] : memref<1536xi32, #tpu.memory_space<vmem>> -> memref<784xi32, #tpu.memory_space<vmem>>
      %dma_wait3A_718 = tpu.memref_slice %arg3[%run_scoped3A_400, %add3A_115] : memref<2x320000xi32, #tpu.memory_space<hbm>> -> memref<1x784xi32, #tpu.memory_space<hbm>>
      %dma_wait3A_719 = tpu.memref_squeeze %dma_wait3A_718 : memref<1x784xi32, #tpu.memory_space<hbm>> -> memref<784xi32, #tpu.memory_space<hbm>>
      %dma_wait3A_720 = arith.constant 0 : i32
      %dma_wait3A_721 = tpu.memref_slice %arg8[%dma_wait3A_720] : memref<1536xi32, #tpu.memory_space<vmem>> -> memref<784xi32, #tpu.memory_space<vmem>>
      %dma_wait3A_722 = tpu.memref_slice %arg3[%run_scoped3A_400, %add3A_115] : memref<2x320000xi32, #tpu.memory_space<hbm>> -> memref<1x784xi32, #tpu.memory_space<hbm>>
      %dma_wait3A_723 = tpu.memref_squeeze %dma_wait3A_722 : memref<1x784xi32, #tpu.memory_space<hbm>> -> memref<784xi32, #tpu.memory_space<hbm>>
      tpu.wait_dma2 semaphore(%run_scoped3A_707 : memref<!tpu.dma_semaphore, #tpu.memory_space<semaphore_mem>>) src(%dma_wait3A_723 : memref<784xi32, #tpu.memory_space<hbm>>) dst(%dma_wait3A_721 : memref<784xi32, #tpu.memory_space<vmem>>)
      tpu.yield
    }) : () -> ()
    %broadcast_in_dim3A_401 = arith.constant 10000 : i32
    %broadcast_in_dim3A_402 = vector.broadcast %broadcast_in_dim3A_401 : i32 to vector<16xi32>
    %swap3A_403 = arith.constant 784 : index
    %swap3A_404 = tpu.vector_load %arg8[%swap3A_403] {strides = array<i32>} : memref<1536xi32, #tpu.memory_space<vmem>>, vector<16xi32>,
    %swap3A_405 = vector.shape_cast %swap3A_404 : vector<16xi32> to vector<16xi32>
    %swap3A_406 = vector.shape_cast %broadcast_in_dim3A_402 : vector<16xi32> to vector<16xi32>
    tpu.vector_store %arg8[%swap3A_403], %swap3A_406 {strides = array<i32>} : memref<1536xi32, #tpu.memory_space<vmem>>, vector<16xi32>,
    %broadcast_in_dim3A_407 = arith.constant 10000 : i32
    %broadcast_in_dim3A_408 = vector.broadcast %broadcast_in_dim3A_407 : i32 to vector<16xi32>
    %swap3A_409 = arith.constant 800 : index
    %swap3A_410 = tpu.vector_load %arg8[%swap3A_409] {strides = array<i32>} : memref<1536xi32, #tpu.memory_space<vmem>>, vector<16xi32>,
    %swap3A_411 = vector.shape_cast %swap3A_410 : vector<16xi32> to vector<16xi32>
    %swap3A_412 = vector.shape_cast %broadcast_in_dim3A_408 : vector<16xi32> to vector<16xi32>
    tpu.vector_store %arg8[%swap3A_409], %swap3A_412 {strides = array<i32>} : memref<1536xi32, #tpu.memory_space<vmem>>, vector<16xi32>,
    %broadcast_in_dim3A_413 = arith.constant 10000 : i32
    %broadcast_in_dim3A_414 = vector.broadcast %broadcast_in_dim3A_413 : i32 to vector<16xi32>
    %swap3A_415 = arith.constant 816 : index
    %swap3A_416 = tpu.vector_load %arg8[%swap3A_415] {strides = array<i32>} : memref<1536xi32, #tpu.memory_space<vmem>>, vector<16xi32>,
    %swap3A_417 = vector.shape_cast %swap3A_416 : vector<16xi32> to vector<16xi32>
    %swap3A_418 = vector.shape_cast %broadcast_in_dim3A_414 : vector<16xi32> to vector<16xi32>
    tpu.vector_store %arg8[%swap3A_415], %swap3A_418 {strides = array<i32>} : memref<1536xi32, #tpu.memory_space<vmem>>, vector<16xi32>,
    %broadcast_in_dim3A_419 = arith.constant 10000 : i32
    %broadcast_in_dim3A_420 = vector.broadcast %broadcast_in_dim3A_419 : i32 to vector<16xi32>
    %swap3A_421 = arith.constant 832 : index
    %swap3A_422 = tpu.vector_load %arg8[%swap3A_421] {strides = array<i32>} : memref<1536xi32, #tpu.memory_space<vmem>>, vector<16xi32>,
    %swap3A_423 = vector.shape_cast %swap3A_422 : vector<16xi32> to vector<16xi32>
    %swap3A_424 = vector.shape_cast %broadcast_in_dim3A_420 : vector<16xi32> to vector<16xi32>
    tpu.vector_store %arg8[%swap3A_421], %swap3A_424 {strides = array<i32>} : memref<1536xi32, #tpu.memory_space<vmem>>, vector<16xi32>,
    %broadcast_in_dim3A_425 = arith.constant 10000 : i32
    %broadcast_in_dim3A_426 = vector.broadcast %broadcast_in_dim3A_425 : i32 to vector<16xi32>
    %swap3A_427 = arith.constant 848 : index
    %swap3A_428 = tpu.vector_load %arg8[%swap3A_427] {strides = array<i32>} : memref<1536xi32, #tpu.memory_space<vmem>>, vector<16xi32>,
    %swap3A_429 = vector.shape_cast %swap3A_428 : vector<16xi32> to vector<16xi32>
    %swap3A_430 = vector.shape_cast %broadcast_in_dim3A_426 : vector<16xi32> to vector<16xi32>
    tpu.vector_store %arg8[%swap3A_427], %swap3A_430 {strides = array<i32>} : memref<1536xi32, #tpu.memory_space<vmem>>, vector<16xi32>,
    %broadcast_in_dim3A_431 = arith.constant 10000 : i32
    %broadcast_in_dim3A_432 = vector.broadcast %broadcast_in_dim3A_431 : i32 to vector<16xi32>
    %swap3A_433 = arith.constant 864 : index
    %swap3A_434 = tpu.vector_load %arg8[%swap3A_433] {strides = array<i32>} : memref<1536xi32, #tpu.memory_space<vmem>>, vector<16xi32>,
    %swap3A_435 = vector.shape_cast %swap3A_434 : vector<16xi32> to vector<16xi32>
    %swap3A_436 = vector.shape_cast %broadcast_in_dim3A_432 : vector<16xi32> to vector<16xi32>
    tpu.vector_store %arg8[%swap3A_433], %swap3A_436 {strides = array<i32>} : memref<1536xi32, #tpu.memory_space<vmem>>, vector<16xi32>,
    %broadcast_in_dim3A_437 = arith.constant 10000 : i32
    %broadcast_in_dim3A_438 = vector.broadcast %broadcast_in_dim3A_437 : i32 to vector<16xi32>
    %swap3A_439 = arith.constant 880 : index
    %swap3A_440 = tpu.vector_load %arg8[%swap3A_439] {strides = array<i32>} : memref<1536xi32, #tpu.memory_space<vmem>>, vector<16xi32>,
    %swap3A_441 = vector.shape_cast %swap3A_440 : vector<16xi32> to vector<16xi32>
    %swap3A_442 = vector.shape_cast %broadcast_in_dim3A_438 : vector<16xi32> to vector<16xi32>
    tpu.vector_store %arg8[%swap3A_439], %swap3A_442 {strides = array<i32>} : memref<1536xi32, #tpu.memory_space<vmem>>, vector<16xi32>,
    %broadcast_in_dim3A_443 = arith.constant 10000 : i32
    %broadcast_in_dim3A_444 = vector.broadcast %broadcast_in_dim3A_443 : i32 to vector<16xi32>
    %swap3A_445 = arith.constant 896 : index
    %swap3A_446 = tpu.vector_load %arg8[%swap3A_445] {strides = array<i32>} : memref<1536xi32, #tpu.memory_space<vmem>>, vector<16xi32>,
    %swap3A_447 = vector.shape_cast %swap3A_446 : vector<16xi32> to vector<16xi32>
    %swap3A_448 = vector.shape_cast %broadcast_in_dim3A_444 : vector<16xi32> to vector<16xi32>
    tpu.vector_store %arg8[%swap3A_445], %swap3A_448 {strides = array<i32>} : memref<1536xi32, #tpu.memory_space<vmem>>, vector<16xi32>,
    %broadcast_in_dim3A_449 = arith.constant 10000 : i32
    %broadcast_in_dim3A_450 = vector.broadcast %broadcast_in_dim3A_449 : i32 to vector<16xi32>
    %swap3A_451 = arith.constant 912 : index
    %swap3A_452 = tpu.vector_load %arg8[%swap3A_451] {strides = array<i32>} : memref<1536xi32, #tpu.memory_space<vmem>>, vector<16xi32>,
    %swap3A_453 = vector.shape_cast %swap3A_452 : vector<16xi32> to vector<16xi32>
    %swap3A_454 = vector.shape_cast %broadcast_in_dim3A_450 : vector<16xi32> to vector<16xi32>
    tpu.vector_store %arg8[%swap3A_451], %swap3A_454 {strides = array<i32>} : memref<1536xi32, #tpu.memory_space<vmem>>, vector<16xi32>,
    %broadcast_in_dim3A_455 = arith.constant 10000 : i32
    %broadcast_in_dim3A_456 = vector.broadcast %broadcast_in_dim3A_455 : i32 to vector<16xi32>
    %swap3A_457 = arith.constant 928 : index
    %swap3A_458 = tpu.vector_load %arg8[%swap3A_457] {strides = array<i32>} : memref<1536xi32, #tpu.memory_space<vmem>>, vector<16xi32>,
    %swap3A_459 = vector.shape_cast %swap3A_458 : vector<16xi32> to vector<16xi32>
    %swap3A_460 = vector.shape_cast %broadcast_in_dim3A_456 : vector<16xi32> to vector<16xi32>
    tpu.vector_store %arg8[%swap3A_457], %swap3A_460 {strides = array<i32>} : memref<1536xi32, #tpu.memory_space<vmem>>, vector<16xi32>,
    %broadcast_in_dim3A_461 = arith.constant 10000 : i32
    %broadcast_in_dim3A_462 = vector.broadcast %broadcast_in_dim3A_461 : i32 to vector<16xi32>
    %swap3A_463 = arith.constant 944 : index
    %swap3A_464 = tpu.vector_load %arg8[%swap3A_463] {strides = array<i32>} : memref<1536xi32, #tpu.memory_space<vmem>>, vector<16xi32>,
    %swap3A_465 = vector.shape_cast %swap3A_464 : vector<16xi32> to vector<16xi32>
    %swap3A_466 = vector.shape_cast %broadcast_in_dim3A_462 : vector<16xi32> to vector<16xi32>
    tpu.vector_store %arg8[%swap3A_463], %swap3A_466 {strides = array<i32>} : memref<1536xi32, #tpu.memory_space<vmem>>, vector<16xi32>,
    %broadcast_in_dim3A_467 = arith.constant 10000 : i32
    %broadcast_in_dim3A_468 = vector.broadcast %broadcast_in_dim3A_467 : i32 to vector<16xi32>
    %swap3A_469 = arith.constant 960 : index
    %swap3A_470 = tpu.vector_load %arg8[%swap3A_469] {strides = array<i32>} : memref<1536xi32, #tpu.memory_space<vmem>>, vector<16xi32>,
    %swap3A_471 = vector.shape_cast %swap3A_470 : vector<16xi32> to vector<16xi32>
    %swap3A_472 = vector.shape_cast %broadcast_in_dim3A_468 : vector<16xi32> to vector<16xi32>
    tpu.vector_store %arg8[%swap3A_469], %swap3A_472 {strides = array<i32>} : memref<1536xi32, #tpu.memory_space<vmem>>, vector<16xi32>,
    %broadcast_in_dim3A_473 = arith.constant 10000 : i32
    %broadcast_in_dim3A_474 = vector.broadcast %broadcast_in_dim3A_473 : i32 to vector<16xi32>
    %swap3A_475 = arith.constant 976 : index
    %swap3A_476 = tpu.vector_load %arg8[%swap3A_475] {strides = array<i32>} : memref<1536xi32, #tpu.memory_space<vmem>>, vector<16xi32>,
    %swap3A_477 = vector.shape_cast %swap3A_476 : vector<16xi32> to vector<16xi32>
    %swap3A_478 = vector.shape_cast %broadcast_in_dim3A_474 : vector<16xi32> to vector<16xi32>
    tpu.vector_store %arg8[%swap3A_475], %swap3A_478 {strides = array<i32>} : memref<1536xi32, #tpu.memory_space<vmem>>, vector<16xi32>,
    %broadcast_in_dim3A_479 = arith.constant 10000 : i32
    %broadcast_in_dim3A_480 = vector.broadcast %broadcast_in_dim3A_479 : i32 to vector<16xi32>
    %swap3A_481 = arith.constant 992 : index
    %swap3A_482 = tpu.vector_load %arg8[%swap3A_481] {strides = array<i32>} : memref<1536xi32, #tpu.memory_space<vmem>>, vector<16xi32>,
    %swap3A_483 = vector.shape_cast %swap3A_482 : vector<16xi32> to vector<16xi32>
    %swap3A_484 = vector.shape_cast %broadcast_in_dim3A_480 : vector<16xi32> to vector<16xi32>
    tpu.vector_store %arg8[%swap3A_481], %swap3A_484 {strides = array<i32>} : memref<1536xi32, #tpu.memory_space<vmem>>, vector<16xi32>,
    %broadcast_in_dim3A_485 = arith.constant 10000 : i32
    %broadcast_in_dim3A_486 = vector.broadcast %broadcast_in_dim3A_485 : i32 to vector<16xi32>
    %swap3A_487 = arith.constant 1008 : index
    %swap3A_488 = tpu.vector_load %arg8[%swap3A_487] {strides = array<i32>} : memref<1536xi32, #tpu.memory_space<vmem>>, vector<16xi32>,
    %swap3A_489 = vector.shape_cast %swap3A_488 : vector<16xi32> to vector<16xi32>
    %swap3A_490 = vector.shape_cast %broadcast_in_dim3A_486 : vector<16xi32> to vector<16xi32>
    tpu.vector_store %arg8[%swap3A_487], %swap3A_490 {strides = array<i32>} : memref<1536xi32, #tpu.memory_space<vmem>>, vector<16xi32>,
    %broadcast_in_dim3A_491 = arith.constant 10000 : i32
    %broadcast_in_dim3A_492 = vector.broadcast %broadcast_in_dim3A_491 : i32 to vector<16xi32>
    %swap3A_493 = arith.constant 1024 : index
    %swap3A_494 = tpu.vector_load %arg8[%swap3A_493] {strides = array<i32>} : memref<1536xi32, #tpu.memory_space<vmem>>, vector<16xi32>,
    %swap3A_495 = vector.shape_cast %swap3A_494 : vector<16xi32> to vector<16xi32>
    %swap3A_496 = vector.shape_cast %broadcast_in_dim3A_492 : vector<16xi32> to vector<16xi32>
    tpu.vector_store %arg8[%swap3A_493], %swap3A_496 {strides = array<i32>} : memref<1536xi32, #tpu.memory_space<vmem>>, vector<16xi32>,
    %broadcast_in_dim3A_497 = arith.constant 10000 : i32
    %broadcast_in_dim3A_498 = vector.broadcast %broadcast_in_dim3A_497 : i32 to vector<16xi32>
    %swap3A_499 = arith.constant 1040 : index
    %swap3A_500 = tpu.vector_load %arg8[%swap3A_499] {strides = array<i32>} : memref<1536xi32, #tpu.memory_space<vmem>>, vector<16xi32>,
    %swap3A_501 = vector.shape_cast %swap3A_500 : vector<16xi32> to vector<16xi32>
    %swap3A_502 = vector.shape_cast %broadcast_in_dim3A_498 : vector<16xi32> to vector<16xi32>
    tpu.vector_store %arg8[%swap3A_499], %swap3A_502 {strides = array<i32>} : memref<1536xi32, #tpu.memory_space<vmem>>, vector<16xi32>,
    %broadcast_in_dim3A_503 = arith.constant 10000 : i32
    %broadcast_in_dim3A_504 = vector.broadcast %broadcast_in_dim3A_503 : i32 to vector<16xi32>
    %swap3A_505 = arith.constant 1056 : index
    %swap3A_506 = tpu.vector_load %arg8[%swap3A_505] {strides = array<i32>} : memref<1536xi32, #tpu.memory_space<vmem>>, vector<16xi32>,
    %swap3A_507 = vector.shape_cast %swap3A_506 : vector<16xi32> to vector<16xi32>
    %swap3A_508 = vector.shape_cast %broadcast_in_dim3A_504 : vector<16xi32> to vector<16xi32>
    tpu.vector_store %arg8[%swap3A_505], %swap3A_508 {strides = array<i32>} : memref<1536xi32, #tpu.memory_space<vmem>>, vector<16xi32>,
    %broadcast_in_dim3A_509 = arith.constant 10000 : i32
    %broadcast_in_dim3A_510 = vector.broadcast %broadcast_in_dim3A_509 : i32 to vector<16xi32>
    %swap3A_511 = arith.constant 1072 : index
    %swap3A_512 = tpu.vector_load %arg8[%swap3A_511] {strides = array<i32>} : memref<1536xi32, #tpu.memory_space<vmem>>, vector<16xi32>,
    %swap3A_513 = vector.shape_cast %swap3A_512 : vector<16xi32> to vector<16xi32>
    %swap3A_514 = vector.shape_cast %broadcast_in_dim3A_510 : vector<16xi32> to vector<16xi32>
    tpu.vector_store %arg8[%swap3A_511], %swap3A_514 {strides = array<i32>} : memref<1536xi32, #tpu.memory_space<vmem>>, vector<16xi32>,
    %broadcast_in_dim3A_515 = arith.constant 10000 : i32
    %broadcast_in_dim3A_516 = vector.broadcast %broadcast_in_dim3A_515 : i32 to vector<16xi32>
    %swap3A_517 = arith.constant 1088 : index
    %swap3A_518 = tpu.vector_load %arg8[%swap3A_517] {strides = array<i32>} : memref<1536xi32, #tpu.memory_space<vmem>>, vector<16xi32>,
    %swap3A_519 = vector.shape_cast %swap3A_518 : vector<16xi32> to vector<16xi32>
    %swap3A_520 = vector.shape_cast %broadcast_in_dim3A_516 : vector<16xi32> to vector<16xi32>
    tpu.vector_store %arg8[%swap3A_517], %swap3A_520 {strides = array<i32>} : memref<1536xi32, #tpu.memory_space<vmem>>, vector<16xi32>,
    %broadcast_in_dim3A_521 = arith.constant 10000 : i32
    %broadcast_in_dim3A_522 = vector.broadcast %broadcast_in_dim3A_521 : i32 to vector<16xi32>
    %swap3A_523 = arith.constant 1104 : index
    %swap3A_524 = tpu.vector_load %arg8[%swap3A_523] {strides = array<i32>} : memref<1536xi32, #tpu.memory_space<vmem>>, vector<16xi32>,
    %swap3A_525 = vector.shape_cast %swap3A_524 : vector<16xi32> to vector<16xi32>
    %swap3A_526 = vector.shape_cast %broadcast_in_dim3A_522 : vector<16xi32> to vector<16xi32>
    tpu.vector_store %arg8[%swap3A_523], %swap3A_526 {strides = array<i32>} : memref<1536xi32, #tpu.memory_space<vmem>>, vector<16xi32>,
    %broadcast_in_dim3A_527 = arith.constant 10000 : i32
    %broadcast_in_dim3A_528 = vector.broadcast %broadcast_in_dim3A_527 : i32 to vector<16xi32>
    %swap3A_529 = arith.constant 1120 : index
    %swap3A_530 = tpu.vector_load %arg8[%swap3A_529] {strides = array<i32>} : memref<1536xi32, #tpu.memory_space<vmem>>, vector<16xi32>,
    %swap3A_531 = vector.shape_cast %swap3A_530 : vector<16xi32> to vector<16xi32>
    %swap3A_532 = vector.shape_cast %broadcast_in_dim3A_528 : vector<16xi32> to vector<16xi32>
    tpu.vector_store %arg8[%swap3A_529], %swap3A_532 {strides = array<i32>} : memref<1536xi32, #tpu.memory_space<vmem>>, vector<16xi32>,
    %broadcast_in_dim3A_533 = arith.constant 10000 : i32
    %broadcast_in_dim3A_534 = vector.broadcast %broadcast_in_dim3A_533 : i32 to vector<16xi32>
    %swap3A_535 = arith.constant 1136 : index
    %swap3A_536 = tpu.vector_load %arg8[%swap3A_535] {strides = array<i32>} : memref<1536xi32, #tpu.memory_space<vmem>>, vector<16xi32>,
    %swap3A_537 = vector.shape_cast %swap3A_536 : vector<16xi32> to vector<16xi32>
    %swap3A_538 = vector.shape_cast %broadcast_in_dim3A_534 : vector<16xi32> to vector<16xi32>
    tpu.vector_store %arg8[%swap3A_535], %swap3A_538 {strides = array<i32>} : memref<1536xi32, #tpu.memory_space<vmem>>, vector<16xi32>,
    %broadcast_in_dim3A_539 = arith.constant 10000 : i32
    %broadcast_in_dim3A_540 = vector.broadcast %broadcast_in_dim3A_539 : i32 to vector<16xi32>
    %swap3A_541 = arith.constant 1152 : index
    %swap3A_542 = tpu.vector_load %arg8[%swap3A_541] {strides = array<i32>} : memref<1536xi32, #tpu.memory_space<vmem>>, vector<16xi32>,
    %swap3A_543 = vector.shape_cast %swap3A_542 : vector<16xi32> to vector<16xi32>
    %swap3A_544 = vector.shape_cast %broadcast_in_dim3A_540 : vector<16xi32> to vector<16xi32>
    tpu.vector_store %arg8[%swap3A_541], %swap3A_544 {strides = array<i32>} : memref<1536xi32, #tpu.memory_space<vmem>>, vector<16xi32>,
    %broadcast_in_dim3A_545 = arith.constant 10000 : i32
    %broadcast_in_dim3A_546 = vector.broadcast %broadcast_in_dim3A_545 : i32 to vector<16xi32>
    %swap3A_547 = arith.constant 1168 : index
    %swap3A_548 = tpu.vector_load %arg8[%swap3A_547] {strides = array<i32>} : memref<1536xi32, #tpu.memory_space<vmem>>, vector<16xi32>,
    %swap3A_549 = vector.shape_cast %swap3A_548 : vector<16xi32> to vector<16xi32>
    %swap3A_550 = vector.shape_cast %broadcast_in_dim3A_546 : vector<16xi32> to vector<16xi32>
    tpu.vector_store %arg8[%swap3A_547], %swap3A_550 {strides = array<i32>} : memref<1536xi32, #tpu.memory_space<vmem>>, vector<16xi32>,
    %broadcast_in_dim3A_551 = arith.constant 10000 : i32
    %broadcast_in_dim3A_552 = vector.broadcast %broadcast_in_dim3A_551 : i32 to vector<16xi32>
    %swap3A_553 = arith.constant 1184 : index
    %swap3A_554 = tpu.vector_load %arg8[%swap3A_553] {strides = array<i32>} : memref<1536xi32, #tpu.memory_space<vmem>>, vector<16xi32>,
    %swap3A_555 = vector.shape_cast %swap3A_554 : vector<16xi32> to vector<16xi32>
    %swap3A_556 = vector.shape_cast %broadcast_in_dim3A_552 : vector<16xi32> to vector<16xi32>
    tpu.vector_store %arg8[%swap3A_553], %swap3A_556 {strides = array<i32>} : memref<1536xi32, #tpu.memory_space<vmem>>, vector<16xi32>,
    %broadcast_in_dim3A_557 = arith.constant 10000 : i32
    %broadcast_in_dim3A_558 = vector.broadcast %broadcast_in_dim3A_557 : i32 to vector<16xi32>
    %swap3A_559 = arith.constant 1200 : index
    %swap3A_560 = tpu.vector_load %arg8[%swap3A_559] {strides = array<i32>} : memref<1536xi32, #tpu.memory_space<vmem>>, vector<16xi32>,
    %swap3A_561 = vector.shape_cast %swap3A_560 : vector<16xi32> to vector<16xi32>
    %swap3A_562 = vector.shape_cast %broadcast_in_dim3A_558 : vector<16xi32> to vector<16xi32>
    tpu.vector_store %arg8[%swap3A_559], %swap3A_562 {strides = array<i32>} : memref<1536xi32, #tpu.memory_space<vmem>>, vector<16xi32>,
    %broadcast_in_dim3A_563 = arith.constant 10000 : i32
    %broadcast_in_dim3A_564 = vector.broadcast %broadcast_in_dim3A_563 : i32 to vector<16xi32>
    %swap3A_565 = arith.constant 1216 : index
    %swap3A_566 = tpu.vector_load %arg8[%swap3A_565] {strides = array<i32>} : memref<1536xi32, #tpu.memory_space<vmem>>, vector<16xi32>,
    %swap3A_567 = vector.shape_cast %swap3A_566 : vector<16xi32> to vector<16xi32>
    %swap3A_568 = vector.shape_cast %broadcast_in_dim3A_564 : vector<16xi32> to vector<16xi32>
    tpu.vector_store %arg8[%swap3A_565], %swap3A_568 {strides = array<i32>} : memref<1536xi32, #tpu.memory_space<vmem>>, vector<16xi32>,
    %broadcast_in_dim3A_569 = arith.constant 10000 : i32
    %broadcast_in_dim3A_570 = vector.broadcast %broadcast_in_dim3A_569 : i32 to vector<16xi32>
    %swap3A_571 = arith.constant 1232 : index
    %swap3A_572 = tpu.vector_load %arg8[%swap3A_571] {strides = array<i32>} : memref<1536xi32, #tpu.memory_space<vmem>>, vector<16xi32>,
    %swap3A_573 = vector.shape_cast %swap3A_572 : vector<16xi32> to vector<16xi32>
    %swap3A_574 = vector.shape_cast %broadcast_in_dim3A_570 : vector<16xi32> to vector<16xi32>
    tpu.vector_store %arg8[%swap3A_571], %swap3A_574 {strides = array<i32>} : memref<1536xi32, #tpu.memory_space<vmem>>, vector<16xi32>,
    %broadcast_in_dim3A_575 = arith.constant 10000 : i32
    %broadcast_in_dim3A_576 = vector.broadcast %broadcast_in_dim3A_575 : i32 to vector<16xi32>
    %swap3A_577 = arith.constant 1248 : index
    %swap3A_578 = tpu.vector_load %arg8[%swap3A_577] {strides = array<i32>} : memref<1536xi32, #tpu.memory_space<vmem>>, vector<16xi32>,
    %swap3A_579 = vector.shape_cast %swap3A_578 : vector<16xi32> to vector<16xi32>
    %swap3A_580 = vector.shape_cast %broadcast_in_dim3A_576 : vector<16xi32> to vector<16xi32>
    tpu.vector_store %arg8[%swap3A_577], %swap3A_580 {strides = array<i32>} : memref<1536xi32, #tpu.memory_space<vmem>>, vector<16xi32>,
    %broadcast_in_dim3A_581 = arith.constant 10000 : i32
    %broadcast_in_dim3A_582 = vector.broadcast %broadcast_in_dim3A_581 : i32 to vector<16xi32>
    %swap3A_583 = arith.constant 1264 : index
    %swap3A_584 = tpu.vector_load %arg8[%swap3A_583] {strides = array<i32>} : memref<1536xi32, #tpu.memory_space<vmem>>, vector<16xi32>,
    %swap3A_585 = vector.shape_cast %swap3A_584 : vector<16xi32> to vector<16xi32>
    %swap3A_586 = vector.shape_cast %broadcast_in_dim3A_582 : vector<16xi32> to vector<16xi32>
    tpu.vector_store %arg8[%swap3A_583], %swap3A_586 {strides = array<i32>} : memref<1536xi32, #tpu.memory_space<vmem>>, vector<16xi32>,
    %broadcast_in_dim3A_587 = arith.constant 10000 : i32
    %broadcast_in_dim3A_588 = vector.broadcast %broadcast_in_dim3A_587 : i32 to vector<16xi32>
    %swap3A_589 = arith.constant 1280 : index
    %swap3A_590 = tpu.vector_load %arg8[%swap3A_589] {strides = array<i32>} : memref<1536xi32, #tpu.memory_space<vmem>>, vector<16xi32>,
    %swap3A_591 = vector.shape_cast %swap3A_590 : vector<16xi32> to vector<16xi32>
    %swap3A_592 = vector.shape_cast %broadcast_in_dim3A_588 : vector<16xi32> to vector<16xi32>
    tpu.vector_store %arg8[%swap3A_589], %swap3A_592 {strides = array<i32>} : memref<1536xi32, #tpu.memory_space<vmem>>, vector<16xi32>,
    %broadcast_in_dim3A_593 = arith.constant 10000 : i32
    %broadcast_in_dim3A_594 = vector.broadcast %broadcast_in_dim3A_593 : i32 to vector<16xi32>
    %swap3A_595 = arith.constant 1296 : index
    %swap3A_596 = tpu.vector_load %arg8[%swap3A_595] {strides = array<i32>} : memref<1536xi32, #tpu.memory_space<vmem>>, vector<16xi32>,
    %swap3A_597 = vector.shape_cast %swap3A_596 : vector<16xi32> to vector<16xi32>
    %swap3A_598 = vector.shape_cast %broadcast_in_dim3A_594 : vector<16xi32> to vector<16xi32>
    tpu.vector_store %arg8[%swap3A_595], %swap3A_598 {strides = array<i32>} : memref<1536xi32, #tpu.memory_space<vmem>>, vector<16xi32>,
    %broadcast_in_dim3A_599 = arith.constant 10000 : i32
    %broadcast_in_dim3A_600 = vector.broadcast %broadcast_in_dim3A_599 : i32 to vector<16xi32>
    %swap3A_601 = arith.constant 1312 : index
    %swap3A_602 = tpu.vector_load %arg8[%swap3A_601] {strides = array<i32>} : memref<1536xi32, #tpu.memory_space<vmem>>, vector<16xi32>,
    %swap3A_603 = vector.shape_cast %swap3A_602 : vector<16xi32> to vector<16xi32>
    %swap3A_604 = vector.shape_cast %broadcast_in_dim3A_600 : vector<16xi32> to vector<16xi32>
    tpu.vector_store %arg8[%swap3A_601], %swap3A_604 {strides = array<i32>} : memref<1536xi32, #tpu.memory_space<vmem>>, vector<16xi32>,
    %broadcast_in_dim3A_605 = arith.constant 10000 : i32
    %broadcast_in_dim3A_606 = vector.broadcast %broadcast_in_dim3A_605 : i32 to vector<16xi32>
    %swap3A_607 = arith.constant 1328 : index
    %swap3A_608 = tpu.vector_load %arg8[%swap3A_607] {strides = array<i32>} : memref<1536xi32, #tpu.memory_space<vmem>>, vector<16xi32>,
    %swap3A_609 = vector.shape_cast %swap3A_608 : vector<16xi32> to vector<16xi32>
    %swap3A_610 = vector.shape_cast %broadcast_in_dim3A_606 : vector<16xi32> to vector<16xi32>
    tpu.vector_store %arg8[%swap3A_607], %swap3A_610 {strides = array<i32>} : memref<1536xi32, #tpu.memory_space<vmem>>, vector<16xi32>,
    %broadcast_in_dim3A_611 = arith.constant 10000 : i32
    %broadcast_in_dim3A_612 = vector.broadcast %broadcast_in_dim3A_611 : i32 to vector<16xi32>
    %swap3A_613 = arith.constant 1344 : index
    %swap3A_614 = tpu.vector_load %arg8[%swap3A_613] {strides = array<i32>} : memref<1536xi32, #tpu.memory_space<vmem>>, vector<16xi32>,
    %swap3A_615 = vector.shape_cast %swap3A_614 : vector<16xi32> to vector<16xi32>
    %swap3A_616 = vector.shape_cast %broadcast_in_dim3A_612 : vector<16xi32> to vector<16xi32>
    tpu.vector_store %arg8[%swap3A_613], %swap3A_616 {strides = array<i32>} : memref<1536xi32, #tpu.memory_space<vmem>>, vector<16xi32>,
    %broadcast_in_dim3A_617 = arith.constant 10000 : i32
    %broadcast_in_dim3A_618 = vector.broadcast %broadcast_in_dim3A_617 : i32 to vector<16xi32>
    %swap3A_619 = arith.constant 1360 : index
    %swap3A_620 = tpu.vector_load %arg8[%swap3A_619] {strides = array<i32>} : memref<1536xi32, #tpu.memory_space<vmem>>, vector<16xi32>,
    %swap3A_621 = vector.shape_cast %swap3A_620 : vector<16xi32> to vector<16xi32>
    %swap3A_622 = vector.shape_cast %broadcast_in_dim3A_618 : vector<16xi32> to vector<16xi32>
    tpu.vector_store %arg8[%swap3A_619], %swap3A_622 {strides = array<i32>} : memref<1536xi32, #tpu.memory_space<vmem>>, vector<16xi32>,
    %broadcast_in_dim3A_623 = arith.constant 10000 : i32
    %broadcast_in_dim3A_624 = vector.broadcast %broadcast_in_dim3A_623 : i32 to vector<16xi32>
    %swap3A_625 = arith.constant 1376 : index
    %swap3A_626 = tpu.vector_load %arg8[%swap3A_625] {strides = array<i32>} : memref<1536xi32, #tpu.memory_space<vmem>>, vector<16xi32>,
    %swap3A_627 = vector.shape_cast %swap3A_626 : vector<16xi32> to vector<16xi32>
    %swap3A_628 = vector.shape_cast %broadcast_in_dim3A_624 : vector<16xi32> to vector<16xi32>
    tpu.vector_store %arg8[%swap3A_625], %swap3A_628 {strides = array<i32>} : memref<1536xi32, #tpu.memory_space<vmem>>, vector<16xi32>,
    %broadcast_in_dim3A_629 = arith.constant 10000 : i32
    %broadcast_in_dim3A_630 = vector.broadcast %broadcast_in_dim3A_629 : i32 to vector<16xi32>
    %swap3A_631 = arith.constant 1392 : index
    %swap3A_632 = tpu.vector_load %arg8[%swap3A_631] {strides = array<i32>} : memref<1536xi32, #tpu.memory_space<vmem>>, vector<16xi32>,
    %swap3A_633 = vector.shape_cast %swap3A_632 : vector<16xi32> to vector<16xi32>
    %swap3A_634 = vector.shape_cast %broadcast_in_dim3A_630 : vector<16xi32> to vector<16xi32>
    tpu.vector_store %arg8[%swap3A_631], %swap3A_634 {strides = array<i32>} : memref<1536xi32, #tpu.memory_space<vmem>>, vector<16xi32>,
    %broadcast_in_dim3A_635 = arith.constant 10000 : i32
    %broadcast_in_dim3A_636 = vector.broadcast %broadcast_in_dim3A_635 : i32 to vector<16xi32>
    %swap3A_637 = arith.constant 1408 : index
    %swap3A_638 = tpu.vector_load %arg8[%swap3A_637] {strides = array<i32>} : memref<1536xi32, #tpu.memory_space<vmem>>, vector<16xi32>,
    %swap3A_639 = vector.shape_cast %swap3A_638 : vector<16xi32> to vector<16xi32>
    %swap3A_640 = vector.shape_cast %broadcast_in_dim3A_636 : vector<16xi32> to vector<16xi32>
    tpu.vector_store %arg8[%swap3A_637], %swap3A_640 {strides = array<i32>} : memref<1536xi32, #tpu.memory_space<vmem>>, vector<16xi32>,
    %broadcast_in_dim3A_641 = arith.constant 10000 : i32
    %broadcast_in_dim3A_642 = vector.broadcast %broadcast_in_dim3A_641 : i32 to vector<16xi32>
    %swap3A_643 = arith.constant 1424 : index
    %swap3A_644 = tpu.vector_load %arg8[%swap3A_643] {strides = array<i32>} : memref<1536xi32, #tpu.memory_space<vmem>>, vector<16xi32>,
    %swap3A_645 = vector.shape_cast %swap3A_644 : vector<16xi32> to vector<16xi32>
    %swap3A_646 = vector.shape_cast %broadcast_in_dim3A_642 : vector<16xi32> to vector<16xi32>
    tpu.vector_store %arg8[%swap3A_643], %swap3A_646 {strides = array<i32>} : memref<1536xi32, #tpu.memory_space<vmem>>, vector<16xi32>,
    %broadcast_in_dim3A_647 = arith.constant 10000 : i32
    %broadcast_in_dim3A_648 = vector.broadcast %broadcast_in_dim3A_647 : i32 to vector<16xi32>
    %swap3A_649 = arith.constant 1440 : index
    %swap3A_650 = tpu.vector_load %arg8[%swap3A_649] {strides = array<i32>} : memref<1536xi32, #tpu.memory_space<vmem>>, vector<16xi32>,
    %swap3A_651 = vector.shape_cast %swap3A_650 : vector<16xi32> to vector<16xi32>
    %swap3A_652 = vector.shape_cast %broadcast_in_dim3A_648 : vector<16xi32> to vector<16xi32>
    tpu.vector_store %arg8[%swap3A_649], %swap3A_652 {strides = array<i32>} : memref<1536xi32, #tpu.memory_space<vmem>>, vector<16xi32>,
    %broadcast_in_dim3A_653 = arith.constant 10000 : i32
    %broadcast_in_dim3A_654 = vector.broadcast %broadcast_in_dim3A_653 : i32 to vector<16xi32>
    %swap3A_655 = arith.constant 1456 : index
    %swap3A_656 = tpu.vector_load %arg8[%swap3A_655] {strides = array<i32>} : memref<1536xi32, #tpu.memory_space<vmem>>, vector<16xi32>,
    %swap3A_657 = vector.shape_cast %swap3A_656 : vector<16xi32> to vector<16xi32>
    %swap3A_658 = vector.shape_cast %broadcast_in_dim3A_654 : vector<16xi32> to vector<16xi32>
    tpu.vector_store %arg8[%swap3A_655], %swap3A_658 {strides = array<i32>} : memref<1536xi32, #tpu.memory_space<vmem>>, vector<16xi32>,
    %broadcast_in_dim3A_659 = arith.constant 10000 : i32
    %broadcast_in_dim3A_660 = vector.broadcast %broadcast_in_dim3A_659 : i32 to vector<16xi32>
    %swap3A_661 = arith.constant 1472 : index
    %swap3A_662 = tpu.vector_load %arg8[%swap3A_661] {strides = array<i32>} : memref<1536xi32, #tpu.memory_space<vmem>>, vector<16xi32>,
    %swap3A_663 = vector.shape_cast %swap3A_662 : vector<16xi32> to vector<16xi32>
    %swap3A_664 = vector.shape_cast %broadcast_in_dim3A_660 : vector<16xi32> to vector<16xi32>
    tpu.vector_store %arg8[%swap3A_661], %swap3A_664 {strides = array<i32>} : memref<1536xi32, #tpu.memory_space<vmem>>, vector<16xi32>,
    %broadcast_in_dim3A_665 = arith.constant 10000 : i32
    %broadcast_in_dim3A_666 = vector.broadcast %broadcast_in_dim3A_665 : i32 to vector<16xi32>
    %swap3A_667 = arith.constant 1488 : index
    %swap3A_668 = tpu.vector_load %arg8[%swap3A_667] {strides = array<i32>} : memref<1536xi32, #tpu.memory_space<vmem>>, vector<16xi32>,
    %swap3A_669 = vector.shape_cast %swap3A_668 : vector<16xi32> to vector<16xi32>
    %swap3A_670 = vector.shape_cast %broadcast_in_dim3A_666 : vector<16xi32> to vector<16xi32>
    tpu.vector_store %arg8[%swap3A_667], %swap3A_670 {strides = array<i32>} : memref<1536xi32, #tpu.memory_space<vmem>>, vector<16xi32>,
    %broadcast_in_dim3A_671 = arith.constant 10000 : i32
    %broadcast_in_dim3A_672 = vector.broadcast %broadcast_in_dim3A_671 : i32 to vector<16xi32>
    %swap3A_673 = arith.constant 1504 : index
    %swap3A_674 = tpu.vector_load %arg8[%swap3A_673] {strides = array<i32>} : memref<1536xi32, #tpu.memory_space<vmem>>, vector<16xi32>,
    %swap3A_675 = vector.shape_cast %swap3A_674 : vector<16xi32> to vector<16xi32>
    %swap3A_676 = vector.shape_cast %broadcast_in_dim3A_672 : vector<16xi32> to vector<16xi32>
    tpu.vector_store %arg8[%swap3A_673], %swap3A_676 {strides = array<i32>} : memref<1536xi32, #tpu.memory_space<vmem>>, vector<16xi32>,
    %broadcast_in_dim3A_677 = arith.constant 10000 : i32
    %broadcast_in_dim3A_678 = vector.broadcast %broadcast_in_dim3A_677 : i32 to vector<16xi32>
    %swap3A_679 = arith.constant 1520 : index
    %swap3A_680 = tpu.vector_load %arg8[%swap3A_679] {strides = array<i32>} : memref<1536xi32, #tpu.memory_space<vmem>>, vector<16xi32>,
    %swap3A_681 = vector.shape_cast %swap3A_680 : vector<16xi32> to vector<16xi32>
    %swap3A_682 = vector.shape_cast %broadcast_in_dim3A_678 : vector<16xi32> to vector<16xi32>
    tpu.vector_store %arg8[%swap3A_679], %swap3A_682 {strides = array<i32>} : memref<1536xi32, #tpu.memory_space<vmem>>, vector<16xi32>,
    %dma_wait3A_683 = arith.constant 0 : i32
    %dma_wait3A_684 = arith.constant 0 : i32
    %dma_wait3A_685 = tpu.memref_slice %arg13[%dma_wait3A_683, %dma_wait3A_684] : memref<10112x16xf32, #tpu.memory_space<vmem_shared>> -> memref<10112x16xf32, #tpu.memory_space<vmem_shared>>
    tpu.wait_indirect_dma semaphore(%arg16 : memref<!tpu.dma_semaphore, #tpu.memory_space<semaphore_mem>>) src(%dma_wait3A_685 : memref<10112x16xf32, #tpu.memory_space<vmem_shared>>) dst(%arg11 : memref<1536x16xf32, #tpu.memory_space<vmem>>)
    %dma_start3A_686 = arith.constant 0 : i32
    %dma_start3A_687 = arith.constant 0 : i32
    %dma_start3A_688 = tpu.memref_slice %arg18[%dma_start3A_686, %dma_start3A_687] : memref<10112x16xf32, #tpu.memory_space<vmem_shared>> -> memref<10112x16xf32, #tpu.memory_space<vmem_shared>>
    tpu.enqueue_indirect_dma source(%arg17 : memref<1536x16xf32, #tpu.memory_space<vmem>>) target(%dma_start3A_688 : memref<10112x16xf32, #tpu.memory_space<vmem_shared>>) offsets(%arg9 : memref<1536xi32, #tpu.memory_space<vmem>>) semaphore(%arg19 : memref<!tpu.dma_semaphore, #tpu.memory_space<semaphore_mem>>) {add = true}
    "tpu.region"() ({
      %run_scoped3A_707 = tpu.sem_alloc : memref<!tpu.dma_semaphore, #tpu.memory_space<semaphore_mem>>
      %dma_start3A_708 = arith.constant 0 : i32
      %dma_start3A_709 = arith.constant 0 : i32
      %dma_start3A_710 = tpu.memref_slice %arg14[%dma_start3A_708, %dma_start3A_709] : memref<10112x16xf32, #tpu.memory_space<vmem_shared>> -> memref<10112x16xf32, #tpu.memory_space<vmem_shared>>
      tpu.enqueue_indirect_dma source(%arg11 : memref<1536x16xf32, #tpu.memory_space<vmem>>) target(%dma_start3A_710 : memref<10112x16xf32, #tpu.memory_space<vmem_shared>>) offsets(%arg9 : memref<1536xi32, #tpu.memory_space<vmem>>) semaphore(%run_scoped3A_707 : memref<!tpu.dma_semaphore, #tpu.memory_space<semaphore_mem>>) {add = true}
      %dma_wait3A_711 = arith.constant 0 : i32
      %dma_wait3A_712 = arith.constant 0 : i32
      %dma_wait3A_713 = tpu.memref_slice %arg14[%dma_wait3A_711, %dma_wait3A_712] : memref<10112x16xf32, #tpu.memory_space<vmem_shared>> -> memref<10112x16xf32, #tpu.memory_space<vmem_shared>>
      tpu.wait_indirect_dma semaphore(%run_scoped3A_707 : memref<!tpu.dma_semaphore, #tpu.memory_space<semaphore_mem>>) src(%arg11 : memref<1536x16xf32, #tpu.memory_space<vmem>>) dst(%dma_wait3A_713 : memref<10112x16xf32, #tpu.memory_space<vmem_shared>>)
      tpu.yield
    }) : () -> ()
    %dma_wait3A_689 = arith.constant 0 : i32
    %dma_wait3A_690 = arith.constant 0 : i32
    %dma_wait3A_691 = tpu.memref_slice %arg18[%dma_wait3A_689, %dma_wait3A_690] : memref<10112x16xf32, #tpu.memory_space<vmem_shared>> -> memref<10112x16xf32, #tpu.memory_space<vmem_shared>>
    tpu.wait_indirect_dma semaphore(%arg19 : memref<!tpu.dma_semaphore, #tpu.memory_space<semaphore_mem>>) src(%arg17 : memref<1536x16xf32, #tpu.memory_space<vmem>>) dst(%dma_wait3A_691 : memref<10112x16xf32, #tpu.memory_space<vmem_shared>>)
    %dma_wait3A_692 = arith.constant 0 : i32
    %dma_wait3A_693 = arith.constant 0 : i32
    %dma_wait3A_694 = tpu.memref_slice %arg13[%dma_wait3A_692, %dma_wait3A_693] : memref<10112x16xf32, #tpu.memory_space<vmem_shared>> -> memref<10112x16xf32, #tpu.memory_space<vmem_shared>>
    tpu.wait_indirect_dma semaphore(%arg15 : memref<!tpu.dma_semaphore, #tpu.memory_space<semaphore_mem>>) src(%dma_wait3A_694 : memref<10112x16xf32, #tpu.memory_space<vmem_shared>>) dst(%arg10 : memref<1536x16xf32, #tpu.memory_space<vmem>>)
    %dma_start3A_695 = arith.constant 0 : i32
    %dma_start3A_696 = arith.constant 0 : i32
    %dma_start3A_697 = tpu.memref_slice %arg18[%dma_start3A_695, %dma_start3A_696] : memref<10112x16xf32, #tpu.memory_space<vmem_shared>> -> memref<10112x16xf32, #tpu.memory_space<vmem_shared>>
    tpu.enqueue_indirect_dma source(%arg17 : memref<1536x16xf32, #tpu.memory_space<vmem>>) target(%dma_start3A_697 : memref<10112x16xf32, #tpu.memory_space<vmem_shared>>) offsets(%arg8 : memref<1536xi32, #tpu.memory_space<vmem>>) semaphore(%arg19 : memref<!tpu.dma_semaphore, #tpu.memory_space<semaphore_mem>>) {add = true}
    "tpu.region"() ({
      %run_scoped3A_707 = tpu.sem_alloc : memref<!tpu.dma_semaphore, #tpu.memory_space<semaphore_mem>>
      %dma_start3A_708 = arith.constant 0 : i32
      %dma_start3A_709 = arith.constant 0 : i32
      %dma_start3A_710 = tpu.memref_slice %arg14[%dma_start3A_708, %dma_start3A_709] : memref<10112x16xf32, #tpu.memory_space<vmem_shared>> -> memref<10112x16xf32, #tpu.memory_space<vmem_shared>>
      tpu.enqueue_indirect_dma source(%arg10 : memref<1536x16xf32, #tpu.memory_space<vmem>>) target(%dma_start3A_710 : memref<10112x16xf32, #tpu.memory_space<vmem_shared>>) offsets(%arg8 : memref<1536xi32, #tpu.memory_space<vmem>>) semaphore(%run_scoped3A_707 : memref<!tpu.dma_semaphore, #tpu.memory_space<semaphore_mem>>) {add = true}
      %dma_wait3A_711 = arith.constant 0 : i32
      %dma_wait3A_712 = arith.constant 0 : i32
      %dma_wait3A_713 = tpu.memref_slice %arg14[%dma_wait3A_711, %dma_wait3A_712] : memref<10112x16xf32, #tpu.memory_space<vmem_shared>> -> memref<10112x16xf32, #tpu.memory_space<vmem_shared>>
      tpu.wait_indirect_dma semaphore(%run_scoped3A_707 : memref<!tpu.dma_semaphore, #tpu.memory_space<semaphore_mem>>) src(%arg10 : memref<1536x16xf32, #tpu.memory_space<vmem>>) dst(%dma_wait3A_713 : memref<10112x16xf32, #tpu.memory_space<vmem_shared>>)
      tpu.yield
    }) : () -> ()
    %dma_wait3A_698 = arith.constant 0 : i32
    %dma_wait3A_699 = arith.constant 0 : i32
    %dma_wait3A_700 = tpu.memref_slice %arg18[%dma_wait3A_698, %dma_wait3A_699] : memref<10112x16xf32, #tpu.memory_space<vmem_shared>> -> memref<10112x16xf32, #tpu.memory_space<vmem_shared>>
    tpu.wait_indirect_dma semaphore(%arg19 : memref<!tpu.dma_semaphore, #tpu.memory_space<semaphore_mem>>) src(%arg17 : memref<1536x16xf32, #tpu.memory_space<vmem>>) dst(%dma_wait3A_700 : memref<10112x16xf32, #tpu.memory_space<vmem_shared>>)
    %barrier3A_701 = arith.constant 0 : index
    tpu.barrier barrier_id(%barrier3A_701)
    %mul3A_702 = arith.constant 10112 : i32
    %mul3A_703 = arith.muli %arg0, %mul3A_702 : i32
    %mul3A_704 = arith.constant 632 : i32
    %mul3A_705 = arith.muli %arg1, %mul3A_704 : i32
    %add3A_706 = arith.addi %mul3A_703, %mul3A_705 : i32
    "tpu.region"() ({
      %run_scoped3A_707 = tpu.sem_alloc : memref<!tpu.dma_semaphore, #tpu.memory_space<semaphore_mem>>
      %dma_start3A_708 = arith.constant 0 : i32
      %dma_start3A_709 = tpu.memref_slice %arg4[%add3A_706, %dma_start3A_708] : memref<20224x16xf32, #tpu.memory_space<hbm>> -> memref<632x16xf32, #tpu.memory_space<hbm>>
      %dma_start3A_710 = arith.constant 0 : i32
      %dma_start3A_711 = tpu.memref_slice %arg14[%mul3A_2, %dma_start3A_710] : memref<10112x16xf32, #tpu.memory_space<vmem_shared>> -> memref<632x16xf32, #tpu.memory_space<vmem_shared>>
      tpu.enqueue_dma source(%dma_start3A_711 : memref<632x16xf32, #tpu.memory_space<vmem_shared>>) target(%dma_start3A_709 : memref<632x16xf32, #tpu.memory_space<hbm>>) target_semaphore(%run_scoped3A_707 : memref<!tpu.dma_semaphore, #tpu.memory_space<semaphore_mem>>)
      %dma_wait3A_712 = arith.constant 0 : i32
      %dma_wait3A_713 = tpu.memref_slice %arg4[%add3A_706, %dma_wait3A_712] : memref<20224x16xf32, #tpu.memory_space<hbm>> -> memref<632x16xf32, #tpu.memory_space<hbm>>
      %dma_wait3A_714 = arith.constant 0 : i32
      %dma_wait3A_715 = tpu.memref_slice %arg14[%mul3A_2, %dma_wait3A_714] : memref<10112x16xf32, #tpu.memory_space<vmem_shared>> -> memref<632x16xf32, #tpu.memory_space<vmem_shared>>
      tpu.wait_dma2 semaphore(%run_scoped3A_707 : memref<!tpu.dma_semaphore, #tpu.memory_space<semaphore_mem>>) src(%dma_wait3A_715 : memref<632x16xf32, #tpu.memory_space<vmem_shared>>) dst(%dma_wait3A_713 : memref<632x16xf32, #tpu.memory_space<hbm>>)
      tpu.yield
    }) : () -> ()
    "tpu.region"() ({
      %run_scoped3A_707 = tpu.sem_alloc : memref<!tpu.dma_semaphore, #tpu.memory_space<semaphore_mem>>
      %dma_start3A_708 = arith.constant 0 : i32
      %dma_start3A_709 = tpu.memref_slice %arg5[%add3A_706, %dma_start3A_708] : memref<20224x16xf32, #tpu.memory_space<hbm>> -> memref<632x16xf32, #tpu.memory_space<hbm>>
      %dma_start3A_710 = arith.constant 0 : i32
      %dma_start3A_711 = tpu.memref_slice %arg18[%mul3A_2, %dma_start3A_710] : memref<10112x16xf32, #tpu.memory_space<vmem_shared>> -> memref<632x16xf32, #tpu.memory_space<vmem_shared>>
      tpu.enqueue_dma source(%dma_start3A_711 : memref<632x16xf32, #tpu.memory_space<vmem_shared>>) target(%dma_start3A_709 : memref<632x16xf32, #tpu.memory_space<hbm>>) target_semaphore(%run_scoped3A_707 : memref<!tpu.dma_semaphore, #tpu.memory_space<semaphore_mem>>)
      %dma_wait3A_712 = arith.constant 0 : i32
      %dma_wait3A_713 = tpu.memref_slice %arg5[%add3A_706, %dma_wait3A_712] : memref<20224x16xf32, #tpu.memory_space<hbm>> -> memref<632x16xf32, #tpu.memory_space<hbm>>
      %dma_wait3A_714 = arith.constant 0 : i32
      %dma_wait3A_715 = tpu.memref_slice %arg18[%mul3A_2, %dma_wait3A_714] : memref<10112x16xf32, #tpu.memory_space<vmem_shared>> -> memref<632x16xf32, #tpu.memory_space<vmem_shared>>
      tpu.wait_dma2 semaphore(%run_scoped3A_707 : memref<!tpu.dma_semaphore, #tpu.memory_space<semaphore_mem>>) src(%dma_wait3A_715 : memref<632x16xf32, #tpu.memory_space<vmem_shared>>) dst(%dma_wait3A_713 : memref<632x16xf32, #tpu.memory_space<hbm>>)
      tpu.yield
    }) : () -> ()
    return
  }
}

module attributes {stable_mosaic.version = 14 : i64} {
  func.func @body(%arg0: i32, %arg1: memref<1264x1024xf32, #tpu.memory_space<vmem>>, %arg2: memref<128x16xf32, #tpu.memory_space<vmem>>, %arg3: memref<128x16xf32, #tpu.memory_space<vmem>>, %arg4: memref<1264x128xf32, #tpu.memory_space<vmem>>, %arg5: memref<1264x128xf32, #tpu.memory_space<vmem>>) attributes {dimension_semantics = [#tpu.dimension_semantics<arbitrary>], iteration_bounds = array<i64: 1>, scalar_prefetch = 0 : i64, scratch_operands = 0 : i64, tpu.core_type = #tpu.core_type<tc>, window_params = [{transform_indices = @transform_0, window_bounds = array<i64: 1264, 1024>}, {pipeline_mode = #tpu.pipeline_mode<synchronous>, transform_indices = @transform_1, window_bounds = array<i64: 128, 16>}, {pipeline_mode = #tpu.pipeline_mode<synchronous>, transform_indices = @transform_2, window_bounds = array<i64: 128, 16>}, {pipeline_mode = #tpu.pipeline_mode<synchronous>, transform_indices = @transform_3, window_bounds = array<i64: 1264, 128>}, {pipeline_mode = #tpu.pipeline_mode<synchronous>, transform_indices = @transform_4, window_bounds = array<i64: 1264, 128>}]} {
    %get3A = arith.constant 0 : index
    %get3A_0 = arith.constant 0 : index
    %get3A_1 = vector.load %arg1[%get3A, %get3A_0] : memref<1264x1024xf32, #tpu.memory_space<vmem>>, vector<1264x1024xf32>
    %get3A_2 = arith.constant 0 : index
    %get3A_3 = arith.constant 0 : index
    %get3A_4 = vector.load %arg2[%get3A_2, %get3A_3] : memref<128x16xf32, #tpu.memory_space<vmem>>, vector<128x16xf32>
    %tile3A = tpu.concatenate %get3A_4, %get3A_4, %get3A_4, %get3A_4, %get3A_4, %get3A_4, %get3A_4, %get3A_4 in 0 : vector<128x16xf32>, vector<128x16xf32>, vector<128x16xf32>, vector<128x16xf32>, vector<128x16xf32>, vector<128x16xf32>, vector<128x16xf32>, vector<128x16xf32> -> vector<1024x16xf32>
    %tile3A_5 = tpu.concatenate %tile3A, %tile3A, %tile3A, %tile3A, %tile3A, %tile3A, %tile3A, %tile3A in 1 : vector<1024x16xf32>, vector<1024x16xf32>, vector<1024x16xf32>, vector<1024x16xf32>, vector<1024x16xf32>, vector<1024x16xf32>, vector<1024x16xf32>, vector<1024x16xf32> -> vector<1024x128xf32>
    %iota3A = tpu.iota {dimensions = array<i32: 0>} : vector<1024x128xi32>
    %iota3A_6 = tpu.iota {dimensions = array<i32: 1>} : vector<1024x128xi32>
    %jit3A = arith.constant 128 : i32
    %div3A = vector.broadcast %jit3A : i32 to vector<1024x128xi32>
    %div3A_7 = arith.divsi %iota3A, %div3A : vector<1024x128xi32>
    %sign3A = arith.constant 0 : i32
    %sign3A_8 = vector.broadcast %sign3A : i32 to vector<1024x128xi32>
    %sign3A_9 = arith.cmpi sgt, %iota3A, %sign3A_8 : vector<1024x128xi32>
    %sign3A_10 = arith.extui %sign3A_9 : vector<1024x128xi1> to vector<1024x128xi32>
    %sign3A_11 = arith.constant 0 : i32
    %sign3A_12 = vector.broadcast %sign3A_11 : i32 to vector<1024x128xi32>
    %sign3A_13 = arith.cmpi slt, %iota3A, %sign3A_12 : vector<1024x128xi32>
    %sign3A_14 = arith.extui %sign3A_13 : vector<1024x128xi1> to vector<1024x128xi32>
    %sign3A_15 = arith.subi %sign3A_10, %sign3A_14 : vector<1024x128xi32>
    %sign3A_16 = arith.constant 0 : i32
    %sign3A_17 = arith.cmpi sgt, %jit3A, %sign3A_16 : i32
    %sign3A_18 = arith.extui %sign3A_17 : i1 to i32
    %sign3A_19 = arith.constant 0 : i32
    %sign3A_20 = arith.cmpi slt, %jit3A, %sign3A_19 : i32
    %sign3A_21 = arith.extui %sign3A_20 : i1 to i32
    %sign3A_22 = arith.subi %sign3A_18, %sign3A_21 : i32
    %ne3A = vector.broadcast %sign3A_22 : i32 to vector<1024x128xi32>
    %ne3A_23 = arith.cmpi ne, %sign3A_15, %ne3A : vector<1024x128xi32>
    %rem3A = vector.broadcast %jit3A : i32 to vector<1024x128xi32>
    %rem3A_24 = arith.remsi %iota3A, %rem3A : vector<1024x128xi32>
    %ne3A_25 = arith.constant 0 : i32
    %ne3A_26 = vector.broadcast %ne3A_25 : i32 to vector<1024x128xi32>
    %ne3A_27 = arith.cmpi ne, %rem3A_24, %ne3A_26 : vector<1024x128xi32>
    %and3A = arith.andi %ne3A_23, %ne3A_27 : vector<1024x128xi1>
    %sub3A = arith.constant 1 : i32
    %sub3A_28 = vector.broadcast %sub3A : i32 to vector<1024x128xi32>
    %sub3A_29 = arith.subi %div3A_7, %sub3A_28 : vector<1024x128xi32>
    %select_n3A = arith.select %and3A, %sub3A_29, %div3A_7 : vector<1024x128xi1>, vector<1024x128xi32>
    %jit3A_30 = arith.constant 16 : i32
    %div3A_31 = vector.broadcast %jit3A_30 : i32 to vector<1024x128xi32>
    %div3A_32 = arith.divsi %iota3A_6, %div3A_31 : vector<1024x128xi32>
    %sign3A_33 = arith.constant 0 : i32
    %sign3A_34 = vector.broadcast %sign3A_33 : i32 to vector<1024x128xi32>
    %sign3A_35 = arith.cmpi sgt, %iota3A_6, %sign3A_34 : vector<1024x128xi32>
    %sign3A_36 = arith.extui %sign3A_35 : vector<1024x128xi1> to vector<1024x128xi32>
    %sign3A_37 = arith.constant 0 : i32
    %sign3A_38 = vector.broadcast %sign3A_37 : i32 to vector<1024x128xi32>
    %sign3A_39 = arith.cmpi slt, %iota3A_6, %sign3A_38 : vector<1024x128xi32>
    %sign3A_40 = arith.extui %sign3A_39 : vector<1024x128xi1> to vector<1024x128xi32>
    %sign3A_41 = arith.subi %sign3A_36, %sign3A_40 : vector<1024x128xi32>
    %sign3A_42 = arith.constant 0 : i32
    %sign3A_43 = arith.cmpi sgt, %jit3A_30, %sign3A_42 : i32
    %sign3A_44 = arith.extui %sign3A_43 : i1 to i32
    %sign3A_45 = arith.constant 0 : i32
    %sign3A_46 = arith.cmpi slt, %jit3A_30, %sign3A_45 : i32
    %sign3A_47 = arith.extui %sign3A_46 : i1 to i32
    %sign3A_48 = arith.subi %sign3A_44, %sign3A_47 : i32
    %ne3A_49 = vector.broadcast %sign3A_48 : i32 to vector<1024x128xi32>
    %ne3A_50 = arith.cmpi ne, %sign3A_41, %ne3A_49 : vector<1024x128xi32>
    %rem3A_51 = vector.broadcast %jit3A_30 : i32 to vector<1024x128xi32>
    %rem3A_52 = arith.remsi %iota3A_6, %rem3A_51 : vector<1024x128xi32>
    %ne3A_53 = arith.constant 0 : i32
    %ne3A_54 = vector.broadcast %ne3A_53 : i32 to vector<1024x128xi32>
    %ne3A_55 = arith.cmpi ne, %rem3A_52, %ne3A_54 : vector<1024x128xi32>
    %and3A_56 = arith.andi %ne3A_50, %ne3A_55 : vector<1024x128xi1>
    %sub3A_57 = arith.constant 1 : i32
    %sub3A_58 = vector.broadcast %sub3A_57 : i32 to vector<1024x128xi32>
    %sub3A_59 = arith.subi %div3A_32, %sub3A_58 : vector<1024x128xi32>
    %select_n3A_60 = arith.select %and3A_56, %sub3A_59, %div3A_32 : vector<1024x128xi1>, vector<1024x128xi32>
    %eq3A = arith.cmpi eq, %select_n3A, %select_n3A_60 : vector<1024x128xi32>
    %jit3A_61 = arith.constant 0.000000e+00 : f32
    %broadcast_in_dim3A = vector.broadcast %jit3A_61 : f32 to vector<1024x128xf32>
    %select_n3A_62 = arith.select %eq3A, %tile3A_5, %broadcast_in_dim3A : vector<1024x128xi1>, vector<1024x128xf32>
    %get3A_63 = arith.constant 0 : index
    %get3A_64 = arith.constant 0 : index
    %get3A_65 = vector.load %arg3[%get3A_63, %get3A_64] : memref<128x16xf32, #tpu.memory_space<vmem>>, vector<128x16xf32>
    %tile3A_66 = tpu.concatenate %get3A_65, %get3A_65, %get3A_65, %get3A_65, %get3A_65, %get3A_65, %get3A_65, %get3A_65 in 0 : vector<128x16xf32>, vector<128x16xf32>, vector<128x16xf32>, vector<128x16xf32>, vector<128x16xf32>, vector<128x16xf32>, vector<128x16xf32>, vector<128x16xf32> -> vector<1024x16xf32>
    %tile3A_67 = tpu.concatenate %tile3A_66, %tile3A_66, %tile3A_66, %tile3A_66, %tile3A_66, %tile3A_66, %tile3A_66, %tile3A_66 in 1 : vector<1024x16xf32>, vector<1024x16xf32>, vector<1024x16xf32>, vector<1024x16xf32>, vector<1024x16xf32>, vector<1024x16xf32>, vector<1024x16xf32>, vector<1024x16xf32> -> vector<1024x128xf32>
    %iota3A_68 = tpu.iota {dimensions = array<i32: 0>} : vector<1024x128xi32>
    %iota3A_69 = tpu.iota {dimensions = array<i32: 1>} : vector<1024x128xi32>
    %jit3A_70 = arith.constant 128 : i32
    %div3A_71 = vector.broadcast %jit3A_70 : i32 to vector<1024x128xi32>
    %div3A_72 = arith.divsi %iota3A_68, %div3A_71 : vector<1024x128xi32>
    %sign3A_73 = arith.constant 0 : i32
    %sign3A_74 = vector.broadcast %sign3A_73 : i32 to vector<1024x128xi32>
    %sign3A_75 = arith.cmpi sgt, %iota3A_68, %sign3A_74 : vector<1024x128xi32>
    %sign3A_76 = arith.extui %sign3A_75 : vector<1024x128xi1> to vector<1024x128xi32>
    %sign3A_77 = arith.constant 0 : i32
    %sign3A_78 = vector.broadcast %sign3A_77 : i32 to vector<1024x128xi32>
    %sign3A_79 = arith.cmpi slt, %iota3A_68, %sign3A_78 : vector<1024x128xi32>
    %sign3A_80 = arith.extui %sign3A_79 : vector<1024x128xi1> to vector<1024x128xi32>
    %sign3A_81 = arith.subi %sign3A_76, %sign3A_80 : vector<1024x128xi32>
    %sign3A_82 = arith.constant 0 : i32
    %sign3A_83 = arith.cmpi sgt, %jit3A_70, %sign3A_82 : i32
    %sign3A_84 = arith.extui %sign3A_83 : i1 to i32
    %sign3A_85 = arith.constant 0 : i32
    %sign3A_86 = arith.cmpi slt, %jit3A_70, %sign3A_85 : i32
    %sign3A_87 = arith.extui %sign3A_86 : i1 to i32
    %sign3A_88 = arith.subi %sign3A_84, %sign3A_87 : i32
    %ne3A_89 = vector.broadcast %sign3A_88 : i32 to vector<1024x128xi32>
    %ne3A_90 = arith.cmpi ne, %sign3A_81, %ne3A_89 : vector<1024x128xi32>
    %rem3A_91 = vector.broadcast %jit3A_70 : i32 to vector<1024x128xi32>
    %rem3A_92 = arith.remsi %iota3A_68, %rem3A_91 : vector<1024x128xi32>
    %ne3A_93 = arith.constant 0 : i32
    %ne3A_94 = vector.broadcast %ne3A_93 : i32 to vector<1024x128xi32>
    %ne3A_95 = arith.cmpi ne, %rem3A_92, %ne3A_94 : vector<1024x128xi32>
    %and3A_96 = arith.andi %ne3A_90, %ne3A_95 : vector<1024x128xi1>
    %sub3A_97 = arith.constant 1 : i32
    %sub3A_98 = vector.broadcast %sub3A_97 : i32 to vector<1024x128xi32>
    %sub3A_99 = arith.subi %div3A_72, %sub3A_98 : vector<1024x128xi32>
    %select_n3A_100 = arith.select %and3A_96, %sub3A_99, %div3A_72 : vector<1024x128xi1>, vector<1024x128xi32>
    %jit3A_101 = arith.constant 16 : i32
    %div3A_102 = vector.broadcast %jit3A_101 : i32 to vector<1024x128xi32>
    %div3A_103 = arith.divsi %iota3A_69, %div3A_102 : vector<1024x128xi32>
    %sign3A_104 = arith.constant 0 : i32
    %sign3A_105 = vector.broadcast %sign3A_104 : i32 to vector<1024x128xi32>
    %sign3A_106 = arith.cmpi sgt, %iota3A_69, %sign3A_105 : vector<1024x128xi32>
    %sign3A_107 = arith.extui %sign3A_106 : vector<1024x128xi1> to vector<1024x128xi32>
    %sign3A_108 = arith.constant 0 : i32
    %sign3A_109 = vector.broadcast %sign3A_108 : i32 to vector<1024x128xi32>
    %sign3A_110 = arith.cmpi slt, %iota3A_69, %sign3A_109 : vector<1024x128xi32>
    %sign3A_111 = arith.extui %sign3A_110 : vector<1024x128xi1> to vector<1024x128xi32>
    %sign3A_112 = arith.subi %sign3A_107, %sign3A_111 : vector<1024x128xi32>
    %sign3A_113 = arith.constant 0 : i32
    %sign3A_114 = arith.cmpi sgt, %jit3A_101, %sign3A_113 : i32
    %sign3A_115 = arith.extui %sign3A_114 : i1 to i32
    %sign3A_116 = arith.constant 0 : i32
    %sign3A_117 = arith.cmpi slt, %jit3A_101, %sign3A_116 : i32
    %sign3A_118 = arith.extui %sign3A_117 : i1 to i32
    %sign3A_119 = arith.subi %sign3A_115, %sign3A_118 : i32
    %ne3A_120 = vector.broadcast %sign3A_119 : i32 to vector<1024x128xi32>
    %ne3A_121 = arith.cmpi ne, %sign3A_112, %ne3A_120 : vector<1024x128xi32>
    %rem3A_122 = vector.broadcast %jit3A_101 : i32 to vector<1024x128xi32>
    %rem3A_123 = arith.remsi %iota3A_69, %rem3A_122 : vector<1024x128xi32>
    %ne3A_124 = arith.constant 0 : i32
    %ne3A_125 = vector.broadcast %ne3A_124 : i32 to vector<1024x128xi32>
    %ne3A_126 = arith.cmpi ne, %rem3A_123, %ne3A_125 : vector<1024x128xi32>
    %and3A_127 = arith.andi %ne3A_121, %ne3A_126 : vector<1024x128xi1>
    %sub3A_128 = arith.constant 1 : i32
    %sub3A_129 = vector.broadcast %sub3A_128 : i32 to vector<1024x128xi32>
    %sub3A_130 = arith.subi %div3A_103, %sub3A_129 : vector<1024x128xi32>
    %select_n3A_131 = arith.select %and3A_127, %sub3A_130, %div3A_103 : vector<1024x128xi1>, vector<1024x128xi32>
    %eq3A_132 = arith.cmpi eq, %select_n3A_100, %select_n3A_131 : vector<1024x128xi32>
    %jit3A_133 = arith.constant 0.000000e+00 : f32
    %broadcast_in_dim3A_134 = vector.broadcast %jit3A_133 : f32 to vector<1024x128xf32>
    %select_n3A_135 = arith.select %eq3A_132, %tile3A_67, %broadcast_in_dim3A_134 : vector<1024x128xi1>, vector<1024x128xf32>
    %dot_general3A = arith.constant dense<0.000000e+00> : vector<1264x128xf32>
    %dot_general3A_136 = tpu.matmul %get3A_1, %select_n3A_62, %dot_general3A {dimension_numbers = #tpu.dot_dimension_numbers<[1], [0], [0], [1], [0, 0, 1, 1], [], []>, transpose_lhs_hint = false} : vector<1264x1024xf32>, vector<1024x128xf32>, vector<1264x128xf32> -> vector<1264x128xf32>
    %swap3A = arith.constant 0 : index
    %swap3A_137 = arith.constant 0 : index
    %swap3A_138 = vector.load %arg4[%swap3A, %swap3A_137] : memref<1264x128xf32, #tpu.memory_space<vmem>>, vector<1264x128xf32>
    tpu.vector_store %arg4[%swap3A, %swap3A_137], %dot_general3A_136 {strides = array<i32>} : memref<1264x128xf32, #tpu.memory_space<vmem>>, vector<1264x128xf32>,
    %dot_general3A_139 = arith.constant dense<0.000000e+00> : vector<1264x128xf32>
    %dot_general3A_140 = tpu.matmul %get3A_1, %select_n3A_135, %dot_general3A_139 {dimension_numbers = #tpu.dot_dimension_numbers<[1], [0], [0], [1], [0, 0, 1, 1], [], []>, transpose_lhs_hint = false} : vector<1264x1024xf32>, vector<1024x128xf32>, vector<1264x128xf32> -> vector<1264x128xf32>
    %swap3A_141 = arith.constant 0 : index
    %swap3A_142 = arith.constant 0 : index
    %swap3A_143 = vector.load %arg5[%swap3A_141, %swap3A_142] : memref<1264x128xf32, #tpu.memory_space<vmem>>, vector<1264x128xf32>
    tpu.vector_store %arg5[%swap3A_141, %swap3A_142], %dot_general3A_140 {strides = array<i32>} : memref<1264x128xf32, #tpu.memory_space<vmem>>, vector<1264x128xf32>,
    return
  }
  func.func @transform_0(%arg0: i32) -> (i32, i32) {
    %c0_i32 = arith.constant 0 : i32
    %c0_i32_0 = arith.constant 0 : i32
    %c0_i32_1 = arith.constant 0 : i32
    return %c0_i32, %c0_i32_0 : i32, i32
  }
  func.func @transform_1(%arg0: i32) -> (i32, i32) {
    %c0_i32 = arith.constant 0 : i32
    %c0_i32_0 = arith.constant 0 : i32
    %c0_i32_1 = arith.constant 0 : i32
    return %c0_i32, %c0_i32_0 : i32, i32
  }
  func.func @transform_2(%arg0: i32) -> (i32, i32) {
    %c0_i32 = arith.constant 0 : i32
    %c0_i32_0 = arith.constant 0 : i32
    %c0_i32_1 = arith.constant 0 : i32
    return %c0_i32, %c0_i32_0 : i32, i32
  }
  func.func @transform_3(%arg0: i32) -> (i32, i32) {
    %c0_i32 = arith.constant 0 : i32
    %c0_i32_0 = arith.constant 0 : i32
    %c0_i32_1 = arith.constant 0 : i32
    return %c0_i32, %c0_i32_0 : i32, i32
  }
  func.func @transform_4(%arg0: i32) -> (i32, i32) {
    %c0_i32 = arith.constant 0 : i32
    %c0_i32_0 = arith.constant 0 : i32
    %c0_i32_1 = arith.constant 0 : i32
    return %c0_i32, %c0_i32_0 : i32, i32
  }
}

module attributes {stable_mosaic.version = 14 : i64} {
  func.func @body(%arg0: i32, %arg1: memref<1264x128xf32, #tpu.memory_space<vmem>>, %arg2: memref<1264x128xf32, #tpu.memory_space<vmem>>, %arg3: memref<1264x128xf32, #tpu.memory_space<vmem>>, %arg4: memref<1264x128xf32, #tpu.memory_space<vmem>>, %arg5: memref<1264x128xf32, #tpu.memory_space<vmem>>, %arg6: memref<1x128xf32, #tpu.memory_space<vmem>>, %arg7: memref<1264x128xf32, #tpu.memory_space<vmem>>, %arg8: memref<1264x128xf32, #tpu.memory_space<vmem>>) attributes {dimension_semantics = [#tpu.dimension_semantics<arbitrary>], iteration_bounds = array<i64: 1>, scalar_prefetch = 0 : i64, scratch_operands = 0 : i64, tpu.core_type = #tpu.core_type<tc>, window_params = [{pipeline_mode = #tpu.pipeline_mode<synchronous>, transform_indices = @transform_0, window_bounds = array<i64: 1264, 128>}, {transform_indices = @transform_1, window_bounds = array<i64: 1264, 128>}, {transform_indices = @transform_2, window_bounds = array<i64: 1264, 128>}, {transform_indices = @transform_3, window_bounds = array<i64: 1264, 128>}, {transform_indices = @transform_4, window_bounds = array<i64: 1264, 128>}, {pipeline_mode = #tpu.pipeline_mode<synchronous>, transform_indices = @transform_5, window_bounds = array<i64: 1, 128>}, {pipeline_mode = #tpu.pipeline_mode<synchronous>, transform_indices = @transform_6, window_bounds = array<i64: 1264, 128>}, {pipeline_mode = #tpu.pipeline_mode<synchronous>, transform_indices = @transform_7, window_bounds = array<i64: 1264, 128>}]} {
    %get3A = arith.constant 0 : index
    %get3A_0 = arith.constant 0 : index
    %get3A_1 = vector.load %arg4[%get3A, %get3A_0] : memref<1264x128xf32, #tpu.memory_space<vmem>>, vector<1264x128xf32>
    %get3A_2 = arith.constant 0 : index
    %get3A_3 = arith.constant 0 : index
    %get3A_4 = vector.load %arg5[%get3A_2, %get3A_3] : memref<1264x128xf32, #tpu.memory_space<vmem>>, vector<1264x128xf32>
    %add3A = arith.addf %get3A_1, %get3A_4 : vector<1264x128xf32>
    %max3A = arith.constant 1.000000e+00 : f32
    %max3A_5 = vector.broadcast %max3A : f32 to vector<1264x128xf32>
    %max3A_6 = arith.maximumf %add3A, %max3A_5 : vector<1264x128xf32>
    %div3A = arith.constant 1.000000e+00 : f32
    %div3A_7 = vector.broadcast %div3A : f32 to vector<1264x128xf32>
    %div3A_8 = arith.divf %div3A_7, %max3A_6 : vector<1264x128xf32>
    %get3A_9 = arith.constant 0 : index
    %get3A_10 = arith.constant 0 : index
    %get3A_11 = vector.load %arg1[%get3A_9, %get3A_10] : memref<1264x128xf32, #tpu.memory_space<vmem>>, vector<1264x128xf32>
    %get3A_12 = arith.constant 0 : index
    %get3A_13 = arith.constant 0 : index
    %get3A_14 = vector.load %arg2[%get3A_12, %get3A_13] : memref<1264x128xf32, #tpu.memory_space<vmem>>, vector<1264x128xf32>
    %get3A_15 = arith.constant 0 : index
    %get3A_16 = arith.constant 0 : index
    %get3A_17 = vector.load %arg3[%get3A_15, %get3A_16] : memref<1264x128xf32, #tpu.memory_space<vmem>>, vector<1264x128xf32>
    %add3A_18 = arith.addf %get3A_14, %get3A_17 : vector<1264x128xf32>
    %mul3A = arith.mulf %add3A_18, %div3A_8 : vector<1264x128xf32>
    %add3A_19 = arith.addf %get3A_11, %mul3A : vector<1264x128xf32>
    %get3A_20 = arith.constant 0 : index
    %get3A_21 = arith.constant 0 : index
    %get3A_22 = vector.load %arg6[%get3A_20, %get3A_21] : memref<1x128xf32, #tpu.memory_space<vmem>>, vector<1x128xf32>
    %add3A_23 = vector.broadcast %get3A_22 : vector<1x128xf32> to vector<1264x128xf32>
    %add3A_24 = arith.addf %add3A_19, %add3A_23 : vector<1264x128xf32>
    %max3A_25 = arith.constant 0.000000e+00 : f32
    %max3A_26 = vector.broadcast %max3A_25 : f32 to vector<1264x128xf32>
    %max3A_27 = arith.maximumf %add3A_24, %max3A_26 : vector<1264x128xf32>
    %swap3A = arith.constant 0 : index
    %swap3A_28 = arith.constant 0 : index
    %swap3A_29 = vector.load %arg7[%swap3A, %swap3A_28] : memref<1264x128xf32, #tpu.memory_space<vmem>>, vector<1264x128xf32>
    tpu.vector_store %arg7[%swap3A, %swap3A_28], %max3A_27 {strides = array<i32>} : memref<1264x128xf32, #tpu.memory_space<vmem>>, vector<1264x128xf32>,
    %swap3A_30 = arith.constant 0 : index
    %swap3A_31 = arith.constant 0 : index
    %swap3A_32 = vector.load %arg8[%swap3A_30, %swap3A_31] : memref<1264x128xf32, #tpu.memory_space<vmem>>, vector<1264x128xf32>
    tpu.vector_store %arg8[%swap3A_30, %swap3A_31], %div3A_8 {strides = array<i32>} : memref<1264x128xf32, #tpu.memory_space<vmem>>, vector<1264x128xf32>,
    return
  }
  func.func @transform_0(%arg0: i32) -> (i32, i32) {
    %c0_i32 = arith.constant 0 : i32
    %c0_i32_0 = arith.constant 0 : i32
    %c0_i32_1 = arith.constant 0 : i32
    return %c0_i32, %c0_i32_0 : i32, i32
  }
  func.func @transform_1(%arg0: i32) -> (i32, i32) {
    %c0_i32 = arith.constant 0 : i32
    %c0_i32_0 = arith.constant 0 : i32
    %c0_i32_1 = arith.constant 0 : i32
    return %c0_i32, %c0_i32_0 : i32, i32
  }
  func.func @transform_2(%arg0: i32) -> (i32, i32) {
    %c1_i32 = arith.constant 1 : i32
    %c0_i32 = arith.constant 0 : i32
    %c0_i32_0 = arith.constant 0 : i32
    return %c1_i32, %c0_i32 : i32, i32
  }
  func.func @transform_3(%arg0: i32) -> (i32, i32) {
    %c0_i32 = arith.constant 0 : i32
    %c0_i32_0 = arith.constant 0 : i32
    %c0_i32_1 = arith.constant 0 : i32
    return %c0_i32, %c0_i32_0 : i32, i32
  }
  func.func @transform_4(%arg0: i32) -> (i32, i32) {
    %c1_i32 = arith.constant 1 : i32
    %c0_i32 = arith.constant 0 : i32
    %c0_i32_0 = arith.constant 0 : i32
    return %c1_i32, %c0_i32 : i32, i32
  }
  func.func @transform_5(%arg0: i32) -> (i32, i32) {
    %c0_i32 = arith.constant 0 : i32
    %c0_i32_0 = arith.constant 0 : i32
    %c0_i32_1 = arith.constant 0 : i32
    return %c0_i32, %c0_i32_0 : i32, i32
  }
  func.func @transform_6(%arg0: i32) -> (i32, i32) {
    %c0_i32 = arith.constant 0 : i32
    %c0_i32_0 = arith.constant 0 : i32
    %c0_i32_1 = arith.constant 0 : i32
    return %c0_i32, %c0_i32_0 : i32, i32
  }
  func.func @transform_7(%arg0: i32) -> (i32, i32) {
    %c0_i32 = arith.constant 0 : i32
    %c0_i32_0 = arith.constant 0 : i32
    %c0_i32_1 = arith.constant 0 : i32
    return %c0_i32, %c0_i32_0 : i32, i32
  }
}

module attributes {stable_mosaic.version = 14 : i64} {
  func.func @body(%arg0: i32, %arg1: memref<1264x128xf32, #tpu.memory_space<vmem>>, %arg2: memref<1264x128xf32, #tpu.memory_space<vmem>>, %arg3: memref<1264x128xf32, #tpu.memory_space<vmem>>, %arg4: memref<1264x128xf32, #tpu.memory_space<vmem>>, %arg5: memref<16x41xf32, #tpu.memory_space<vmem>>, %arg6: memref<16x41xf32, #tpu.memory_space<vmem>>, %arg7: memref<1x328xf32, #tpu.memory_space<vmem>>, %arg8: memref<1250x328xf32, #tpu.memory_space<vmem>>) attributes {dimension_semantics = [#tpu.dimension_semantics<arbitrary>], iteration_bounds = array<i64: 1>, scalar_prefetch = 0 : i64, scratch_operands = 0 : i64, tpu.core_type = #tpu.core_type<tc>, window_params = [{pipeline_mode = #tpu.pipeline_mode<synchronous>, transform_indices = @transform_0, window_bounds = array<i64: 1264, 128>}, {transform_indices = @transform_1, window_bounds = array<i64: 1264, 128>}, {transform_indices = @transform_2, window_bounds = array<i64: 1264, 128>}, {pipeline_mode = #tpu.pipeline_mode<synchronous>, transform_indices = @transform_3, window_bounds = array<i64: 1264, 128>}, {pipeline_mode = #tpu.pipeline_mode<synchronous>, transform_indices = @transform_4, window_bounds = array<i64: 16, 41>}, {pipeline_mode = #tpu.pipeline_mode<synchronous>, transform_indices = @transform_5, window_bounds = array<i64: 16, 41>}, {pipeline_mode = #tpu.pipeline_mode<synchronous>, transform_indices = @transform_6, window_bounds = array<i64: 1, 328>}, {pipeline_mode = #tpu.pipeline_mode<synchronous>, transform_indices = @transform_7, window_bounds = array<i64: 1250, 328>}]} {
    %get3A = arith.constant 0 : index
    %get3A_0 = arith.constant 0 : index
    %get3A_1 = vector.load %arg5[%get3A, %get3A_0] : memref<16x41xf32, #tpu.memory_space<vmem>>, vector<16x41xf32>
    %tile3A = tpu.concatenate %get3A_1, %get3A_1, %get3A_1, %get3A_1, %get3A_1, %get3A_1, %get3A_1, %get3A_1 in 0 : vector<16x41xf32>, vector<16x41xf32>, vector<16x41xf32>, vector<16x41xf32>, vector<16x41xf32>, vector<16x41xf32>, vector<16x41xf32>, vector<16x41xf32> -> vector<128x41xf32>
    %tile3A_2 = tpu.concatenate %tile3A, %tile3A, %tile3A, %tile3A, %tile3A, %tile3A, %tile3A, %tile3A in 1 : vector<128x41xf32>, vector<128x41xf32>, vector<128x41xf32>, vector<128x41xf32>, vector<128x41xf32>, vector<128x41xf32>, vector<128x41xf32>, vector<128x41xf32> -> vector<128x328xf32>
    %iota3A = tpu.iota {dimensions = array<i32: 0>} : vector<128x328xi32>
    %iota3A_3 = tpu.iota {dimensions = array<i32: 1>} : vector<128x328xi32>
    %jit3A = arith.constant 16 : i32
    %div3A = vector.broadcast %jit3A : i32 to vector<128x328xi32>
    %div3A_4 = arith.divsi %iota3A, %div3A : vector<128x328xi32>
    %sign3A = arith.constant 0 : i32
    %sign3A_5 = vector.broadcast %sign3A : i32 to vector<128x328xi32>
    %sign3A_6 = arith.cmpi sgt, %iota3A, %sign3A_5 : vector<128x328xi32>
    %sign3A_7 = arith.extui %sign3A_6 : vector<128x328xi1> to vector<128x328xi32>
    %sign3A_8 = arith.constant 0 : i32
    %sign3A_9 = vector.broadcast %sign3A_8 : i32 to vector<128x328xi32>
    %sign3A_10 = arith.cmpi slt, %iota3A, %sign3A_9 : vector<128x328xi32>
    %sign3A_11 = arith.extui %sign3A_10 : vector<128x328xi1> to vector<128x328xi32>
    %sign3A_12 = arith.subi %sign3A_7, %sign3A_11 : vector<128x328xi32>
    %sign3A_13 = arith.constant 0 : i32
    %sign3A_14 = arith.cmpi sgt, %jit3A, %sign3A_13 : i32
    %sign3A_15 = arith.extui %sign3A_14 : i1 to i32
    %sign3A_16 = arith.constant 0 : i32
    %sign3A_17 = arith.cmpi slt, %jit3A, %sign3A_16 : i32
    %sign3A_18 = arith.extui %sign3A_17 : i1 to i32
    %sign3A_19 = arith.subi %sign3A_15, %sign3A_18 : i32
    %ne3A = vector.broadcast %sign3A_19 : i32 to vector<128x328xi32>
    %ne3A_20 = arith.cmpi ne, %sign3A_12, %ne3A : vector<128x328xi32>
    %rem3A = vector.broadcast %jit3A : i32 to vector<128x328xi32>
    %rem3A_21 = arith.remsi %iota3A, %rem3A : vector<128x328xi32>
    %ne3A_22 = arith.constant 0 : i32
    %ne3A_23 = vector.broadcast %ne3A_22 : i32 to vector<128x328xi32>
    %ne3A_24 = arith.cmpi ne, %rem3A_21, %ne3A_23 : vector<128x328xi32>
    %and3A = arith.andi %ne3A_20, %ne3A_24 : vector<128x328xi1>
    %sub3A = arith.constant 1 : i32
    %sub3A_25 = vector.broadcast %sub3A : i32 to vector<128x328xi32>
    %sub3A_26 = arith.subi %div3A_4, %sub3A_25 : vector<128x328xi32>
    %select_n3A = arith.select %and3A, %sub3A_26, %div3A_4 : vector<128x328xi1>, vector<128x328xi32>
    %jit3A_27 = arith.constant 41 : i32
    %div3A_28 = vector.broadcast %jit3A_27 : i32 to vector<128x328xi32>
    %div3A_29 = arith.divsi %iota3A_3, %div3A_28 : vector<128x328xi32>
    %sign3A_30 = arith.constant 0 : i32
    %sign3A_31 = vector.broadcast %sign3A_30 : i32 to vector<128x328xi32>
    %sign3A_32 = arith.cmpi sgt, %iota3A_3, %sign3A_31 : vector<128x328xi32>
    %sign3A_33 = arith.extui %sign3A_32 : vector<128x328xi1> to vector<128x328xi32>
    %sign3A_34 = arith.constant 0 : i32
    %sign3A_35 = vector.broadcast %sign3A_34 : i32 to vector<128x328xi32>
    %sign3A_36 = arith.cmpi slt, %iota3A_3, %sign3A_35 : vector<128x328xi32>
    %sign3A_37 = arith.extui %sign3A_36 : vector<128x328xi1> to vector<128x328xi32>
    %sign3A_38 = arith.subi %sign3A_33, %sign3A_37 : vector<128x328xi32>
    %sign3A_39 = arith.constant 0 : i32
    %sign3A_40 = arith.cmpi sgt, %jit3A_27, %sign3A_39 : i32
    %sign3A_41 = arith.extui %sign3A_40 : i1 to i32
    %sign3A_42 = arith.constant 0 : i32
    %sign3A_43 = arith.cmpi slt, %jit3A_27, %sign3A_42 : i32
    %sign3A_44 = arith.extui %sign3A_43 : i1 to i32
    %sign3A_45 = arith.subi %sign3A_41, %sign3A_44 : i32
    %ne3A_46 = vector.broadcast %sign3A_45 : i32 to vector<128x328xi32>
    %ne3A_47 = arith.cmpi ne, %sign3A_38, %ne3A_46 : vector<128x328xi32>
    %rem3A_48 = vector.broadcast %jit3A_27 : i32 to vector<128x328xi32>
    %rem3A_49 = arith.remsi %iota3A_3, %rem3A_48 : vector<128x328xi32>
    %ne3A_50 = arith.constant 0 : i32
    %ne3A_51 = vector.broadcast %ne3A_50 : i32 to vector<128x328xi32>
    %ne3A_52 = arith.cmpi ne, %rem3A_49, %ne3A_51 : vector<128x328xi32>
    %and3A_53 = arith.andi %ne3A_47, %ne3A_52 : vector<128x328xi1>
    %sub3A_54 = arith.constant 1 : i32
    %sub3A_55 = vector.broadcast %sub3A_54 : i32 to vector<128x328xi32>
    %sub3A_56 = arith.subi %div3A_29, %sub3A_55 : vector<128x328xi32>
    %select_n3A_57 = arith.select %and3A_53, %sub3A_56, %div3A_29 : vector<128x328xi1>, vector<128x328xi32>
    %eq3A = arith.cmpi eq, %select_n3A, %select_n3A_57 : vector<128x328xi32>
    %jit3A_58 = arith.constant 0.000000e+00 : f32
    %broadcast_in_dim3A = vector.broadcast %jit3A_58 : f32 to vector<128x328xf32>
    %select_n3A_59 = arith.select %eq3A, %tile3A_2, %broadcast_in_dim3A : vector<128x328xi1>, vector<128x328xf32>
    %get3A_60 = arith.constant 0 : index
    %get3A_61 = arith.constant 0 : index
    %get3A_62 = vector.load %arg6[%get3A_60, %get3A_61] : memref<16x41xf32, #tpu.memory_space<vmem>>, vector<16x41xf32>
    %tile3A_63 = tpu.concatenate %get3A_62, %get3A_62, %get3A_62, %get3A_62, %get3A_62, %get3A_62, %get3A_62, %get3A_62 in 0 : vector<16x41xf32>, vector<16x41xf32>, vector<16x41xf32>, vector<16x41xf32>, vector<16x41xf32>, vector<16x41xf32>, vector<16x41xf32>, vector<16x41xf32> -> vector<128x41xf32>
    %tile3A_64 = tpu.concatenate %tile3A_63, %tile3A_63, %tile3A_63, %tile3A_63, %tile3A_63, %tile3A_63, %tile3A_63, %tile3A_63 in 1 : vector<128x41xf32>, vector<128x41xf32>, vector<128x41xf32>, vector<128x41xf32>, vector<128x41xf32>, vector<128x41xf32>, vector<128x41xf32>, vector<128x41xf32> -> vector<128x328xf32>
    %iota3A_65 = tpu.iota {dimensions = array<i32: 0>} : vector<128x328xi32>
    %iota3A_66 = tpu.iota {dimensions = array<i32: 1>} : vector<128x328xi32>
    %jit3A_67 = arith.constant 16 : i32
    %div3A_68 = vector.broadcast %jit3A_67 : i32 to vector<128x328xi32>
    %div3A_69 = arith.divsi %iota3A_65, %div3A_68 : vector<128x328xi32>
    %sign3A_70 = arith.constant 0 : i32
    %sign3A_71 = vector.broadcast %sign3A_70 : i32 to vector<128x328xi32>
    %sign3A_72 = arith.cmpi sgt, %iota3A_65, %sign3A_71 : vector<128x328xi32>
    %sign3A_73 = arith.extui %sign3A_72 : vector<128x328xi1> to vector<128x328xi32>
    %sign3A_74 = arith.constant 0 : i32
    %sign3A_75 = vector.broadcast %sign3A_74 : i32 to vector<128x328xi32>
    %sign3A_76 = arith.cmpi slt, %iota3A_65, %sign3A_75 : vector<128x328xi32>
    %sign3A_77 = arith.extui %sign3A_76 : vector<128x328xi1> to vector<128x328xi32>
    %sign3A_78 = arith.subi %sign3A_73, %sign3A_77 : vector<128x328xi32>
    %sign3A_79 = arith.constant 0 : i32
    %sign3A_80 = arith.cmpi sgt, %jit3A_67, %sign3A_79 : i32
    %sign3A_81 = arith.extui %sign3A_80 : i1 to i32
    %sign3A_82 = arith.constant 0 : i32
    %sign3A_83 = arith.cmpi slt, %jit3A_67, %sign3A_82 : i32
    %sign3A_84 = arith.extui %sign3A_83 : i1 to i32
    %sign3A_85 = arith.subi %sign3A_81, %sign3A_84 : i32
    %ne3A_86 = vector.broadcast %sign3A_85 : i32 to vector<128x328xi32>
    %ne3A_87 = arith.cmpi ne, %sign3A_78, %ne3A_86 : vector<128x328xi32>
    %rem3A_88 = vector.broadcast %jit3A_67 : i32 to vector<128x328xi32>
    %rem3A_89 = arith.remsi %iota3A_65, %rem3A_88 : vector<128x328xi32>
    %ne3A_90 = arith.constant 0 : i32
    %ne3A_91 = vector.broadcast %ne3A_90 : i32 to vector<128x328xi32>
    %ne3A_92 = arith.cmpi ne, %rem3A_89, %ne3A_91 : vector<128x328xi32>
    %and3A_93 = arith.andi %ne3A_87, %ne3A_92 : vector<128x328xi1>
    %sub3A_94 = arith.constant 1 : i32
    %sub3A_95 = vector.broadcast %sub3A_94 : i32 to vector<128x328xi32>
    %sub3A_96 = arith.subi %div3A_69, %sub3A_95 : vector<128x328xi32>
    %select_n3A_97 = arith.select %and3A_93, %sub3A_96, %div3A_69 : vector<128x328xi1>, vector<128x328xi32>
    %jit3A_98 = arith.constant 41 : i32
    %div3A_99 = vector.broadcast %jit3A_98 : i32 to vector<128x328xi32>
    %div3A_100 = arith.divsi %iota3A_66, %div3A_99 : vector<128x328xi32>
    %sign3A_101 = arith.constant 0 : i32
    %sign3A_102 = vector.broadcast %sign3A_101 : i32 to vector<128x328xi32>
    %sign3A_103 = arith.cmpi sgt, %iota3A_66, %sign3A_102 : vector<128x328xi32>
    %sign3A_104 = arith.extui %sign3A_103 : vector<128x328xi1> to vector<128x328xi32>
    %sign3A_105 = arith.constant 0 : i32
    %sign3A_106 = vector.broadcast %sign3A_105 : i32 to vector<128x328xi32>
    %sign3A_107 = arith.cmpi slt, %iota3A_66, %sign3A_106 : vector<128x328xi32>
    %sign3A_108 = arith.extui %sign3A_107 : vector<128x328xi1> to vector<128x328xi32>
    %sign3A_109 = arith.subi %sign3A_104, %sign3A_108 : vector<128x328xi32>
    %sign3A_110 = arith.constant 0 : i32
    %sign3A_111 = arith.cmpi sgt, %jit3A_98, %sign3A_110 : i32
    %sign3A_112 = arith.extui %sign3A_111 : i1 to i32
    %sign3A_113 = arith.constant 0 : i32
    %sign3A_114 = arith.cmpi slt, %jit3A_98, %sign3A_113 : i32
    %sign3A_115 = arith.extui %sign3A_114 : i1 to i32
    %sign3A_116 = arith.subi %sign3A_112, %sign3A_115 : i32
    %ne3A_117 = vector.broadcast %sign3A_116 : i32 to vector<128x328xi32>
    %ne3A_118 = arith.cmpi ne, %sign3A_109, %ne3A_117 : vector<128x328xi32>
    %rem3A_119 = vector.broadcast %jit3A_98 : i32 to vector<128x328xi32>
    %rem3A_120 = arith.remsi %iota3A_66, %rem3A_119 : vector<128x328xi32>
    %ne3A_121 = arith.constant 0 : i32
    %ne3A_122 = vector.broadcast %ne3A_121 : i32 to vector<128x328xi32>
    %ne3A_123 = arith.cmpi ne, %rem3A_120, %ne3A_122 : vector<128x328xi32>
    %and3A_124 = arith.andi %ne3A_118, %ne3A_123 : vector<128x328xi1>
    %sub3A_125 = arith.constant 1 : i32
    %sub3A_126 = vector.broadcast %sub3A_125 : i32 to vector<128x328xi32>
    %sub3A_127 = arith.subi %div3A_100, %sub3A_126 : vector<128x328xi32>
    %select_n3A_128 = arith.select %and3A_124, %sub3A_127, %div3A_100 : vector<128x328xi1>, vector<128x328xi32>
    %eq3A_129 = arith.cmpi eq, %select_n3A_97, %select_n3A_128 : vector<128x328xi32>
    %jit3A_130 = arith.constant 0.000000e+00 : f32
    %broadcast_in_dim3A_131 = vector.broadcast %jit3A_130 : f32 to vector<128x328xf32>
    %select_n3A_132 = arith.select %eq3A_129, %tile3A_64, %broadcast_in_dim3A_131 : vector<128x328xi1>, vector<128x328xf32>
    %get3A_133 = arith.constant 0 : index
    %get3A_134 = arith.constant 0 : index
    %get3A_135 = vector.load %arg2[%get3A_133, %get3A_134] : memref<1264x128xf32, #tpu.memory_space<vmem>>, vector<1264x128xf32>
    %get3A_136 = arith.constant 0 : index
    %get3A_137 = arith.constant 0 : index
    %get3A_138 = vector.load %arg3[%get3A_136, %get3A_137] : memref<1264x128xf32, #tpu.memory_space<vmem>>, vector<1264x128xf32>
    %add3A = arith.addf %get3A_135, %get3A_138 : vector<1264x128xf32>
    %get3A_139 = arith.constant 0 : index
    %get3A_140 = arith.constant 0 : index
    %get3A_141 = vector.load %arg4[%get3A_139, %get3A_140] : memref<1264x128xf32, #tpu.memory_space<vmem>>, vector<1264x128xf32>
    %mul3A = arith.mulf %add3A, %get3A_141 : vector<1264x128xf32>
    %get3A_142 = arith.constant 0 : index
    %get3A_143 = arith.constant 0 : index
    %get3A_144 = vector.load %arg1[%get3A_142, %get3A_143] : memref<1264x128xf32, #tpu.memory_space<vmem>>, vector<1264x128xf32>
    %dot_general3A = arith.constant dense<0.000000e+00> : vector<1264x328xf32>
    %dot_general3A_145 = tpu.matmul %get3A_144, %select_n3A_59, %dot_general3A {dimension_numbers = #tpu.dot_dimension_numbers<[1], [0], [0], [1], [0, 0, 1, 1], [], []>, transpose_lhs_hint = false} : vector<1264x128xf32>, vector<128x328xf32>, vector<1264x328xf32> -> vector<1264x328xf32>
    %dot_general3A_146 = arith.constant dense<0.000000e+00> : vector<1264x328xf32>
    %dot_general3A_147 = tpu.matmul %mul3A, %select_n3A_132, %dot_general3A_146 {dimension_numbers = #tpu.dot_dimension_numbers<[1], [0], [0], [1], [0, 0, 1, 1], [], []>, transpose_lhs_hint = false} : vector<1264x128xf32>, vector<128x328xf32>, vector<1264x328xf32> -> vector<1264x328xf32>
    %add3A_148 = arith.addf %dot_general3A_145, %dot_general3A_147 : vector<1264x328xf32>
    %get3A_149 = arith.constant 0 : index
    %get3A_150 = arith.constant 0 : index
    %get3A_151 = vector.load %arg7[%get3A_149, %get3A_150] : memref<1x328xf32, #tpu.memory_space<vmem>>, vector<1x328xf32>
    %add3A_152 = vector.broadcast %get3A_151 : vector<1x328xf32> to vector<1264x328xf32>
    %add3A_153 = arith.addf %add3A_148, %add3A_152 : vector<1264x328xf32>
    %slice3A = vector.extract_strided_slice %add3A_153 {offsets = [0, 0], sizes = [1250, 328], strides = [1, 1]} : vector<1264x328xf32> to vector<1250x328xf32>
    %swap3A = arith.constant 0 : index
    %swap3A_154 = arith.constant 0 : index
    %swap3A_155 = vector.load %arg8[%swap3A, %swap3A_154] : memref<1250x328xf32, #tpu.memory_space<vmem>>, vector<1250x328xf32>
    tpu.vector_store %arg8[%swap3A, %swap3A_154], %slice3A {strides = array<i32>} : memref<1250x328xf32, #tpu.memory_space<vmem>>, vector<1250x328xf32>,
    return
  }
  func.func @transform_0(%arg0: i32) -> (i32, i32) {
    %c0_i32 = arith.constant 0 : i32
    %c0_i32_0 = arith.constant 0 : i32
    %c0_i32_1 = arith.constant 0 : i32
    return %c0_i32, %c0_i32_0 : i32, i32
  }
  func.func @transform_1(%arg0: i32) -> (i32, i32) {
    %c0_i32 = arith.constant 0 : i32
    %c0_i32_0 = arith.constant 0 : i32
    %c0_i32_1 = arith.constant 0 : i32
    return %c0_i32, %c0_i32_0 : i32, i32
  }
  func.func @transform_2(%arg0: i32) -> (i32, i32) {
    %c1_i32 = arith.constant 1 : i32
    %c0_i32 = arith.constant 0 : i32
    %c0_i32_0 = arith.constant 0 : i32
    return %c1_i32, %c0_i32 : i32, i32
  }
  func.func @transform_3(%arg0: i32) -> (i32, i32) {
    %c0_i32 = arith.constant 0 : i32
    %c0_i32_0 = arith.constant 0 : i32
    %c0_i32_1 = arith.constant 0 : i32
    return %c0_i32, %c0_i32_0 : i32, i32
  }
  func.func @transform_4(%arg0: i32) -> (i32, i32) {
    %c0_i32 = arith.constant 0 : i32
    %c0_i32_0 = arith.constant 0 : i32
    %c0_i32_1 = arith.constant 0 : i32
    return %c0_i32, %c0_i32_0 : i32, i32
  }
  func.func @transform_5(%arg0: i32) -> (i32, i32) {
    %c0_i32 = arith.constant 0 : i32
    %c0_i32_0 = arith.constant 0 : i32
    %c0_i32_1 = arith.constant 0 : i32
    return %c0_i32, %c0_i32_0 : i32, i32
  }
  func.func @transform_6(%arg0: i32) -> (i32, i32) {
    %c0_i32 = arith.constant 0 : i32
    %c0_i32_0 = arith.constant 0 : i32
    %c0_i32_1 = arith.constant 0 : i32
    return %c0_i32, %c0_i32_0 : i32, i32
  }
  func.func @transform_7(%arg0: i32) -> (i32, i32) {
    %c0_i32 = arith.constant 0 : i32
    %c0_i32_0 = arith.constant 0 : i32
    %c0_i32_1 = arith.constant 0 : i32
    return %c0_i32, %c0_i32_0 : i32, i32
  }
}

</mosaic_0001>

<sc_bundles>
// kernel: kernel.10.cloned.1.call-start
scs
__scs_entry_jumppad:
0x0: {  	(pc) =	sbr.rel $0x88, $3  }
0x1: {  	(tag) =	ssettag $0x0;
	lr =	simm.s32 $0x1  }
0x2: {  	[smem:$0x3F99] =	sst lr;
	_ =	strace $0xD0000000  }
0x3: {  	_ = 	snop  }
0x4: {  	_ = 	snop  }
0x5: {  	_ = 	snop  }
0x6: {  	_ = 	snop  }
0x7: {  	_ = 	snop  }
__scs_overlays_trampoline_lowered:
0x8: {  	[smem:$0x3FA8] =	sst s0  }
0x9: {  	[smem:$0x3FA9] =	sst s1  }
0xa: {  	[smem:$0x3FAA] =	sst s2  }
0xb: {  	[smem:$0x3FAB] =	sst s3  }
0xc: {  	[smem:$0x3FAC] =	sst s4  }
0xd: {  	[smem:$0x3FAD] =	sst s5  }
0xe: {  	[smem:$0x3FAE] =	sst s6  }
0xf: {  	[smem:$0x3FAF] =	sst s7  }
0x10: {  	[smem:$0x3FB0] =	sst s8  }
0x11: {  	[smem:$0x3FB1] =	sst s9;
	s0 =	simm.s32 @!p0 $0x0  }
0x12: {  	s1 =	sld [smem:$0x3F97];
	s0 =	simm.s32 @p0 $0x1  }
0x13: {  	[smem:$0x3FB2] =	sst s0;
	s0 =	simm.s32 @!p1 $0x0  }
0x14: {  	s2 =	sld [smem:$0x3F96];
	s0 =	simm.s32 @p1 $0x1  }
0x15: {  	[smem:$0x3FB3] =	sst s0;
	s0 =	simm.s32 @!p2 $0x0  }
0x16: {  	s3 =	sld [smem:$0x3FDB];
	s0 =	simm.s32 @p2 $0x1  }
0x17: {  	s4 =	simm.s32 $0x1BF5;
	[smem:$0x3FB5] =	sst s0  }
0x18: {  	s0 =	sld [smem:$0x3F98];
	_ =	swait.ge [sflag:s4], $0x0  }
0x19: {  	s7 =	sld [smem:$0x3F99]  }
0x1a: {  	s8 =	sadd.s32 $0xFFFFE003, lr  }
0x1b: {  	s9 =	sadd.s32 $0xFFFFFEF7, lr;
	s5 =	simm.s32 $0xFFFFFFFF;
	p2 =	slt.u32 s8, $0xFFFFF086  }
0x1c: {  	p1 =	slt.u32 s9, $0xF7A;
	s5 =	simm.s32 @!p2 $0x0  }
0x1d: {  	s5 =	simm.s32 @p1 $0x1;
	p0 =	seq.s32 s7, s2  }
0x1e: {  	s7 =	smul.u32 @!p0 $0xF7A, s2;
	p2 =	seq.s32 @!p0 s5, $0x0  }
0x1f: {  	s9 =	smul.u32 $0xF7A, s1;
	s8 =	simm.s32 @!p0 $0x1BF5;
	p2 =	por !p2, p0  }
0x20: {  	[sflag:s8] =	ssyncset.s32 @!p0 $0xFFFFF086;
	s6 =	sadd.s32 @!p0 s3, s7;
	s7 =	simm.s32 @!p0 $0x108  }
0x21: {  	s3 =	sadd.s32 s3, s9;
	s6 =	sadd.s32 @!p0 $0x88, s6;
	s7 =	simm.s32 @p2 $0x1082  }
0x22: {  	[simem:s7], [sflag:s8] =	dma.local @!p0 [hbm:s6], $0xF7A  }
0x23: {  	s9 =	sor.u32 $0xD0000000, s2;
	s6 =	simm.s32 $0x108;
	_ =	swait.ge @!p0 [sflag:s8], $0x0  }
0x24: {  	s3 =	sadd.s32 $0x88, s3;
	s6 =	simm.s32 @!p1 $0x1082;
	[sflag:s4] =	ssyncset.s32 $0xFFFFF086  }
0x25: {  	[simem:s6], [sflag:s4] =	dma.local [hbm:s3], $0xF7A  }
0x26: {  	[smem:$0x3F99] =	sst s1;
	(tag) =	ssettag s2;
	_ =	strace s9  }
0x27: {  	s1 =	sld [smem:$0x3FA9]  }
0x28: {  	s2 =	sld [smem:$0x3FAA]  }
0x29: {  	s4 =	sld [smem:$0x3FAC]  }
0x2a: {  	p0 =	seq.s32 s5, $0x0;
	s5 =	sld [smem:$0x3FAD]  }
0x2b: {  	s6 =	sld [smem:$0x3FAE]  }
0x2c: {  	s7 =	sld [smem:$0x3FAF]  }
0x2d: {  	s3 =	simm.s32 $0x108;
	s8 =	sld [smem:$0x3FB0]  }
0x2e: {  	s3 =	simm.s32 @!p0 $0x1082;
	s9 =	sld [smem:$0x3FB1]  }
0x2f: {  	lr =	sadd.s32 s0, s3;
	s0 =	sld [smem:$0x3FA8]  }
0x30: {  	s3 =	sld [smem:$0x3FAB]  }
0x31: {  	[smem:$0x3FB4] =	sst s10  }
0x32: {  	s10 =	sld [smem:$0x3FB2];
	_ =	sdelay $0x3  }
0x33: {  	p0 =	seq.s32 s10, $0x1;
	s10 =	sld [smem:$0x3FB4];
	_ =	sdelay $0x3  }
0x34: {  	[smem:$0x3FB4] =	sst s10  }
0x35: {  	s10 =	sld [smem:$0x3FB3];
	_ =	sdelay $0x3  }
0x36: {  	p1 =	seq.s32 s10, $0x1;
	s10 =	sld [smem:$0x3FB4];
	_ =	sdelay $0x3  }
0x37: {  	[smem:$0x3FB4] =	sst s10  }
0x38: {  	s10 =	sld [smem:$0x3FB5]  }
0x39: {  	_ = 	snop;
	(pc) =	sbr.ind lr, $3  }
0x3a: {  	_ = 	snop  }
0x3b: {  	_ = 	snop  }
0x3c: {  	p2 =	seq.s32 s10, $0x1;
	s10 =	sld [smem:$0x3FB4]  }
0x3d: {  	_ =	shalt  }
0x3e: {  	_ =	shalt  }
0x3f: {  	_ =	shalt  }
0x40: {  	_ =	shalt  }
0x41: {  	_ =	shalt  }
0x42: {  	_ =	shalt  }
0x43: {  	_ =	shalt  }
0x44: {  	_ =	shalt  }
0x45: {  	_ =	shalt  }
0x46: {  	_ =	shalt  }
0x47: {  	_ =	shalt  }
0x48: {  	_ =	shalt  }
0x49: {  	_ =	shalt  }
0x4a: {  	_ =	shalt  }
0x4b: {  	_ =	shalt  }
0x4c: {  	_ =	shalt  }
0x4d: {  	_ =	shalt  }
0x4e: {  	_ =	shalt  }
0x4f: {  	_ =	shalt  }
0x50: {  	_ =	shalt  }
0x51: {  	_ =	shalt  }
0x52: {  	_ =	shalt  }
0x53: {  	_ =	shalt  }
0x54: {  	_ =	shalt  }
0x55: {  	_ =	shalt  }
0x56: {  	_ =	shalt  }
0x57: {  	_ =	shalt  }
0x58: {  	_ =	shalt  }
0x59: {  	_ =	shalt  }
0x5a: {  	_ =	shalt  }
0x5b: {  	_ =	shalt  }
0x5c: {  	_ =	shalt  }
0x5d: {  	_ =	shalt  }
0x5e: {  	_ =	shalt  }
0x5f: {  	_ =	shalt  }
0x60: {  	_ =	shalt  }
0x61: {  	_ =	shalt  }
0x62: {  	_ =	shalt  }
0x63: {  	_ =	shalt  }
0x64: {  	_ =	shalt  }
0x65: {  	_ =	shalt  }
0x66: {  	_ =	shalt  }
0x67: {  	_ =	shalt  }
0x68: {  	_ =	shalt  }
0x69: {  	_ =	shalt  }
0x6a: {  	_ =	shalt  }
0x6b: {  	_ =	shalt  }
0x6c: {  	_ =	shalt  }
0x6d: {  	_ =	shalt  }
0x6e: {  	_ =	shalt  }
0x6f: {  	_ =	shalt  }
0x70: {  	_ =	shalt  }
0x71: {  	_ =	shalt  }
0x72: {  	_ =	shalt  }
0x73: {  	_ =	shalt  }
0x74: {  	_ =	shalt  }
0x75: {  	_ =	shalt  }
0x76: {  	_ =	shalt  }
0x77: {  	_ =	shalt  }
0x78: {  	_ =	shalt  }
0x79: {  	_ =	shalt  }
0x7a: {  	_ =	shalt  }
0x7b: {  	_ =	shalt  }
0x7c: {  	_ =	shalt  }
0x7d: {  	_ =	shalt  }
0x7e: {  	_ =	shalt  }
0x7f: {  	_ =	shalt  }
0x80: {  	_ =	shalt  }
0x81: {  	_ =	shalt  }
0x82: {  	_ =	shalt  }
0x83: {  	_ =	shalt  }
0x84: {  	_ =	shalt  }
0x85: {  	_ =	shalt  }
0x86: {  	_ =	shalt  }
0x87: {  	_ =	shalt  }
.Lfunc_end0:
.L_simem_size_0:
called_computation.1_lowered:
.L_overlay_start_0:
0x88: {  	s2 =	sld [smem:$0x3FD9]  }
0x89: {  	s3 =	sld [smem:$0x3FFE];
	_ =	sdelay $0x1  }
0x8a: {  	s1 =	srdreg.scid  }
0x8b: {  	s0 =	sand.u32 $0x1, s1  }
0x8c: {  	s17 =	sshll.u32 s0, $0xA;
	s2 =	sadd.s32 s3, s2  }
0x8d: {  	s2 =	sadd.s32 s2, s17  }
0x8e: {  	[smem:$0x3FC0] =	sst s2  }
0x8f: {  	_ = 	snop  }
0x90: {  	s2 =	sld [smem:$0x3FD0];
	(tm) =	ssettm $0x1  }
0x91: {  	s18 =	sld [smem:$0x3FFB];
	_ =	sdelay $0x3  }
0x92: {  	_ =	strace s18  }
0x93: {  	s3 =	sld [smem:$0x3FFC];
	_ =	sdelay $0x3  }
0x94: {  	_ =	strace s3  }
0x95: {  	s3 =	sld [smem:$0x3FFD];
	_ =	sdelay $0x3  }
0x96: {  	_ =	strace s3  }
0x97: {  	_ =	strace $0x8FFFFFFF  }
0x98: {  	s19 =	sld [smem:$0x3FDB];
	_ =	sdelay $0x1  }
0x99: {  	s4 =	simm.s32 $_scs_section_size  }
0x9a: {  	s5 =	simm.s32 $_size__tile_overlayer_lowered;
	s6 =	simm.s32 $_tile_overlayer_lowered  }
0x9b: {  	s22 =	simm.s32 $0x1BFF;
	s21 =	sshll.u32 s6, $0x1;
	s3 =	sadd.s32 s4, s19  }
0x9c: {  	s7 =	simm.s32 $0x0;
	s20 =	sshll.u32 s5, $0x1;
	s5 =	sadd.s32 s21, s3  }
0x9d: {  	[timem:s7], [sflag:s22] =	dma.local [hbm:s5], s20  }
0x9e: {  	_ =	swait.ge [sflag:s22], s20  }
0x9f: {  	s4 =	ssub.s32 $0x0, s20;
	[sflag:s22] =	ssyncset.done $0x0  }
0xa0: {  	[sflag:s22] =	ssyncadd.s32 s4;
	_ =	sdelay $0x1  }
0xa1: {  	s23 =	simm.s32 $0x1B8B  }
0xa2: {  	_ =	swait.ge [sflag:s23], $0x1  }
0xa3: {  	[sflag:s23] =	ssyncset.done $0x0  }
0xa4: {  	s25 =	simm.s32 $0x1B8E;
	s24 =	sld [smem:$0x3FFE];
	[sflag:s23] =	ssyncadd.s32 $0xFFFFFFFF  }
0xa5: {  	s26 =	simm.s32 $execute0_lowered;
	[smem:$0x3FD2] =	sst s25  }
0xa6: {  	s5 =	sshll.u32 s26, $0x1;
	_ =	strace $0x80000049;
	[dreg:$0x1] =	wrdreg $0xFFFFFFFF  }
0xa7: {  	s28 =	simm.s32 $_size_execute0_lowered;
	s3 =	sadd.s32 s3, s5;
	[dreg:$0x0] =	wrdreg $0x0  }
0xa8: {  	s5 =	sshll.u32 s28, $0x1;
	[dreg:$0x2] =	wrdreg s3  }
0xa9: {  	[dreg:$0x3] =	wrdreg s5  }
0xaa: {  	[dreg:$0x4] =	wrdreg $0xC0  }
0xab: {  	_ =	task [dreg:s7], $0x5FFFF  }
0xac: {  	[dreg:$0x1] =	wrdreg $0xFFFFFFFF  }
0xad: {  	[dreg:$0x0] =	wrdreg $0x60  }
0xae: {  	[dreg:$0x2] =	wrdreg s24  }
0xaf: {  	[dreg:$0x3] =	wrdreg s2  }
0xb0: {  	[dreg:$0x4] =	wrdreg $0x147800  }
0xb1: {  	[dreg:$0x5] =	wrdreg $0x16F000  }
0xb2: {  	[dreg:$0x6] =	wrdreg $0x9  }
0xb3: {  	_ =	task.clear_ibuf [dreg:s7], $0x7FFFF;
	_ =	strace $0x90000049  }
0xb4: {  	s29 =	simm.s32 $0x9;
	_ =	strace $0x8000004B  }
0xb5: {  	_ =	swait.ge [sflag:s29], $0x1  }
0xb6: {  	[sflag:s29] =	ssyncadd.s32 $0xFFFFFFFF  }
0xb7: {  	_ =	strace $0x9000004B  }
0xb8: {  	_ =	sfence  }
0xb9: {  	s30 =	sld [smem:$0x0];
	_ =	sdelay $0x2  }
0xba: {  	s31 =	sshll.u32 s1, $0xD;
	s1 =	sshrl.u32 s1, $0x2  }
0xbb: {  	s3 =	sand.u32 $0x4000, s31;
	s1 =	sadd.s32 s1, s30  }
0xbc: {  	s0 =	sor.u32 s3, s0;
	s1 =	sshll.u32 s1, $0x11  }
0xbd: {  	s0 =	sor.u32 s1, s0  }
0xbe: {  	s0 =	sadd.s32 $0x8F2B, s0  }
0xbf: {  	[sflag:s0] =	ssyncadd.remote.s32 $0x1  }
0xc0: {  	_ =	sfence.sel $0xFFFF  }
0xc1: {  	[dreg:$0x0] =	wrdreg $0xFFFFFFFF;
	(pc) =	sbr.abs _section_cstart, $3  }
0xc2: {  	[dreg:$0x1] =	wrdreg $0xFFFFFFFF  }
0xc3: {  	_ =	task.clear_ibuf [dreg:s7], $0x2FFFF;
	_ =	strace $0x9FFFFFFF  }
0xc4: {  	(tm) =	ssettm $0x7FFFFFFF  }
0xc5: {  	_ =	shalt  }
tec
execute0_lowered:
.L_overlay_start_1:
0x0: {  	(tag) =	ssettag $0x1  }
0x1: {  	s0 =	rddreg [dreg:$0x0]  }
0x2: {  	s1 =	rddreg [dreg:$0x1]  }
0x3: {  	s2 =	rddreg [dreg:$0x2]  }
0x4: {  	s3 =	rddreg [dreg:$0x3]  }
0x5: {  	s10 =	stileid.u32;
	s4 =	srdreg.scid;
	s21 =	simm.s32 $0x3  }
0x6: {  	s22 =	simm.s32 $0x12000;
	s23 =	simm.s32 $0x800;
	s24 =	simm.s32 $0x2000  }
0x7: {  	s25 =	simm.s32 $0x1000;
	s28 =	simm.s32 $0x1800;
	s29 =	simm.s32 $0x1  }
0x8: {  	s30 =	simm.s32 $0x2;
	s31 =	simm.s32 $0x0;
	s11 =	sand.u32 $0x1, s4  }
0x9: {  	s5 =	sshll.u32 s10, $0x1;
	s4 =	simm.s32 $0x0;
	s7 =	smul.u32 $0x2780, s10  }
0xa: {  	s16 =	smul.u32 $0x4F0, s10;
	s26 =	sshll.u32 s10, $0x6;
	s5 =	sor.u32 s11, s5  }
0xb: {  	[smem:$0x7FF] =	sst s4;
	s8 =	ssub.s32 $0x2, s11;
	s17 =	smul.u32 $0x4F00, s11  }
0xc: {  	s5 =	smul.u32 $0x2710, s5;
	_ =	strace $0x8000004A;
	s6 =	sshrl.u32 s7, $0x3  }
0xd: {  	s9 =	sshrl.u32 s8, $0x1;
	s20 =	sadd.s32 s7, s2;
	s7 =	sadd.s32 s7, s3  }
0xe: {  	s6 =	sadd.s32 s6, s0;
	s19 =	ssub.s32 s8, s9;
	s18 =	sadd.s32 s16, s17  }
0xf: {  	s20 =	sshrl.u32 s20, $0x3;
	s5 =	sshrl.u32 s5, $0x3;
	s18 =	sadd.s32 s1, s18  }
0x10: {  	s19 =	smax.u32 s19, $0x1;
	s0 =	sadd.s32 s5, s0;
	s5 =	sadd.s32 $0x16400, s6  }
0x11: {  	s6 =	sor.u32 $0x1C03, s26;
	s26 =	simm.s32 $0xA000;
	s8 =	sadd.s32 $0x2A00, s0  }
0x12: {  	s9 =	sadd.s32 $0xC640, s0;
	s10 =	sadd.s32 $0x2B00, s0;
	s11 =	sadd.s32 $0xC740, s0  }
0x13: {  	s12 =	sadd.s32 $0x2C00, s0;
	s13 =	sadd.s32 $0xC840, s0;
	s14 =	sadd.s32 $0x2D00, s0  }
0x14: {  	v0 =	vimm.f32 $0.0e+00;
	v1 =	vimm.s32 $0x0;
	v2 =	vimm.s32 $0x2710;
	s15 =	sadd.s32 $0xC940, s0;
	s16 =	sadd.s32 $0x2E00, s0;
	s17 =	sadd.s32 $0xCA40, s0  }
.LBB2_1:
0x15: {  	[spmem:s20], [sflag:s6] =	dma.local [hbm:s5], $0x4F0  }
0x16: {  	_ =	swait.ge [sflag:s21], $0x4F0  }
0x17: {  	[sflag:s21] =	ssyncset.done $0x0  }
0x18: {  	s0 =	simm.s32 $0x40;
	s1 =	simm.s32 $0x0;
	[sflag:s21] =	ssyncadd.s32 $0xFFFFFB10  }
.LBB2_2:
0x19: {  	p0 =	sne.s32 s0, $0x9DC0;
	[tilespmem:s1+$0x12000] =	vst v0;
	s1 =	smov.u32 s0;
	s0 =	sadd.s32 $0x40, s0  }
.Ltmp0:
0x1a: {  	(pc) =	sbr.rel @p0 .LBB2_2-.Ltmp0, $2  }
0x1b: {  	_ =	sdelay $0x2  }
0x1c: {  	s1 =	sshra.s32 s1, $0x2  }
0x1d: {  	[tilespmem:s1+$0x12000] =	vst v0  }
0x1e: {  	[spmem:s7] =	stream.linear.scatter [tilespmem:s22], [sflag:$0x3], $0x2780, $0x38;
	[tilespmem:$0x19680] =	vst v63  }
0x1f: {  	_ =	swait.ge [sflag:s21], $0x2780  }
0x20: {  	[sflag:s21] =	ssyncset.done $0x0  }
0x21: {  	[sflag:s21] =	ssyncadd.s32 $0xFFFFD880  }
0x22: {  	[bflag:$0x0] =	sbarrier.arrive $0xFFFF  }
0x23: {  	[tilespmem:s4], [sflag:$0x3] =	stream.linear.gather [hbm4b:s8+s4], $0x800, $0x38;
	[tilespmem:$0x19680] =	vst v63  }
0x24: {  	_ =	swait.ge [sflag:s21], $0x800  }
0x25: {  	[sflag:s21] =	ssyncset.done $0x0  }
0x26: {  	[sflag:s21] =	ssyncadd.s32 $0xFFFFF800  }
0x27: {  	[tilespmem:s24], [sflag:$0x1] =	stream.indirect.gather [spmem:s2], $0x10, s4, s23, $0xb8;
	[tilespmem:$0x19680] =	vst v63  }
0x28: {  	_ = 	snop  }
0x29: {  	[tilespmem:s25], [sflag:$0x3] =	stream.linear.gather [hbm4b:s9+s4], $0x800, $0x38;
	[tilespmem:$0x19680] =	vst v63  }
0x2a: {  	_ =	swait.ge [sflag:s21], $0x800  }
0x2b: {  	[sflag:s21] =	ssyncset.done $0x0  }
0x2c: {  	[sflag:s21] =	ssyncadd.s32 $0xFFFFF800  }
0x2d: {  	[tilespmem:s23], [sflag:$0x3] =	stream.linear.gather [hbm4b:s10+s4], $0x800, $0x38;
	[tilespmem:$0x19680] =	vst v63  }
0x2e: {  	_ =	swait.ge [sflag:s21], $0x800  }
0x2f: {  	[sflag:s21] =	ssyncset.done $0x0  }
0x30: {  	[sflag:s21] =	ssyncadd.s32 $0xFFFFF800  }
0x31: {  	[tilespmem:s26], [sflag:$0x2] =	stream.indirect.gather [spmem:s2], $0x10, s23, s23, $0xb8;
	[tilespmem:$0x19680] =	vst v63  }
0x32: {  	_ = 	snop  }
0x33: {  	[tilespmem:s28], [sflag:$0x3] =	stream.linear.gather [hbm4b:s11+s4], $0x800, $0x38;
	[tilespmem:$0x19680] =	vst v63  }
0x34: {  	_ =	swait.ge [sflag:s21], $0x800  }
0x35: {  	[sflag:s21] =	ssyncset.done $0x0  }
0x36: {  	[sflag:s21] =	ssyncadd.s32 $0xFFFFF800  }
0x37: {  	_ =	swait.ge [sflag:s29], $0x8000  }
0x38: {  	[sflag:s29] =	ssyncset.done $0x0  }
0x39: {  	[sflag:s29] =	ssyncadd.s32 $0xFFFF8000  }
0x3a: {  	[spmem:s3] =	stream.indirect.scatter.add.f32 [tilespmem:s24], [sflag:$0x3], $0x10, s25, s23, $0xb8;
	[tilespmem:$0x19680] =	vst v63  }
0x3b: {  	_ =	swait.ge [sflag:s21], $0x8000  }
0x3c: {  	[sflag:s21] =	ssyncset.done $0x0  }
0x3d: {  	[sflag:s21] =	ssyncadd.s32 $0xFFFF8000  }
0x3e: {  	[tilespmem:s4], [sflag:$0x3] =	stream.linear.gather [hbm4b:s12+s4], $0x800, $0x38;
	[tilespmem:$0x19680] =	vst v63  }
0x3f: {  	_ =	swait.ge [sflag:s21], $0x800  }
0x40: {  	[sflag:s21] =	ssyncset.done $0x0  }
0x41: {  	[sflag:s21] =	ssyncadd.s32 $0xFFFFF800  }
0x42: {  	[tilespmem:s24], [sflag:$0x1] =	stream.indirect.gather [spmem:s2], $0x10, s4, s23, $0xb8;
	[tilespmem:$0x19680] =	vst v63  }
0x43: {  	_ = 	snop  }
0x44: {  	[tilespmem:s25], [sflag:$0x3] =	stream.linear.gather [hbm4b:s13+s4], $0x800, $0x38;
	[tilespmem:$0x19680] =	vst v63  }
0x45: {  	_ =	swait.ge [sflag:s21], $0x800  }
0x46: {  	[sflag:s21] =	ssyncset.done $0x0  }
0x47: {  	[sflag:s21] =	ssyncadd.s32 $0xFFFFF800  }
0x48: {  	_ =	swait.ge [sflag:s30], $0x8000  }
0x49: {  	[sflag:s30] =	ssyncset.done $0x0  }
0x4a: {  	[sflag:s30] =	ssyncadd.s32 $0xFFFF8000  }
0x4b: {  	[spmem:s3] =	stream.indirect.scatter.add.f32 [tilespmem:s26], [sflag:$0x3], $0x10, s28, s23, $0xb8;
	[tilespmem:$0x19680] =	vst v63  }
0x4c: {  	_ =	swait.ge [sflag:s21], $0x8000  }
0x4d: {  	[sflag:s21] =	ssyncset.done $0x0  }
0x4e: {  	[sflag:s21] =	ssyncadd.s32 $0xFFFF8000  }
0x4f: {  	[tilespmem:s23], [sflag:$0x3] =	stream.linear.gather [hbm4b:s14+s4], $0x800, $0x38;
	[tilespmem:$0x19680] =	vst v63  }
0x50: {  	_ =	swait.ge [sflag:s21], $0x800  }
0x51: {  	[sflag:s21] =	ssyncset.done $0x0  }
0x52: {  	[sflag:s21] =	ssyncadd.s32 $0xFFFFF800  }
0x53: {  	[tilespmem:s26], [sflag:$0x2] =	stream.indirect.gather [spmem:s2], $0x10, s23, s23, $0xb8;
	[tilespmem:$0x19680] =	vst v63  }
0x54: {  	_ = 	snop  }
0x55: {  	[tilespmem:s28], [sflag:$0x3] =	stream.linear.gather [hbm4b:s15+s4], $0x800, $0x38;
	[tilespmem:$0x19680] =	vst v63  }
0x56: {  	_ =	swait.ge [sflag:s21], $0x800  }
0x57: {  	[sflag:s21] =	ssyncset.done $0x0  }
0x58: {  	[sflag:s21] =	ssyncadd.s32 $0xFFFFF800  }
0x59: {  	_ =	swait.ge [sflag:s29], $0x8000  }
0x5a: {  	[sflag:s29] =	ssyncset.done $0x0  }
0x5b: {  	[sflag:s29] =	ssyncadd.s32 $0xFFFF8000  }
0x5c: {  	[spmem:s3] =	stream.indirect.scatter.add.f32 [tilespmem:s24], [sflag:$0x3], $0x10, s25, s23, $0xb8;
	[tilespmem:$0x19680] =	vst v63  }
0x5d: {  	_ =	swait.ge [sflag:s21], $0x8000  }
0x5e: {  	[sflag:s21] =	ssyncset.done $0x0  }
0x5f: {  	[sflag:s21] =	ssyncadd.s32 $0xFFFF8000  }
0x60: {  	[tilespmem:s4], [sflag:$0x3] =	stream.linear.gather [hbm4b:s16+s4], $0x710, $0x38;
	[tilespmem:$0x19680] =	vst v63  }
0x61: {  	_ =	swait.ge [sflag:s21], $0x710  }
0x62: {  	[sflag:s21] =	ssyncset.done $0x0  }
0x63: {  	[sflag:s21] =	ssyncadd.s32 $0xFFFFF8F0  }
0x64: {  	[tilespmem:$0x710] =	vst v1  }
0x65: {  	[tilespmem:$0x720] =	vst v1  }
0x66: {  	[tilespmem:$0x730] =	vst v1  }
0x67: {  	[tilespmem:$0x740] =	vst v1  }
0x68: {  	[tilespmem:$0x750] =	vst v1  }
0x69: {  	[tilespmem:$0x760] =	vst v1  }
0x6a: {  	[tilespmem:$0x770] =	vst v1  }
0x6b: {  	[tilespmem:$0x780] =	vst v1  }
0x6c: {  	[tilespmem:$0x790] =	vst v1  }
0x6d: {  	[tilespmem:$0x7A0] =	vst v1  }
0x6e: {  	[tilespmem:$0x7B0] =	vst v1  }
0x6f: {  	[tilespmem:$0x7C0] =	vst v1  }
0x70: {  	[tilespmem:$0x7D0] =	vst v1  }
0x71: {  	[tilespmem:$0x7E0] =	vst v1  }
0x72: {  	[tilespmem:$0x7F0] =	vst v1  }
0x73: {  	[tilespmem:s24], [sflag:$0x1] =	stream.indirect.gather [spmem:s2], $0x10, s4, s23, $0xb8;
	[tilespmem:$0x19680] =	vst v63  }
0x74: {  	_ = 	snop  }
0x75: {  	[tilespmem:s25], [sflag:$0x3] =	stream.linear.gather [hbm4b:s17+s4], $0x710, $0x38;
	[tilespmem:$0x19680] =	vst v63  }
0x76: {  	_ =	swait.ge [sflag:s21], $0x710  }
0x77: {  	[sflag:s21] =	ssyncset.done $0x0  }
0x78: {  	[sflag:s21] =	ssyncadd.s32 $0xFFFFF8F0  }
0x79: {  	[tilespmem:$0x1710] =	vst v2  }
0x7a: {  	[tilespmem:$0x1720] =	vst v2  }
0x7b: {  	[tilespmem:$0x1730] =	vst v2  }
0x7c: {  	[tilespmem:$0x1740] =	vst v2  }
0x7d: {  	[tilespmem:$0x1750] =	vst v2  }
0x7e: {  	[tilespmem:$0x1760] =	vst v2  }
0x7f: {  	[tilespmem:$0x1770] =	vst v2  }
0x80: {  	[tilespmem:$0x1780] =	vst v2  }
0x81: {  	[tilespmem:$0x1790] =	vst v2  }
0x82: {  	[tilespmem:$0x17A0] =	vst v2  }
0x83: {  	[tilespmem:$0x17B0] =	vst v2  }
0x84: {  	[tilespmem:$0x17C0] =	vst v2  }
0x85: {  	[tilespmem:$0x17D0] =	vst v2  }
0x86: {  	[tilespmem:$0x17E0] =	vst v2  }
0x87: {  	[tilespmem:$0x17F0] =	vst v2  }
0x88: {  	_ =	swait.ge [sflag:s30], $0x8000  }
0x89: {  	[sflag:s30] =	ssyncset.done $0x0  }
0x8a: {  	[sflag:s30] =	ssyncadd.s32 $0xFFFF8000  }
0x8b: {  	[spmem:s3] =	stream.indirect.scatter.add.f32 [tilespmem:s26], [sflag:$0x3], $0x10, s28, s23, $0xb8;
	[tilespmem:$0x19680] =	vst v63  }
0x8c: {  	_ =	swait.ge [sflag:s21], $0x8000  }
0x8d: {  	[sflag:s21] =	ssyncset.done $0x0  }
0x8e: {  	[sflag:s21] =	ssyncadd.s32 $0xFFFF8000  }
0x8f: {  	_ =	swait.ge [sflag:s29], $0x8000  }
0x90: {  	[sflag:s29] =	ssyncset.done $0x0  }
0x91: {  	[sflag:s29] =	ssyncadd.s32 $0xFFFF8000  }
0x92: {  	[spmem:s3] =	stream.indirect.scatter.add.f32 [tilespmem:s24], [sflag:$0x3], $0x10, s25, s23, $0xb8;
	[tilespmem:$0x19680] =	vst v63  }
0x93: {  	_ =	swait.ge [sflag:s21], $0x8000  }
0x94: {  	s31 =	sadd.s32 $0x1, s31;
	[sflag:s21] =	ssyncset.done $0x0  }
0x95: {  	p0 =	sne.s32 s31, s19;
	[sflag:s21] =	ssyncadd.s32 $0xFFFF8000  }
.Ltmp1:
0x96: {  	s0 =	sshrl.u32 s7, $0x3;
	[bflag:$0x0] =	sbarrier.arrive $0xFFFF;
	(pc) =	sbr.rel @p0 .LBB2_1-.Ltmp1, $4  }
0x97: {  	[hbm:s18], [sflag:s6] =	dma.local [spmem:s0], $0x4F0  }
0x98: {  	_ =	swait.ge [sflag:s21], $0x4F0  }
0x99: {  	[sflag:s21] =	ssyncset.done $0x0  }
0x9a: {  	[sflag:s21] =	ssyncadd.s32 $0xFFFFFB10  }
0x9b: {  	_ =	sfence.sel $0x180000  }
0x9c: {  	[bflag:$0x0] =	sbarrier.arrive $0xFFFF  }
0x9d: {  	_ =	strace $0x9000004A  }
0x9e: {  	s0 =	stileid.u32;
	[bflag:$0x2] =	sbarrier.arrive $0xFFFF  }
0x9f: {  	p0 =	sne.s32 s0, $0x0;
	s0 =	rddreg [dreg:$0x4]  }
0xa0: {  	s0 =	sadd.s32 @!p0 $0x100000, s0  }
0xa1: {  	[sflag:s0] =	ssyncadd.tile.s32 @!p0 $0x1;
	_ =	shalt  }
.Lfunc_end2:
_tile_overlayer_lowered:
.L_overlay_start_2:
0xa2: {  	(tag) =	ssettag $0x2  }
0xa3: {  	s0 =	rddreg [dreg:$0x0];
	s2 =	stileid.u32  }
0xa4: {  	s1 =	rddreg [dreg:$0x1];
	p0 =	sne.s32 s2, $0x0  }
0xa5: {  	s3 =	rddreg [dreg:$0x2];
	[bflag:$0x3] =	sbarrier.arrive $0xFFFF;
	s2 =	simm.s32 @!p0 $0x1C03  }
0xa6: {  	[timem:s3], [sflag:s2] =	dma.local @!p0 [hbm:s0], s1  }
0xa7: {  	s0 =	simm.s32 @!p0 $0x3  }
0xa8: {  	_ =	swait.ge @!p0 [sflag:s0], s1  }
0xa9: {  	s1 =	ssub.s32 @!p0 $0x0, s1;
	[sflag:s0] =	ssyncset.done @!p0 $0x0  }
0xaa: {  	[sflag:s0] =	ssyncadd.s32 @!p0 s1  }
0xab: {  	[bflag:$0x3] =	sbarrier.arrive $0xFFFF  }
0xac: {  	_ =	shalt  }

// kernel: kernel.7.cloned.1.call-start
scs
__scs_entry_jumppad:
0x0: {  	(pc) =	sbr.rel $0x88, $3  }
0x1: {  	(tag) =	ssettag $0x0;
	lr =	simm.s32 $0x1  }
0x2: {  	[smem:$0x3F99] =	sst lr;
	_ =	strace $0xD0000000  }
0x3: {  	_ = 	snop  }
0x4: {  	_ = 	snop  }
0x5: {  	_ = 	snop  }
0x6: {  	_ = 	snop  }
0x7: {  	_ = 	snop  }
__scs_overlays_trampoline_lowered:
0x8: {  	[smem:$0x3FA8] =	sst s0  }
0x9: {  	[smem:$0x3FA9] =	sst s1  }
0xa: {  	[smem:$0x3FAA] =	sst s2  }
0xb: {  	[smem:$0x3FAB] =	sst s3  }
0xc: {  	[smem:$0x3FAC] =	sst s4  }
0xd: {  	[smem:$0x3FAD] =	sst s5  }
0xe: {  	[smem:$0x3FAE] =	sst s6  }
0xf: {  	[smem:$0x3FAF] =	sst s7  }
0x10: {  	[smem:$0x3FB0] =	sst s8  }
0x11: {  	[smem:$0x3FB1] =	sst s9;
	s0 =	simm.s32 @!p0 $0x0  }
0x12: {  	s1 =	sld [smem:$0x3F97];
	s0 =	simm.s32 @p0 $0x1  }
0x13: {  	[smem:$0x3FB2] =	sst s0;
	s0 =	simm.s32 @!p1 $0x0  }
0x14: {  	s2 =	sld [smem:$0x3F96];
	s0 =	simm.s32 @p1 $0x1  }
0x15: {  	[smem:$0x3FB3] =	sst s0;
	s0 =	simm.s32 @!p2 $0x0  }
0x16: {  	s3 =	sld [smem:$0x3FDB];
	s0 =	simm.s32 @p2 $0x1  }
0x17: {  	s4 =	simm.s32 $0x1BF5;
	[smem:$0x3FB5] =	sst s0  }
0x18: {  	s0 =	sld [smem:$0x3F98];
	_ =	swait.ge [sflag:s4], $0x0  }
0x19: {  	s7 =	sld [smem:$0x3F99]  }
0x1a: {  	s8 =	sadd.s32 $0xFFFFE003, lr  }
0x1b: {  	s9 =	sadd.s32 $0xFFFFFEF7, lr;
	s5 =	simm.s32 $0xFFFFFFFF;
	p2 =	slt.u32 s8, $0xFFFFF086  }
0x1c: {  	p1 =	slt.u32 s9, $0xF7A;
	s5 =	simm.s32 @!p2 $0x0  }
0x1d: {  	s5 =	simm.s32 @p1 $0x1;
	p0 =	seq.s32 s7, s2  }
0x1e: {  	s7 =	smul.u32 @!p0 $0xF7A, s2;
	p2 =	seq.s32 @!p0 s5, $0x0  }
0x1f: {  	s9 =	smul.u32 $0xF7A, s1;
	s8 =	simm.s32 @!p0 $0x1BF5;
	p2 =	por !p2, p0  }
0x20: {  	[sflag:s8] =	ssyncset.s32 @!p0 $0xFFFFF086;
	s6 =	sadd.s32 @!p0 s3, s7;
	s7 =	simm.s32 @!p0 $0x108  }
0x21: {  	s3 =	sadd.s32 s3, s9;
	s6 =	sadd.s32 @!p0 $0x88, s6;
	s7 =	simm.s32 @p2 $0x1082  }
0x22: {  	[simem:s7], [sflag:s8] =	dma.local @!p0 [hbm:s6], $0xF7A  }
0x23: {  	s9 =	sor.u32 $0xD0000000, s2;
	s6 =	simm.s32 $0x108;
	_ =	swait.ge @!p0 [sflag:s8], $0x0  }
0x24: {  	s3 =	sadd.s32 $0x88, s3;
	s6 =	simm.s32 @!p1 $0x1082;
	[sflag:s4] =	ssyncset.s32 $0xFFFFF086  }
0x25: {  	[simem:s6], [sflag:s4] =	dma.local [hbm:s3], $0xF7A  }
0x26: {  	[smem:$0x3F99] =	sst s1;
	(tag) =	ssettag s2;
	_ =	strace s9  }
0x27: {  	s1 =	sld [smem:$0x3FA9]  }
0x28: {  	s2 =	sld [smem:$0x3FAA]  }
0x29: {  	s4 =	sld [smem:$0x3FAC]  }
0x2a: {  	p0 =	seq.s32 s5, $0x0;
	s5 =	sld [smem:$0x3FAD]  }
0x2b: {  	s6 =	sld [smem:$0x3FAE]  }
0x2c: {  	s7 =	sld [smem:$0x3FAF]  }
0x2d: {  	s3 =	simm.s32 $0x108;
	s8 =	sld [smem:$0x3FB0]  }
0x2e: {  	s3 =	simm.s32 @!p0 $0x1082;
	s9 =	sld [smem:$0x3FB1]  }
0x2f: {  	lr =	sadd.s32 s0, s3;
	s0 =	sld [smem:$0x3FA8]  }
0x30: {  	s3 =	sld [smem:$0x3FAB]  }
0x31: {  	[smem:$0x3FB4] =	sst s10  }
0x32: {  	s10 =	sld [smem:$0x3FB2];
	_ =	sdelay $0x3  }
0x33: {  	p0 =	seq.s32 s10, $0x1;
	s10 =	sld [smem:$0x3FB4];
	_ =	sdelay $0x3  }
0x34: {  	[smem:$0x3FB4] =	sst s10  }
0x35: {  	s10 =	sld [smem:$0x3FB3];
	_ =	sdelay $0x3  }
0x36: {  	p1 =	seq.s32 s10, $0x1;
	s10 =	sld [smem:$0x3FB4];
	_ =	sdelay $0x3  }
0x37: {  	[smem:$0x3FB4] =	sst s10  }
0x38: {  	s10 =	sld [smem:$0x3FB5]  }
0x39: {  	_ = 	snop;
	(pc) =	sbr.ind lr, $3  }
0x3a: {  	_ = 	snop  }
0x3b: {  	_ = 	snop  }
0x3c: {  	p2 =	seq.s32 s10, $0x1;
	s10 =	sld [smem:$0x3FB4]  }
0x3d: {  	_ =	shalt  }
0x3e: {  	_ =	shalt  }
0x3f: {  	_ =	shalt  }
0x40: {  	_ =	shalt  }
0x41: {  	_ =	shalt  }
0x42: {  	_ =	shalt  }
0x43: {  	_ =	shalt  }
0x44: {  	_ =	shalt  }
0x45: {  	_ =	shalt  }
0x46: {  	_ =	shalt  }
0x47: {  	_ =	shalt  }
0x48: {  	_ =	shalt  }
0x49: {  	_ =	shalt  }
0x4a: {  	_ =	shalt  }
0x4b: {  	_ =	shalt  }
0x4c: {  	_ =	shalt  }
0x4d: {  	_ =	shalt  }
0x4e: {  	_ =	shalt  }
0x4f: {  	_ =	shalt  }
0x50: {  	_ =	shalt  }
0x51: {  	_ =	shalt  }
0x52: {  	_ =	shalt  }
0x53: {  	_ =	shalt  }
0x54: {  	_ =	shalt  }
0x55: {  	_ =	shalt  }
0x56: {  	_ =	shalt  }
0x57: {  	_ =	shalt  }
0x58: {  	_ =	shalt  }
0x59: {  	_ =	shalt  }
0x5a: {  	_ =	shalt  }
0x5b: {  	_ =	shalt  }
0x5c: {  	_ =	shalt  }
0x5d: {  	_ =	shalt  }
0x5e: {  	_ =	shalt  }
0x5f: {  	_ =	shalt  }
0x60: {  	_ =	shalt  }
0x61: {  	_ =	shalt  }
0x62: {  	_ =	shalt  }
0x63: {  	_ =	shalt  }
0x64: {  	_ =	shalt  }
0x65: {  	_ =	shalt  }
0x66: {  	_ =	shalt  }
0x67: {  	_ =	shalt  }
0x68: {  	_ =	shalt  }
0x69: {  	_ =	shalt  }
0x6a: {  	_ =	shalt  }
0x6b: {  	_ =	shalt  }
0x6c: {  	_ =	shalt  }
0x6d: {  	_ =	shalt  }
0x6e: {  	_ =	shalt  }
0x6f: {  	_ =	shalt  }
0x70: {  	_ =	shalt  }
0x71: {  	_ =	shalt  }
0x72: {  	_ =	shalt  }
0x73: {  	_ =	shalt  }
0x74: {  	_ =	shalt  }
0x75: {  	_ =	shalt  }
0x76: {  	_ =	shalt  }
0x77: {  	_ =	shalt  }
0x78: {  	_ =	shalt  }
0x79: {  	_ =	shalt  }
0x7a: {  	_ =	shalt  }
0x7b: {  	_ =	shalt  }
0x7c: {  	_ =	shalt  }
0x7d: {  	_ =	shalt  }
0x7e: {  	_ =	shalt  }
0x7f: {  	_ =	shalt  }
0x80: {  	_ =	shalt  }
0x81: {  	_ =	shalt  }
0x82: {  	_ =	shalt  }
0x83: {  	_ =	shalt  }
0x84: {  	_ =	shalt  }
0x85: {  	_ =	shalt  }
0x86: {  	_ =	shalt  }
0x87: {  	_ =	shalt  }
.Lfunc_end0:
.L_simem_size_0:
called_computation_lowered:
.L_overlay_start_0:
0x88: {  	s2 =	sld [smem:$0x3FD9]  }
0x89: {  	s3 =	sld [smem:$0x3FFE];
	_ =	sdelay $0x1  }
0x8a: {  	s1 =	srdreg.scid  }
0x8b: {  	s0 =	sand.u32 $0x1, s1  }
0x8c: {  	s17 =	sshll.u32 s0, $0xA;
	s2 =	sadd.s32 s3, s2  }
0x8d: {  	s2 =	sadd.s32 s2, s17  }
0x8e: {  	[smem:$0x3FC0] =	sst s2  }
0x8f: {  	_ = 	snop  }
0x90: {  	s2 =	sld [smem:$0x3FD0];
	(tm) =	ssettm $0x1  }
0x91: {  	s18 =	sld [smem:$0x3FFB];
	_ =	sdelay $0x3  }
0x92: {  	_ =	strace s18  }
0x93: {  	s3 =	sld [smem:$0x3FFC];
	_ =	sdelay $0x3  }
0x94: {  	_ =	strace s3  }
0x95: {  	s3 =	sld [smem:$0x3FFD];
	_ =	sdelay $0x3  }
0x96: {  	_ =	strace s3  }
0x97: {  	_ =	strace $0x8FFFFFFF  }
0x98: {  	s19 =	sld [smem:$0x3FDB];
	_ =	sdelay $0x1  }
0x99: {  	s4 =	simm.s32 $_scs_section_size  }
0x9a: {  	s5 =	simm.s32 $_size__tile_overlayer_lowered;
	s6 =	simm.s32 $_tile_overlayer_lowered  }
0x9b: {  	s22 =	simm.s32 $0x1BFF;
	s21 =	sshll.u32 s6, $0x1;
	s3 =	sadd.s32 s4, s19  }
0x9c: {  	s7 =	simm.s32 $0x0;
	s20 =	sshll.u32 s5, $0x1;
	s5 =	sadd.s32 s21, s3  }
0x9d: {  	[timem:s7], [sflag:s22] =	dma.local [hbm:s5], s20  }
0x9e: {  	_ =	swait.ge [sflag:s22], s20  }
0x9f: {  	s4 =	ssub.s32 $0x0, s20;
	[sflag:s22] =	ssyncset.done $0x0  }
0xa0: {  	[sflag:s22] =	ssyncadd.s32 s4;
	_ =	sdelay $0x1  }
0xa1: {  	s23 =	simm.s32 $0x1B8B  }
0xa2: {  	_ =	swait.ge [sflag:s23], $0x1  }
0xa3: {  	[sflag:s23] =	ssyncset.done $0x0  }
0xa4: {  	s25 =	simm.s32 $0x1B8E;
	s24 =	sld [smem:$0x3FFE];
	[sflag:s23] =	ssyncadd.s32 $0xFFFFFFFF  }
0xa5: {  	s26 =	simm.s32 $execute0_lowered;
	[smem:$0x3FD2] =	sst s25  }
0xa6: {  	s5 =	sshll.u32 s26, $0x1;
	_ =	strace $0x80000046;
	[dreg:$0x1] =	wrdreg $0xFFFFFFFF  }
0xa7: {  	s28 =	simm.s32 $_size_execute0_lowered;
	s3 =	sadd.s32 s3, s5;
	[dreg:$0x0] =	wrdreg $0x0  }
0xa8: {  	s5 =	sshll.u32 s28, $0x1;
	[dreg:$0x2] =	wrdreg s3  }
0xa9: {  	[dreg:$0x3] =	wrdreg s5  }
0xaa: {  	[dreg:$0x4] =	wrdreg $0xC0  }
0xab: {  	_ =	task [dreg:s7], $0x5FFFF  }
0xac: {  	[dreg:$0x1] =	wrdreg $0xFFFFFFFF  }
0xad: {  	[dreg:$0x0] =	wrdreg $0x60  }
0xae: {  	[dreg:$0x2] =	wrdreg s24  }
0xaf: {  	[dreg:$0x3] =	wrdreg s2  }
0xb0: {  	[dreg:$0x4] =	wrdreg $0xFF800  }
0xb1: {  	[dreg:$0x5] =	wrdreg $0x127000  }
0xb2: {  	[dreg:$0x6] =	wrdreg $0x1AE800  }
0xb3: {  	[dreg:$0x7] =	wrdreg $0x9  }
0xb4: {  	_ =	task.clear_ibuf [dreg:s7], $0x8FFFF;
	_ =	strace $0x90000046  }
0xb5: {  	s29 =	simm.s32 $0x9;
	_ =	strace $0x80000048  }
0xb6: {  	_ =	swait.ge [sflag:s29], $0x1  }
0xb7: {  	[sflag:s29] =	ssyncadd.s32 $0xFFFFFFFF  }
0xb8: {  	_ =	strace $0x90000048  }
0xb9: {  	_ =	sfence  }
0xba: {  	s30 =	sld [smem:$0x0];
	_ =	sdelay $0x2  }
0xbb: {  	s31 =	sshll.u32 s1, $0xD;
	s1 =	sshrl.u32 s1, $0x2  }
0xbc: {  	s3 =	sand.u32 $0x4000, s31;
	s1 =	sadd.s32 s1, s30  }
0xbd: {  	s0 =	sor.u32 s3, s0;
	s1 =	sshll.u32 s1, $0x11  }
0xbe: {  	s0 =	sor.u32 s1, s0  }
0xbf: {  	s0 =	sadd.s32 $0x8F2B, s0  }
0xc0: {  	[sflag:s0] =	ssyncadd.remote.s32 $0x1  }
0xc1: {  	_ =	sfence.sel $0xFFFF  }
0xc2: {  	[dreg:$0x0] =	wrdreg $0xFFFFFFFF;
	(pc) =	sbr.abs _section_cstart, $3  }
0xc3: {  	[dreg:$0x1] =	wrdreg $0xFFFFFFFF  }
0xc4: {  	_ =	task.clear_ibuf [dreg:s7], $0x2FFFF;
	_ =	strace $0x9FFFFFFF  }
0xc5: {  	(tm) =	ssettm $0x7FFFFFFF  }
tec
execute0_lowered:
.L_overlay_start_1:
0x0: {  	(tag) =	ssettag $0x1  }
0x1: {  	s0 =	rddreg [dreg:$0x0]  }
0x2: {  	s1 =	rddreg [dreg:$0x1]  }
0x3: {  	s2 =	rddreg [dreg:$0x2]  }
0x4: {  	s3 =	rddreg [dreg:$0x3]  }
0x5: {  	s4 =	rddreg [dreg:$0x4];
	s15 =	stileid.u32  }
0x6: {  	s5 =	simm.s32 $0x0;
	s7 =	srdreg.scid;
	s29 =	simm.s32 $0x4  }
0x7: {  	s30 =	simm.s32 $0xD800;
	s31 =	simm.s32 $0x600;
	s6 =	smul.u32 $0x2780, s15  }
0x8: {  	s7 =	sand.u32 $0x1, s7;
	s8 =	sshll.u32 s15, $0x1;
	s9 =	smul.u32 $0x278, s15  }
0x9: {  	[smem:$0x7FF] =	sst s5;
	s18 =	sshll.u32 s15, $0x6;
	s15 =	simm.s32 $0x0  }
0xa: {  	s8 =	sor.u32 s7, s8;
	s10 =	smul.u32 $0x2780, s7;
	_ =	strace $0x80000047  }
0xb: {  	s7 =	ssub.s32 $0x2, s7;
	s11 =	sshrl.u32 s6, $0x3;
	s8 =	smul.u32 $0x2710, s8  }
0xc: {  	s16 =	sshrl.u32 s7, $0x1;
	s14 =	sadd.s32 s6, s2;
	s11 =	sadd.s32 s11, s0  }
0xd: {  	s9 =	sadd.s32 s9, s10;
	s13 =	ssub.s32 s7, s16;
	s8 =	sshrl.u32 s8, $0x3  }
0xe: {  	s7 =	sor.u32 $0x1C04, s18;
	s17 =	sadd.s32 $0x16400, s11;
	s12 =	sadd.s32 s8, s0  }
0xf: {  	s28 =	sshrl.u32 s14, $0x3;
	[dreg:$0x6] =	wrdreg s17;
	s19 =	sadd.s32 $0x2A00, s12  }
0x10: {  	s14 =	simm.s32 $0x2;
	s20 =	sadd.s32 $0xC640, s12;
	[dreg:$0x7] =	wrdreg s19  }
0x11: {  	s10 =	sshll.u32 s9, $0x1;
	s21 =	sadd.s32 $0x2AC0, s12;
	[dreg:$0x8] =	wrdreg s20  }
0x12: {  	s9 =	sadd.s32 s6, s4;
	s22 =	sadd.s32 $0xC700, s12;
	[dreg:$0x9] =	wrdreg s21  }
0x13: {  	s11 =	simm.s32 $0x1;
	s23 =	sadd.s32 $0x2B80, s12;
	[dreg:$0xa] =	wrdreg s22  }
0x14: {  	s0 =	sadd.s32 s10, s0;
	s24 =	sadd.s32 $0xC7C0, s12;
	[dreg:$0xb] =	wrdreg s23  }
0x15: {  	s8 =	sadd.s32 s6, s3;
	s25 =	sadd.s32 $0x2C40, s12;
	[dreg:$0xc] =	wrdreg s24  }
0x16: {  	s6 =	simm.s32 $0x7800;
	s26 =	sadd.s32 $0xC880, s12;
	[dreg:$0xd] =	wrdreg s25  }
0x17: {  	s18 =	sadd.s32 $0x2D00, s12;
	[dreg:$0xe] =	wrdreg s26;
	s19 =	sadd.s32 $0xC940, s12  }
0x18: {  	s20 =	sadd.s32 s1, s10;
	s21 =	sadd.s32 $0x2DC0, s12;
	s22 =	sadd.s32 $0xCA00, s12  }
0x19: {  	s23 =	sadd.s32 $0x2E80, s12;
	s24 =	sadd.s32 $0xCAC0, s12;
	s25 =	sadd.s32 $0x1B400, s0  }
0x1a: {  	v0 =	vimm.f32 $0.0e+00;
	s26 =	smax.u32 s13, $0x1;
	s0 =	simm.s32 $0x1800;
	s1 =	simm.s32 $0xC00  }
0x1b: {  	v1 =	vimm.f32 $1.000000000e+00;
	v2 =	vimm.s32 $0x0;
	v3 =	vimm.s32 $0x2710;
	s10 =	simm.s32 $0x1200;
	s12 =	simm.s32 $0x14E80;
	s13 =	simm.s32 $0x3  }
.LBB2_1:
0x1c: {  	s16 =	rddreg [dreg:$0x6]  }
0x1d: {  	[spmem:s28], [sflag:s7] =	dma.local [hbm:s16], $0x4F0  }
0x1e: {  	_ =	swait.ge [sflag:s29], $0x4F0  }
0x1f: {  	[sflag:s29] =	ssyncset.done $0x0  }
0x20: {  	s17 =	simm.s32 $0x0;
	s16 =	simm.s32 $0x40;
	[sflag:s29] =	ssyncadd.s32 $0xFFFFFB10  }
.LBB2_2:
0x21: {  	p0 =	sne.s32 s16, $0x9DC0;
	[tilespmem:s17+$0xD800] =	vst v0;
	s17 =	smov.u32 s16;
	s16 =	sadd.s32 $0x40, s16  }
.Ltmp0:
0x22: {  	(pc) =	sbr.rel @p0 .LBB2_2-.Ltmp0, $2  }
0x23: {  	_ =	sdelay $0x2  }
0x24: {  	s17 =	sshra.s32 s17, $0x2  }
0x25: {  	[tilespmem:s17+$0xD800] =	vst v0  }
0x26: {  	[spmem:s8] =	stream.linear.scatter [tilespmem:s30], [sflag:$0x4], $0x2780, $0x38;
	[tilespmem:$0x1D600] =	vst v63  }
0x27: {  	_ =	swait.ge [sflag:s29], $0x2780  }
0x28: {  	[sflag:s29] =	ssyncset.done $0x0  }
0x29: {  	[sflag:s29] =	ssyncadd.s32 $0xFFFFD880  }
0x2a: {  	[spmem:s9] =	stream.linear.scatter [tilespmem:s30], [sflag:$0x4], $0x2780, $0x38;
	[tilespmem:$0x1D600] =	vst v63  }
0x2b: {  	_ =	swait.ge [sflag:s29], $0x2780  }
0x2c: {  	[sflag:s29] =	ssyncset.done $0x0  }
0x2d: {  	s16 =	simm.s32 $0x40;
	s17 =	simm.s32 $0x0;
	[sflag:s29] =	ssyncadd.s32 $0xFFFFD880  }
.LBB2_4:
0x2e: {  	p0 =	sne.s32 s16, $0x17FC0;
	[tilespmem:s17+$0x14E80] =	vst v1;
	s17 =	smov.u32 s16;
	s16 =	sadd.s32 $0x40, s16  }
.Ltmp1:
0x2f: {  	(pc) =	sbr.rel @p0 .LBB2_4-.Ltmp1, $2  }
0x30: {  	_ =	sdelay $0x2  }
0x31: {  	s17 =	sshra.s32 s17, $0x2  }
0x32: {  	[tilespmem:s17+$0x14E80] =	vst v1  }
0x33: {  	[bflag:$0x0] =	sbarrier.arrive $0xFFFF  }
0x34: {  	s16 =	rddreg [dreg:$0x7]  }
0x35: {  	[tilespmem:s5], [sflag:$0x4] =	stream.linear.gather [hbm4b:s16+s5], $0x600, $0x38;
	[tilespmem:$0x1D600] =	vst v63  }
0x36: {  	_ =	swait.ge [sflag:s29], $0x600  }
0x37: {  	[sflag:s29] =	ssyncset.done $0x0  }
0x38: {  	[sflag:s29] =	ssyncadd.s32 $0xFFFFFA00  }
0x39: {  	[tilespmem:s0], [sflag:$0x1] =	stream.indirect.gather [spmem:s2], $0x10, s5, s31, $0xb8;
	[tilespmem:$0x1D600] =	vst v63  }
0x3a: {  	s17 =	rddreg [dreg:$0x8]  }
0x3b: {  	[tilespmem:s1], [sflag:$0x4] =	stream.linear.gather [hbm4b:s17+s5], $0x600, $0x38;
	[tilespmem:$0x1D600] =	vst v63  }
0x3c: {  	_ =	swait.ge [sflag:s29], $0x600  }
0x3d: {  	[sflag:s29] =	ssyncset.done $0x0  }
0x3e: {  	s17 =	rddreg [dreg:$0x9];
	[sflag:s29] =	ssyncadd.s32 $0xFFFFFA00  }
0x3f: {  	[tilespmem:s31], [sflag:$0x4] =	stream.linear.gather [hbm4b:s17+s5], $0x600, $0x38;
	[tilespmem:$0x1D600] =	vst v63  }
0x40: {  	_ =	swait.ge [sflag:s29], $0x600  }
0x41: {  	[sflag:s29] =	ssyncset.done $0x0  }
0x42: {  	[sflag:s29] =	ssyncadd.s32 $0xFFFFFA00  }
0x43: {  	[tilespmem:s6], [sflag:$0x2] =	stream.indirect.gather [spmem:s2], $0x10, s31, s31, $0xb8;
	[tilespmem:$0x1D600] =	vst v63  }
0x44: {  	s17 =	rddreg [dreg:$0xa]  }
0x45: {  	[tilespmem:s10], [sflag:$0x4] =	stream.linear.gather [hbm4b:s17+s5], $0x600, $0x38;
	[tilespmem:$0x1D600] =	vst v63  }
0x46: {  	_ =	swait.ge [sflag:s29], $0x600  }
0x47: {  	[sflag:s29] =	ssyncset.done $0x0  }
0x48: {  	[sflag:s29] =	ssyncadd.s32 $0xFFFFFA00  }
0x49: {  	_ =	swait.ge [sflag:s11], $0x6000  }
0x4a: {  	[sflag:s11] =	ssyncset.done $0x0  }
0x4b: {  	[sflag:s11] =	ssyncadd.s32 $0xFFFFA000  }
0x4c: {  	[spmem:s4] =	stream.indirect.scatter.add.f32 [tilespmem:s12], [sflag:$0x3], $0x10, s1, s31, $0xb8;
	[tilespmem:$0x1D600] =	vst v63  }
0x4d: {  	_ = 	snop  }
0x4e: {  	[spmem:s3] =	stream.indirect.scatter.add.f32 [tilespmem:s0], [sflag:$0x4], $0x10, s1, s31, $0xb8;
	[tilespmem:$0x1D600] =	vst v63  }
0x4f: {  	_ =	swait.ge [sflag:s29], $0x6000  }
0x50: {  	[sflag:s29] =	ssyncset.done $0x0  }
0x51: {  	[sflag:s29] =	ssyncadd.s32 $0xFFFFA000  }
0x52: {  	_ =	swait.ge [sflag:s13], $0x6000  }
0x53: {  	[sflag:s13] =	ssyncset.done $0x0  }
0x54: {  	s17 =	rddreg [dreg:$0xb];
	[sflag:s13] =	ssyncadd.s32 $0xFFFFA000  }
0x55: {  	[tilespmem:s5], [sflag:$0x4] =	stream.linear.gather [hbm4b:s17+s5], $0x600, $0x38;
	[tilespmem:$0x1D600] =	vst v63  }
0x56: {  	_ =	swait.ge [sflag:s29], $0x600  }
0x57: {  	[sflag:s29] =	ssyncset.done $0x0  }
0x58: {  	[sflag:s29] =	ssyncadd.s32 $0xFFFFFA00  }
0x59: {  	[tilespmem:s0], [sflag:$0x1] =	stream.indirect.gather [spmem:s2], $0x10, s5, s31, $0xb8;
	[tilespmem:$0x1D600] =	vst v63  }
0x5a: {  	s17 =	rddreg [dreg:$0xc]  }
0x5b: {  	[tilespmem:s1], [sflag:$0x4] =	stream.linear.gather [hbm4b:s17+s5], $0x600, $0x38;
	[tilespmem:$0x1D600] =	vst v63  }
0x5c: {  	_ =	swait.ge [sflag:s29], $0x600  }
0x5d: {  	[sflag:s29] =	ssyncset.done $0x0  }
0x5e: {  	[sflag:s29] =	ssyncadd.s32 $0xFFFFFA00  }
0x5f: {  	_ =	swait.ge [sflag:s14], $0x6000  }
0x60: {  	[sflag:s14] =	ssyncset.done $0x0  }
0x61: {  	[sflag:s14] =	ssyncadd.s32 $0xFFFFA000  }
0x62: {  	[spmem:s4] =	stream.indirect.scatter.add.f32 [tilespmem:s12], [sflag:$0x3], $0x10, s10, s31, $0xb8;
	[tilespmem:$0x1D600] =	vst v63  }
0x63: {  	_ = 	snop  }
0x64: {  	[spmem:s3] =	stream.indirect.scatter.add.f32 [tilespmem:s6], [sflag:$0x4], $0x10, s10, s31, $0xb8;
	[tilespmem:$0x1D600] =	vst v63  }
0x65: {  	_ =	swait.ge [sflag:s29], $0x6000  }
0x66: {  	[sflag:s29] =	ssyncset.done $0x0  }
0x67: {  	[sflag:s29] =	ssyncadd.s32 $0xFFFFA000  }
0x68: {  	_ =	swait.ge [sflag:s13], $0x6000  }
0x69: {  	[sflag:s13] =	ssyncset.done $0x0  }
0x6a: {  	s17 =	rddreg [dreg:$0xd];
	[sflag:s13] =	ssyncadd.s32 $0xFFFFA000  }
0x6b: {  	[tilespmem:s31], [sflag:$0x4] =	stream.linear.gather [hbm4b:s17+s5], $0x600, $0x38;
	[tilespmem:$0x1D600] =	vst v63  }
0x6c: {  	_ =	swait.ge [sflag:s29], $0x600  }
0x6d: {  	[sflag:s29] =	ssyncset.done $0x0  }
0x6e: {  	[sflag:s29] =	ssyncadd.s32 $0xFFFFFA00  }
0x6f: {  	[tilespmem:s6], [sflag:$0x2] =	stream.indirect.gather [spmem:s2], $0x10, s31, s31, $0xb8;
	[tilespmem:$0x1D600] =	vst v63  }
0x70: {  	s17 =	rddreg [dreg:$0xe]  }
0x71: {  	[tilespmem:s10], [sflag:$0x4] =	stream.linear.gather [hbm4b:s17+s5], $0x600, $0x38;
	[tilespmem:$0x1D600] =	vst v63  }
0x72: {  	_ =	swait.ge [sflag:s29], $0x600  }
0x73: {  	[sflag:s29] =	ssyncset.done $0x0  }
0x74: {  	[sflag:s29] =	ssyncadd.s32 $0xFFFFFA00  }
0x75: {  	_ =	swait.ge [sflag:s11], $0x6000  }
0x76: {  	[sflag:s11] =	ssyncset.done $0x0  }
0x77: {  	[sflag:s11] =	ssyncadd.s32 $0xFFFFA000  }
0x78: {  	[spmem:s4] =	stream.indirect.scatter.add.f32 [tilespmem:s12], [sflag:$0x3], $0x10, s1, s31, $0xb8;
	[tilespmem:$0x1D600] =	vst v63  }
0x79: {  	_ = 	snop  }
0x7a: {  	[spmem:s3] =	stream.indirect.scatter.add.f32 [tilespmem:s0], [sflag:$0x4], $0x10, s1, s31, $0xb8;
	[tilespmem:$0x1D600] =	vst v63  }
0x7b: {  	_ =	swait.ge [sflag:s29], $0x6000  }
0x7c: {  	[sflag:s29] =	ssyncset.done $0x0  }
0x7d: {  	[sflag:s29] =	ssyncadd.s32 $0xFFFFA000  }
0x7e: {  	_ =	swait.ge [sflag:s13], $0x6000  }
0x7f: {  	[sflag:s13] =	ssyncset.done $0x0  }
0x80: {  	[sflag:s13] =	ssyncadd.s32 $0xFFFFA000  }
0x81: {  	[tilespmem:s5], [sflag:$0x4] =	stream.linear.gather [hbm4b:s18+s5], $0x600, $0x38;
	[tilespmem:$0x1D600] =	vst v63  }
0x82: {  	_ =	swait.ge [sflag:s29], $0x600  }
0x83: {  	[sflag:s29] =	ssyncset.done $0x0  }
0x84: {  	[sflag:s29] =	ssyncadd.s32 $0xFFFFFA00  }
0x85: {  	[tilespmem:s0], [sflag:$0x1] =	stream.indirect.gather [spmem:s2], $0x10, s5, s31, $0xb8;
	[tilespmem:$0x1D600] =	vst v63  }
0x86: {  	_ = 	snop  }
0x87: {  	[tilespmem:s1], [sflag:$0x4] =	stream.linear.gather [hbm4b:s19+s5], $0x600, $0x38;
	[tilespmem:$0x1D600] =	vst v63  }
0x88: {  	_ =	swait.ge [sflag:s29], $0x600  }
0x89: {  	[sflag:s29] =	ssyncset.done $0x0  }
0x8a: {  	[sflag:s29] =	ssyncadd.s32 $0xFFFFFA00  }
0x8b: {  	_ =	swait.ge [sflag:s14], $0x6000  }
0x8c: {  	[sflag:s14] =	ssyncset.done $0x0  }
0x8d: {  	[sflag:s14] =	ssyncadd.s32 $0xFFFFA000  }
0x8e: {  	[spmem:s4] =	stream.indirect.scatter.add.f32 [tilespmem:s12], [sflag:$0x3], $0x10, s10, s31, $0xb8;
	[tilespmem:$0x1D600] =	vst v63  }
0x8f: {  	_ = 	snop  }
0x90: {  	[spmem:s3] =	stream.indirect.scatter.add.f32 [tilespmem:s6], [sflag:$0x4], $0x10, s10, s31, $0xb8;
	[tilespmem:$0x1D600] =	vst v63  }
0x91: {  	_ =	swait.ge [sflag:s29], $0x6000  }
0x92: {  	[sflag:s29] =	ssyncset.done $0x0  }
0x93: {  	[sflag:s29] =	ssyncadd.s32 $0xFFFFA000  }
0x94: {  	_ =	swait.ge [sflag:s13], $0x6000  }
0x95: {  	[sflag:s13] =	ssyncset.done $0x0  }
0x96: {  	[sflag:s13] =	ssyncadd.s32 $0xFFFFA000  }
0x97: {  	[tilespmem:s31], [sflag:$0x4] =	stream.linear.gather [hbm4b:s21+s5], $0x600, $0x38;
	[tilespmem:$0x1D600] =	vst v63  }
0x98: {  	_ =	swait.ge [sflag:s29], $0x600  }
0x99: {  	[sflag:s29] =	ssyncset.done $0x0  }
0x9a: {  	[sflag:s29] =	ssyncadd.s32 $0xFFFFFA00  }
0x9b: {  	[tilespmem:s6], [sflag:$0x2] =	stream.indirect.gather [spmem:s2], $0x10, s31, s31, $0xb8;
	[tilespmem:$0x1D600] =	vst v63  }
0x9c: {  	_ = 	snop  }
0x9d: {  	[tilespmem:s10], [sflag:$0x4] =	stream.linear.gather [hbm4b:s22+s5], $0x600, $0x38;
	[tilespmem:$0x1D600] =	vst v63  }
0x9e: {  	_ =	swait.ge [sflag:s29], $0x600  }
0x9f: {  	[sflag:s29] =	ssyncset.done $0x0  }
0xa0: {  	[sflag:s29] =	ssyncadd.s32 $0xFFFFFA00  }
0xa1: {  	_ =	swait.ge [sflag:s11], $0x6000  }
0xa2: {  	[sflag:s11] =	ssyncset.done $0x0  }
0xa3: {  	[sflag:s11] =	ssyncadd.s32 $0xFFFFA000  }
0xa4: {  	[spmem:s4] =	stream.indirect.scatter.add.f32 [tilespmem:s12], [sflag:$0x3], $0x10, s1, s31, $0xb8;
	[tilespmem:$0x1D600] =	vst v63  }
0xa5: {  	_ = 	snop  }
0xa6: {  	[spmem:s3] =	stream.indirect.scatter.add.f32 [tilespmem:s0], [sflag:$0x4], $0x10, s1, s31, $0xb8;
	[tilespmem:$0x1D600] =	vst v63  }
0xa7: {  	_ =	swait.ge [sflag:s29], $0x6000  }
0xa8: {  	[sflag:s29] =	ssyncset.done $0x0  }
0xa9: {  	[sflag:s29] =	ssyncadd.s32 $0xFFFFA000  }
0xaa: {  	_ =	swait.ge [sflag:s13], $0x6000  }
0xab: {  	[sflag:s13] =	ssyncset.done $0x0  }
0xac: {  	[sflag:s13] =	ssyncadd.s32 $0xFFFFA000  }
0xad: {  	[tilespmem:s5], [sflag:$0x4] =	stream.linear.gather [hbm4b:s23+s5], $0x310, $0x38;
	[tilespmem:$0x1D600] =	vst v63  }
0xae: {  	_ =	swait.ge [sflag:s29], $0x310  }
0xaf: {  	[sflag:s29] =	ssyncset.done $0x0  }
0xb0: {  	[sflag:s29] =	ssyncadd.s32 $0xFFFFFCF0  }
0xb1: {  	[tilespmem:$0x310] =	vst v2  }
0xb2: {  	[tilespmem:$0x320] =	vst v2  }
0xb3: {  	[tilespmem:$0x330] =	vst v2  }
0xb4: {  	[tilespmem:$0x340] =	vst v2  }
0xb5: {  	[tilespmem:$0x350] =	vst v2  }
0xb6: {  	[tilespmem:$0x360] =	vst v2  }
0xb7: {  	[tilespmem:$0x370] =	vst v2  }
0xb8: {  	[tilespmem:$0x380] =	vst v2  }
0xb9: {  	[tilespmem:$0x390] =	vst v2  }
0xba: {  	[tilespmem:$0x3A0] =	vst v2  }
0xbb: {  	[tilespmem:$0x3B0] =	vst v2  }
0xbc: {  	[tilespmem:$0x3C0] =	vst v2  }
0xbd: {  	[tilespmem:$0x3D0] =	vst v2  }
0xbe: {  	[tilespmem:$0x3E0] =	vst v2  }
0xbf: {  	[tilespmem:$0x3F0] =	vst v2  }
0xc0: {  	[tilespmem:$0x400] =	vst v2  }
0xc1: {  	[tilespmem:$0x410] =	vst v2  }
0xc2: {  	[tilespmem:$0x420] =	vst v2  }
0xc3: {  	[tilespmem:$0x430] =	vst v2  }
0xc4: {  	[tilespmem:$0x440] =	vst v2  }
0xc5: {  	[tilespmem:$0x450] =	vst v2  }
0xc6: {  	[tilespmem:$0x460] =	vst v2  }
0xc7: {  	[tilespmem:$0x470] =	vst v2  }
0xc8: {  	[tilespmem:$0x480] =	vst v2  }
0xc9: {  	[tilespmem:$0x490] =	vst v2  }
0xca: {  	[tilespmem:$0x4A0] =	vst v2  }
0xcb: {  	[tilespmem:$0x4B0] =	vst v2  }
0xcc: {  	[tilespmem:$0x4C0] =	vst v2  }
0xcd: {  	[tilespmem:$0x4D0] =	vst v2  }
0xce: {  	[tilespmem:$0x4E0] =	vst v2  }
0xcf: {  	[tilespmem:$0x4F0] =	vst v2  }
0xd0: {  	[tilespmem:$0x500] =	vst v2  }
0xd1: {  	[tilespmem:$0x510] =	vst v2  }
0xd2: {  	[tilespmem:$0x520] =	vst v2  }
0xd3: {  	[tilespmem:$0x530] =	vst v2  }
0xd4: {  	[tilespmem:$0x540] =	vst v2  }
0xd5: {  	[tilespmem:$0x550] =	vst v2  }
0xd6: {  	[tilespmem:$0x560] =	vst v2  }
0xd7: {  	[tilespmem:$0x570] =	vst v2  }
0xd8: {  	[tilespmem:$0x580] =	vst v2  }
0xd9: {  	[tilespmem:$0x590] =	vst v2  }
0xda: {  	[tilespmem:$0x5A0] =	vst v2  }
0xdb: {  	[tilespmem:$0x5B0] =	vst v2  }
0xdc: {  	[tilespmem:$0x5C0] =	vst v2  }
0xdd: {  	[tilespmem:$0x5D0] =	vst v2  }
0xde: {  	[tilespmem:$0x5E0] =	vst v2  }
0xdf: {  	[tilespmem:$0x5F0] =	vst v2  }
0xe0: {  	[tilespmem:s0], [sflag:$0x1] =	stream.indirect.gather [spmem:s2], $0x10, s5, s31, $0xb8;
	[tilespmem:$0x1D600] =	vst v63  }
0xe1: {  	_ = 	snop  }
0xe2: {  	[tilespmem:s1], [sflag:$0x4] =	stream.linear.gather [hbm4b:s24+s5], $0x310, $0x38;
	[tilespmem:$0x1D600] =	vst v63  }
0xe3: {  	_ =	swait.ge [sflag:s29], $0x310  }
0xe4: {  	[sflag:s29] =	ssyncset.done $0x0  }
0xe5: {  	[sflag:s29] =	ssyncadd.s32 $0xFFFFFCF0  }
0xe6: {  	[tilespmem:$0xF10] =	vst v3  }
0xe7: {  	[tilespmem:$0xF20] =	vst v3  }
0xe8: {  	[tilespmem:$0xF30] =	vst v3  }
0xe9: {  	[tilespmem:$0xF40] =	vst v3  }
0xea: {  	[tilespmem:$0xF50] =	vst v3  }
0xeb: {  	[tilespmem:$0xF60] =	vst v3  }
0xec: {  	[tilespmem:$0xF70] =	vst v3  }
0xed: {  	[tilespmem:$0xF80] =	vst v3  }
0xee: {  	[tilespmem:$0xF90] =	vst v3  }
0xef: {  	[tilespmem:$0xFA0] =	vst v3  }
0xf0: {  	[tilespmem:$0xFB0] =	vst v3  }
0xf1: {  	[tilespmem:$0xFC0] =	vst v3  }
0xf2: {  	[tilespmem:$0xFD0] =	vst v3  }
0xf3: {  	[tilespmem:$0xFE0] =	vst v3  }
0xf4: {  	[tilespmem:$0xFF0] =	vst v3  }
0xf5: {  	[tilespmem:$0x1000] =	vst v3  }
0xf6: {  	[tilespmem:$0x1010] =	vst v3  }
0xf7: {  	[tilespmem:$0x1020] =	vst v3  }
0xf8: {  	[tilespmem:$0x1030] =	vst v3  }
0xf9: {  	[tilespmem:$0x1040] =	vst v3  }
0xfa: {  	[tilespmem:$0x1050] =	vst v3  }
0xfb: {  	[tilespmem:$0x1060] =	vst v3  }
0xfc: {  	[tilespmem:$0x1070] =	vst v3  }
0xfd: {  	[tilespmem:$0x1080] =	vst v3  }
0xfe: {  	[tilespmem:$0x1090] =	vst v3  }
0xff: {  	[tilespmem:$0x10A0] =	vst v3  }
0x100: {  	[tilespmem:$0x10B0] =	vst v3  }
0x101: {  	[tilespmem:$0x10C0] =	vst v3  }
0x102: {  	[tilespmem:$0x10D0] =	vst v3  }
0x103: {  	[tilespmem:$0x10E0] =	vst v3  }
0x104: {  	[tilespmem:$0x10F0] =	vst v3  }
0x105: {  	[tilespmem:$0x1100] =	vst v3  }
0x106: {  	[tilespmem:$0x1110] =	vst v3  }
0x107: {  	[tilespmem:$0x1120] =	vst v3  }
0x108: {  	[tilespmem:$0x1130] =	vst v3  }
0x109: {  	[tilespmem:$0x1140] =	vst v3  }
0x10a: {  	[tilespmem:$0x1150] =	vst v3  }
0x10b: {  	[tilespmem:$0x1160] =	vst v3  }
0x10c: {  	[tilespmem:$0x1170] =	vst v3  }
0x10d: {  	[tilespmem:$0x1180] =	vst v3  }
0x10e: {  	[tilespmem:$0x1190] =	vst v3  }
0x10f: {  	[tilespmem:$0x11A0] =	vst v3  }
0x110: {  	[tilespmem:$0x11B0] =	vst v3  }
0x111: {  	[tilespmem:$0x11C0] =	vst v3  }
0x112: {  	[tilespmem:$0x11D0] =	vst v3  }
0x113: {  	[tilespmem:$0x11E0] =	vst v3  }
0x114: {  	[tilespmem:$0x11F0] =	vst v3  }
0x115: {  	_ =	swait.ge [sflag:s14], $0x6000  }
0x116: {  	[sflag:s14] =	ssyncset.done $0x0  }
0x117: {  	[sflag:s14] =	ssyncadd.s32 $0xFFFFA000  }
0x118: {  	[spmem:s4] =	stream.indirect.scatter.add.f32 [tilespmem:s12], [sflag:$0x3], $0x10, s10, s31, $0xb8;
	[tilespmem:$0x1D600] =	vst v63  }
0x119: {  	_ = 	snop  }
0x11a: {  	[spmem:s3] =	stream.indirect.scatter.add.f32 [tilespmem:s6], [sflag:$0x4], $0x10, s10, s31, $0xb8;
	[tilespmem:$0x1D600] =	vst v63  }
0x11b: {  	_ =	swait.ge [sflag:s29], $0x6000  }
0x11c: {  	[sflag:s29] =	ssyncset.done $0x0  }
0x11d: {  	[sflag:s29] =	ssyncadd.s32 $0xFFFFA000  }
0x11e: {  	_ =	swait.ge [sflag:s13], $0x6000  }
0x11f: {  	[sflag:s13] =	ssyncset.done $0x0  }
0x120: {  	[sflag:s13] =	ssyncadd.s32 $0xFFFFA000  }
0x121: {  	_ =	swait.ge [sflag:s11], $0x6000  }
0x122: {  	[sflag:s11] =	ssyncset.done $0x0  }
0x123: {  	[sflag:s11] =	ssyncadd.s32 $0xFFFFA000  }
0x124: {  	[spmem:s4] =	stream.indirect.scatter.add.f32 [tilespmem:s12], [sflag:$0x3], $0x10, s1, s31, $0xb8;
	[tilespmem:$0x1D600] =	vst v63  }
0x125: {  	_ = 	snop  }
0x126: {  	[spmem:s3] =	stream.indirect.scatter.add.f32 [tilespmem:s0], [sflag:$0x4], $0x10, s1, s31, $0xb8;
	[tilespmem:$0x1D600] =	vst v63  }
0x127: {  	_ =	swait.ge [sflag:s29], $0x6000  }
0x128: {  	[sflag:s29] =	ssyncset.done $0x0  }
0x129: {  	[sflag:s29] =	ssyncadd.s32 $0xFFFFA000  }
0x12a: {  	_ =	swait.ge [sflag:s13], $0x6000  }
0x12b: {  	[sflag:s13] =	ssyncset.done $0x0  }
0x12c: {  	[sflag:s13] =	ssyncadd.s32 $0xFFFFA000  }
0x12d: {  	s17 =	sshrl.u32 s8, $0x3;
	[bflag:$0x0] =	sbarrier.arrive $0xFFFF  }
0x12e: {  	[hbm:s20], [sflag:s7] =	dma.local [spmem:s17], $0x4F0  }
0x12f: {  	s15 =	sadd.s32 $0x1, s15;
	_ =	swait.ge [sflag:s29], $0x4F0  }
0x130: {  	p0 =	sne.s32 s15, s26;
	[sflag:s29] =	ssyncset.done $0x0  }
.Ltmp2:
0x131: {  	s17 =	sshrl.u32 s9, $0x3;
	[sflag:s29] =	ssyncadd.s32 $0xFFFFFB10;
	(pc) =	sbr.rel @p0 .LBB2_1-.Ltmp2, $4  }
0x132: {  	[hbm:s25], [sflag:s7] =	dma.local [spmem:s17], $0x4F0  }
0x133: {  	_ =	swait.ge [sflag:s29], $0x4F0  }
0x134: {  	[sflag:s29] =	ssyncset.done $0x0  }
0x135: {  	[sflag:s29] =	ssyncadd.s32 $0xFFFFFB10  }
0x136: {  	_ =	sfence.sel $0x180000  }
0x137: {  	[bflag:$0x0] =	sbarrier.arrive $0xFFFF  }
0x138: {  	_ =	strace $0x90000047  }
0x139: {  	s0 =	stileid.u32;
	[bflag:$0x2] =	sbarrier.arrive $0xFFFF  }
0x13a: {  	p0 =	sne.s32 s0, $0x0;
	s0 =	rddreg [dreg:$0x5]  }
0x13b: {  	s0 =	sadd.s32 @!p0 $0x100000, s0  }
0x13c: {  	[sflag:s0] =	ssyncadd.tile.s32 @!p0 $0x1;
	_ =	shalt  }
.Lfunc_end2:
_tile_overlayer_lowered:
.L_overlay_start_2:
0x13d: {  	(tag) =	ssettag $0x2  }
0x13e: {  	s0 =	rddreg [dreg:$0x0];
	s2 =	stileid.u32  }
0x13f: {  	s1 =	rddreg [dreg:$0x1];
	p0 =	sne.s32 s2, $0x0  }
0x140: {  	s3 =	rddreg [dreg:$0x2];
	[bflag:$0x3] =	sbarrier.arrive $0xFFFF;
	s2 =	simm.s32 @!p0 $0x1C04  }
0x141: {  	[timem:s3], [sflag:s2] =	dma.local @!p0 [hbm:s0], s1  }
0x142: {  	s0 =	simm.s32 @!p0 $0x4  }
0x143: {  	_ =	swait.ge @!p0 [sflag:s0], s1  }
0x144: {  	s1 =	ssub.s32 @!p0 $0x0, s1;
	[sflag:s0] =	ssyncset.done @!p0 $0x0  }
0x145: {  	[sflag:s0] =	ssyncadd.s32 @!p0 s1  }
0x146: {  	[bflag:$0x3] =	sbarrier.arrive $0xFFFF  }
0x147: {  	_ =	shalt  }

</sc_bundles>
